<compile_context>
chip_gen: v7x
topology: tpu7x:2x2x1
jax: 0.10.2.dev20260603
libtpu: 0.0.44.dev20260713+nightly
codegen_flags: <defaults>
</compile_context>

<pallas_src>
import functools

import jax
import jax.numpy as jnp
from jax import lax
from jax.experimental import pallas as pl
from jax.experimental.pallas import tpu as pltpu
from jax.experimental.pallas import tpu_sc as plsc

_NC = 2
_NS = 16
_K = 125
_G = 16
_CH = 80
_BN = 1000

_F32 = jnp.float32


def _dot(a, b):
    return lax.dot_general(a, b, (((a.ndim - 1,), (0,)), ((), ())),
                           precision=lax.Precision.DEFAULT,
                           preferred_element_type=_F32)



@functools.lru_cache(maxsize=None)
def _sc_agg_fn(n, d, e_rows):
    rw = e_rows // (_NC * _NS)
    nchunk = n // _CH
    ntrip = (nchunk + _NS - 1) // _NS
    mesh = plsc.VectorSubcoreMesh(core_axis_name="c", subcore_axis_name="s")

    out_type = jax.ShapeDtypeStruct((_NC * n, d), _F32)
    scratch = [
        pltpu.VMEM((_G, _K), jnp.int32),
        pltpu.VMEM((_G, _K), jnp.int32),
        pltpu.VMEM((_K, d), _F32),
        pltpu.VMEM((_K, d), _F32),
        pltpu.VMEM_SHARED((n, d), _F32),
        pltpu.SemaphoreType.DMA,
        pltpu.SemaphoreType.DMA,
    ]

    @functools.partial(pl.kernel, out_type=out_type, mesh=mesh,
                       scratch_types=scratch)
    def agg(table_h, e_h, z_h, out_h, srcv, dstv, rows0,
            rows1, acc, sem0, sem1):
        c = lax.axis_index("c")
        s = lax.axis_index("s")
        w = c * _NS + s

        @pl.loop(0, ntrip)
        def _(t):
            cid = s + t * _NS

            @pl.when(cid < nchunk)
            def _():
                off = cid * _CH
                pltpu.sync_copy(z_h.at[pl.ds(off, _CH)],
                                acc.at[pl.ds(off, _CH)])

        plsc.subcore_barrier()

        @pl.loop(0, rw // _G)
        def _(g):
            pltpu.sync_copy(e_h.at[0].at[pl.ds(w * rw + g * _G, _G)], srcv)
            pltpu.sync_copy(e_h.at[1].at[pl.ds(w * rw + g * _G, _G)], dstv)
            pltpu.async_copy(table_h.at[srcv.at[0]], rows0, sem0)

            @pl.loop(0, _G // 2)
            def _(p):
                j0 = 2 * p
                pltpu.make_async_copy(
                    table_h.at[srcv.at[j0]], rows0, sem0).wait()
                pltpu.async_copy(table_h.at[srcv.at[j0 + 1]], rows1, sem1)
                pltpu.sync_copy(rows0, acc.at[dstv.at[j0]], add=True)
                pltpu.make_async_copy(
                    table_h.at[srcv.at[j0 + 1]], rows1, sem1).wait()

                @pl.when(j0 + 2 < _G)
                def _():
                    pltpu.async_copy(
                        table_h.at[srcv.at[j0 + 2]], rows0, sem0)

                pltpu.sync_copy(rows1, acc.at[dstv.at[j0 + 1]], add=True)

        plsc.subcore_barrier()

        @pl.loop(0, ntrip)
        def _(t):
            cid = s + t * _NS

            @pl.when(cid < nchunk)
            def _():
                off = cid * _CH
                pltpu.sync_copy(acc.at[pl.ds(off, _CH)],
                                out_h.at[pl.ds(c * n + off, _CH)])

    return agg


@functools.lru_cache(maxsize=None)
def _sc_deg_fn(n, d, e_rows):
    rw = e_rows // (_NC * _NS)
    nchunk = n // _CH
    ntrip = (nchunk + _NS - 1) // _NS
    mesh = plsc.VectorSubcoreMesh(core_axis_name="c", subcore_axis_name="s")

    out_type = jax.ShapeDtypeStruct((_NC * n, d), _F32)
    scratch = [
        pltpu.VMEM((_G, _K), jnp.int32),
        pltpu.VMEM((_K, d), _F32),
        pltpu.VMEM_SHARED((n, d), _F32),
    ]

    @functools.partial(pl.kernel, out_type=out_type, mesh=mesh,
                       scratch_types=scratch)
    def deg(e_h, z_h, ones_h, out_h, dstv, onesv, acc):
        c = lax.axis_index("c")
        s = lax.axis_index("s")
        w = c * _NS + s
        pltpu.sync_copy(ones_h, onesv)

        @pl.loop(0, ntrip)
        def _(t):
            cid = s + t * _NS

            @pl.when(cid < nchunk)
            def _():
                off = cid * _CH
                pltpu.sync_copy(z_h.at[pl.ds(off, _CH)],
                                acc.at[pl.ds(off, _CH)])

        plsc.subcore_barrier()

        @pl.loop(0, rw // _G)
        def _(g):
            pltpu.sync_copy(e_h.at[1].at[pl.ds(w * rw + g * _G, _G)], dstv)

            @pl.loop(0, _G)
            def _(j):
                pltpu.sync_copy(onesv, acc.at[dstv.at[j]], add=True)

        plsc.subcore_barrier()

        @pl.loop(0, ntrip)
        def _(t):
            cid = s + t * _NS

            @pl.when(cid < nchunk)
            def _():
                off = cid * _CH
                pltpu.sync_copy(acc.at[pl.ds(off, _CH)],
                                out_h.at[pl.ds(c * n + off, _CH)])

    return deg




def _hca_body(h_ref, q_ref, r_ref, o_ref):
    q = q_ref[...]
    r = r_ref[0:1, :]
    hs = (h_ref[0], h_ref[1], h_ref[2])
    e = [jnp.sum(jnp.tanh(_dot(h, q)) * r, axis=1, keepdims=True) for h in hs]
    m = jnp.maximum(jnp.maximum(e[0], e[1]), e[2])
    x = [jnp.exp(ei - m) for ei in e]
    ssum = x[0] + x[1] + x[2]
    o_ref[...] = (x[0] * hs[0] + x[1] * hs[1] + x[2] * hs[2]) / ssum


def _hca(hiddens, q, r_pad):
    n, d = hiddens.shape[1], hiddens.shape[2]
    return pl.pallas_call(
        _hca_body,
        grid=(n // _BN,),
        in_specs=[
            pl.BlockSpec((3, _BN, d), lambda i: (0, i, 0)),
            pl.BlockSpec((d, d), lambda i: (0, 0)),
            pl.BlockSpec((8, d), lambda i: (0, 0)),
        ],
        out_specs=pl.BlockSpec((_BN, d), lambda i: (i, 0)),
        out_shape=jax.ShapeDtypeStruct((n, d), _F32),
    )(hiddens, q, r_pad)


def _layer_body(p_ref, d_ref, w_ref, o_ref):
    p = p_ref[0] + p_ref[1]
    deg = jnp.maximum(d_ref[0, :, 0:1] + d_ref[1, :, 0:1], 1.0)
    o_ref[...] = jnp.maximum(_dot(p / deg, w_ref[...]), 0.0)


def _layer(parts, degparts, wmat):
    n, d = parts.shape[1], parts.shape[2]
    return pl.pallas_call(
        _layer_body,
        grid=(n // _BN,),
        in_specs=[
            pl.BlockSpec((_NC, _BN, d), lambda i: (0, i, 0)),
            pl.BlockSpec((_NC, _BN, d), lambda i: (0, i, 0)),
            pl.BlockSpec((d, d), lambda i: (0, 0)),
        ],
        out_specs=pl.BlockSpec((_BN, d), lambda i: (i, 0)),
        out_shape=jax.ShapeDtypeStruct((n, d), _F32),
    )(parts, degparts, wmat)


def _final_body(p_ref, d_ref, s_ref, w2, wz, uz, wr, ur, wh, uh, o_ref):
    p = p_ref[0] + p_ref[1]
    deg = jnp.maximum(d_ref[0, :, 0:1] + d_ref[1, :, 0:1], 1.0)
    cur = jnp.maximum(_dot(p / deg, w2[...]), 0.0)
    sh = s_ref[...]
    z = jax.nn.sigmoid(_dot(cur, wz[...]) + _dot(sh, uz[...]))
    r = jax.nn.sigmoid(_dot(cur, wr[...]) + _dot(sh, ur[...]))
    ht = jnp.tanh(_dot(cur, wh[...]) + _dot(r * sh, uh[...]))
    h = (1.0 - z) * sh + z * ht
    o_ref[...] = jnp.maximum(h, 0.0)


def _final(parts, degparts, short, W2, Wz, Uz, Wr, Ur, Wh, Uh):
    n, d = parts.shape[1], parts.shape[2]
    wspec = pl.BlockSpec((d, d), lambda i: (0, 0))
    return pl.pallas_call(
        _final_body,
        grid=(n // _BN,),
        in_specs=[
            pl.BlockSpec((_NC, _BN, d), lambda i: (0, i, 0)),
            pl.BlockSpec((_NC, _BN, d), lambda i: (0, i, 0)),
            pl.BlockSpec((_BN, d), lambda i: (i, 0)),
        ] + [wspec] * 7,
        out_specs=pl.BlockSpec((_BN, d), lambda i: (i, 0)),
        out_shape=jax.ShapeDtypeStruct((n, d), _F32),
    )(parts, degparts, short, W2, Wz, Uz, Wr, Ur, Wh, Uh)



def kernel(edge_index, prev, hiddens, W1, W2, Q, r_att, Wz, Uz, Wr, Ur, Wh, Uh):
    n, d = prev.shape
    e = edge_index.shape[1]
    assert e % _K == 0 and (e // _K) % (_NC * _NS) == 0 and n % _CH == 0

    e_rows = e // _K
    edges3 = edge_index.reshape(2, e_rows, _K).astype(jnp.int32)
    zeros = jnp.zeros((n, d), _F32)
    ones = jnp.ones((_K, d), _F32)
    r_pad = jnp.zeros((8, d), _F32).at[0].set(r_att.astype(_F32))

    prev = prev.astype(_F32)

    parts1 = _sc_agg_fn(n, d, e_rows)(
        prev, edges3, zeros).reshape(_NC, n, d)
    degparts = _sc_deg_fn(n, d, e_rows)(
        edges3, zeros, ones).reshape(_NC, n, d)

    short = _hca(hiddens.astype(_F32), Q, r_pad)
    h1 = _layer(parts1, degparts, W1)

    parts2 = _sc_agg_fn(n, d, e_rows)(
        h1, edges3, zeros).reshape(_NC, n, d)

    return _final(parts2, degparts, short, W2, Wz, Uz, Wr, Ur, Wh, Uh)

# --- scband reference (transcript-rebuilt; emitter-appended) ---
"""Pipeline reference for scband-add-graph-28767690949393 (READ-ONLY COPY).

The authoritative reference and input builder live on the scoring server;
editing this copy changes nothing except your own understanding.
"""

import jax, jax.numpy as jnp
import numpy as np

N_NODES = 10000
D = 128
N_EDGES = 320000
N_WINDOW = 3


def setup_inputs(seed: int = 0) -> dict:
    key = jax.random.key(seed)
    ks = jax.random.split(key, 16)
    edge_index = jax.random.randint(ks[0], (2, N_EDGES), 0, N_NODES)
    # temporal window of hidden node states (AddGraph keeps nb_window past hiddens)
    hiddens = jax.random.uniform(ks[1], (N_WINDOW, N_NODES, D))
    prev = hiddens[-1]
    s = 1.0 / np.sqrt(D)
    # GCN layer weights (layers_dims=[128,128], bias=False)
    W1 = jax.random.normal(ks[2], (D, D)) * s
    W2 = jax.random.normal(ks[3], (D, D)) * s
    # HCA (contextual attention) params
    Q = jax.random.normal(ks[4], (D, D)) * s
    r_att = jax.random.normal(ks[5], (D,)) * s
    # GRU (mirrored) params: input_dim = layers_dims[-1]=128, output_dim = layers_dims[0]=128
    Wz = jax.random.normal(ks[6], (D, D)) * s
    Uz = jax.random.normal(ks[7], (D, D)) * s
    Wr = jax.random.normal(ks[8], (D, D)) * s
    Ur = jax.random.normal(ks[9], (D, D)) * s
    Wh = jax.random.normal(ks[10], (D, D)) * s
    Uh = jax.random.normal(ks[11], (D, D)) * s
    return {"edge_index": edge_index, "prev": prev, "hiddens": hiddens,
            "W1": W1, "W2": W2, "Q": Q, "r_att": r_att,
            "Wz": Wz, "Uz": Uz, "Wr": Wr, "Ur": Ur, "Wh": Wh, "Uh": Uh}


def reference(edge_index, prev, hiddens, W1, W2, Q, r_att, Wz, Uz, Wr, Ur, Wh, Uh):
    src = edge_index[0]
    dst = edge_index[1]

    def gcn_layer(h, Wmat):
        # sparse A @ h via gather + scatter-add (segment_sum), degree-normalized
        msg = jnp.take(h, src, axis=0)                      # gather [E, D]
        agg = jax.ops.segment_sum(msg, dst, num_segments=N_NODES)
        deg = jax.ops.segment_sum(jnp.ones((N_EDGES,), dtype=h.dtype), dst,
                                  num_segments=N_NODES)
        agg = agg / jnp.clip(deg, 1.0)[:, None]
        return jax.nn.relu(agg @ Wmat)

    # GCN over the previous hidden state (2 layers, bias=False, act=ReLU)
    h1 = gcn_layer(prev, W1)
    current = gcn_layer(h1, W2)

    # HCA: contextual attention over the window of past hidden states
    e = jnp.tanh(hiddens @ Q) @ r_att                      # [W, N]
    attn = jax.nn.softmax(e, axis=0)                        # softmax over window
    short = jnp.sum(attn[:, :, None] * hiddens, axis=0)     # [N, D]

    # GRU (mirrored), gates via Sigmoid
    z = jax.nn.sigmoid(current @ Wz + short @ Uz)
    r = jax.nn.sigmoid(current @ Wr + short @ Ur)
    h_tilde = jnp.tanh(current @ Wh + (r * short) @ Uh)
    h = (1.0 - z) * short + z * h_tilde

    # outer activation (self.act = ReLU)
    return jax.nn.relu(h)

if __name__ == "__main__":
    import jax
    _d = setup_inputs()
    print(jax.jit(kernel)(*tuple(_d.values())))

</pallas_src>

<mosaic_0001>
#map = affine_map<(d0, d1) -> (0, 0)>
#map1 = affine_map<(d0, d1) -> (0, 0, 0)>
module attributes {stable_mosaic.version = 14 : i64} {
  func.func @agg(%arg0: i32, %arg1: i32, %arg2: memref<10000x128xf32, #tpu.memory_space<hbm>>, %arg3: memref<2x2560x125xi32, #tpu.memory_space<hbm>>, %arg4: memref<10000x128xf32, #tpu.memory_space<hbm>>, %arg5: memref<20000x128xf32, #tpu.memory_space<hbm>>, %arg6: memref<16x125xi32, #tpu.memory_space<vmem>>, %arg7: memref<16x125xi32, #tpu.memory_space<vmem>>, %arg8: memref<125x128xf32, #tpu.memory_space<vmem>>, %arg9: memref<125x128xf32, #tpu.memory_space<vmem>>, %arg10: memref<10000x128xf32, #tpu.memory_space<vmem_shared>>, %arg11: memref<!tpu.dma_semaphore, #tpu.memory_space<semaphore_mem>>, %arg12: memref<!tpu.dma_semaphore, #tpu.memory_space<semaphore_mem>>) attributes {dimension_semantics = [#tpu.dimension_semantics<core_parallel>, #tpu.dimension_semantics<subcore_parallel>], iteration_bounds = array<i64: 2, 16>, scalar_prefetch = 0 : i64, scratch_operands = 7 : i64, tpu.core_type = #tpu.core_type<sc_vector_subcore>, window_params = [{transform_indices = #map}, {transform_indices = #map1}, {transform_indices = #map}, {transform_indices = #map}]} {
    %mul3A = arith.constant 16 : i32
    %mul3A_0 = arith.muli %arg0, %mul3A : i32
    %add3A = arith.addi %mul3A_0, %arg1 : i32
    %scan3A = arith.constant 0 : i32
    %scan3A_1 = arith.constant 8 : i32
    %scan3A_2 = arith.addi %scan3A, %scan3A_1 : i32
    %scan3A_3 = arith.constant 1 : i32
    scf.for %scan3A_16 = %scan3A to %scan3A_2 step %scan3A_3  : i32 {
      %mul3A_17 = arith.constant 1 : i32
      %mul3A_18 = arith.muli %scan3A_16, %mul3A_17 : i32
      %add3A_19 = arith.constant 0 : i32
      %add3A_20 = arith.addi %add3A_19, %mul3A_18 : i32
      %mul3A_21 = arith.constant 16 : i32
      %mul3A_22 = arith.muli %add3A_20, %mul3A_21 : i32
      %add3A_23 = arith.addi %arg1, %mul3A_22 : i32
      %lt3A = arith.constant 125 : i32
      %lt3A_24 = arith.cmpi slt, %add3A_23, %lt3A : i32
      %convert_element_type3A = arith.extui %lt3A_24 : i1 to i32
      %cond3A = arith.constant 0 : i32
      %cond3A_25 = arith.cmpi ne, %convert_element_type3A, %cond3A : i32
      scf.if %cond3A_25 {
        %mul3A_26 = arith.constant 80 : i32
        %mul3A_27 = arith.muli %add3A_23, %mul3A_26 : i32
        "tpu.region"() ({
          %run_scoped3A = tpu.sem_alloc : memref<!tpu.dma_semaphore, #tpu.memory_space<semaphore_mem>>
          %dma_start3A = arith.constant 0 : i32
          %dma_start3A_28 = tpu.memref_slice %arg10[%mul3A_27, %dma_start3A] : memref<10000x128xf32, #tpu.memory_space<vmem_shared>> -> memref<80x128xf32, #tpu.memory_space<vmem_shared>>
          %dma_start3A_29 = arith.constant 0 : i32
          %dma_start3A_30 = tpu.memref_slice %arg4[%mul3A_27, %dma_start3A_29] : memref<10000x128xf32, #tpu.memory_space<hbm>> -> memref<80x128xf32, #tpu.memory_space<hbm>>
          tpu.enqueue_dma source(%dma_start3A_30 : memref<80x128xf32, #tpu.memory_space<hbm>>) target(%dma_start3A_28 : memref<80x128xf32, #tpu.memory_space<vmem_shared>>) target_semaphore(%run_scoped3A : memref<!tpu.dma_semaphore, #tpu.memory_space<semaphore_mem>>)
          %dma_wait3A = arith.constant 0 : i32
          %dma_wait3A_31 = tpu.memref_slice %arg10[%mul3A_27, %dma_wait3A] : memref<10000x128xf32, #tpu.memory_space<vmem_shared>> -> memref<80x128xf32, #tpu.memory_space<vmem_shared>>
          %dma_wait3A_32 = arith.constant 0 : i32
          %dma_wait3A_33 = tpu.memref_slice %arg4[%mul3A_27, %dma_wait3A_32] : memref<10000x128xf32, #tpu.memory_space<hbm>> -> memref<80x128xf32, #tpu.memory_space<hbm>>
          tpu.wait_dma2 semaphore(%run_scoped3A : memref<!tpu.dma_semaphore, #tpu.memory_space<semaphore_mem>>) src(%dma_wait3A_33 : memref<80x128xf32, #tpu.memory_space<hbm>>) dst(%dma_wait3A_31 : memref<80x128xf32, #tpu.memory_space<vmem_shared>>)
          tpu.yield
        }) : () -> ()
      } else {
      }
    }
    %scan3A_4 = arith.constant 8 : i32
    %barrier3A = arith.constant 0 : index
    tpu.barrier barrier_id(%barrier3A)
    %scan3A_5 = arith.constant 0 : i32
    %scan3A_6 = arith.constant 5 : i32
    %scan3A_7 = arith.addi %scan3A_5, %scan3A_6 : i32
    %scan3A_8 = arith.constant 1 : i32
    scf.for %scan3A_16 = %scan3A_5 to %scan3A_7 step %scan3A_8  : i32 {
      %mul3A_17 = arith.constant 1 : i32
      %mul3A_18 = arith.muli %scan3A_16, %mul3A_17 : i32
      %add3A_19 = arith.constant 0 : i32
      %add3A_20 = arith.addi %add3A_19, %mul3A_18 : i32
      %mul3A_21 = arith.constant 80 : i32
      %mul3A_22 = arith.muli %add3A, %mul3A_21 : i32
      %mul3A_23 = arith.constant 16 : i32
      %mul3A_24 = arith.muli %add3A_20, %mul3A_23 : i32
      %add3A_25 = arith.addi %mul3A_22, %mul3A_24 : i32
      %run_scoped3A = arith.constant 0 : i32
      "tpu.region"() ({
        %run_scoped3A_43 = tpu.sem_alloc : memref<!tpu.dma_semaphore, #tpu.memory_space<semaphore_mem>>
        %dma_start3A_44 = arith.constant 0 : i32
        %dma_start3A_45 = arith.constant 0 : i32
        %dma_start3A_46 = tpu.memref_slice %arg3[%run_scoped3A, %dma_start3A_44, %dma_start3A_45] : memref<2x2560x125xi32, #tpu.memory_space<hbm>> -> memref<1x2560x125xi32, #tpu.memory_space<hbm>>
        %dma_start3A_47 = tpu.memref_squeeze %dma_start3A_46 : memref<1x2560x125xi32, #tpu.memory_space<hbm>> -> memref<2560x125xi32, #tpu.memory_space<hbm>>
        %dma_start3A_48 = arith.constant 0 : i32
        %dma_start3A_49 = tpu.memref_slice %dma_start3A_47[%add3A_25, %dma_start3A_48] : memref<2560x125xi32, #tpu.memory_space<hbm>> -> memref<16x125xi32, #tpu.memory_space<hbm>>
        %dma_start3A_50 = arith.constant 0 : i32
        %dma_start3A_51 = arith.constant 0 : i32
        %dma_start3A_52 = tpu.memref_slice %arg3[%run_scoped3A, %dma_start3A_50, %dma_start3A_51] : memref<2x2560x125xi32, #tpu.memory_space<hbm>> -> memref<1x2560x125xi32, #tpu.memory_space<hbm>>
        %dma_start3A_53 = tpu.memref_squeeze %dma_start3A_52 : memref<1x2560x125xi32, #tpu.memory_space<hbm>> -> memref<2560x125xi32, #tpu.memory_space<hbm>>
        %dma_start3A_54 = arith.constant 0 : i32
        %dma_start3A_55 = tpu.memref_slice %dma_start3A_53[%add3A_25, %dma_start3A_54] : memref<2560x125xi32, #tpu.memory_space<hbm>> -> memref<16x125xi32, #tpu.memory_space<hbm>>
        tpu.enqueue_dma source(%dma_start3A_55 : memref<16x125xi32, #tpu.memory_space<hbm>>) target(%arg6 : memref<16x125xi32, #tpu.memory_space<vmem>>) target_semaphore(%run_scoped3A_43 : memref<!tpu.dma_semaphore, #tpu.memory_space<semaphore_mem>>)
        %dma_wait3A = arith.constant 0 : i32
        %dma_wait3A_56 = arith.constant 0 : i32
        %dma_wait3A_57 = tpu.memref_slice %arg3[%run_scoped3A, %dma_wait3A, %dma_wait3A_56] : memref<2x2560x125xi32, #tpu.memory_space<hbm>> -> memref<1x2560x125xi32, #tpu.memory_space<hbm>>
        %dma_wait3A_58 = tpu.memref_squeeze %dma_wait3A_57 : memref<1x2560x125xi32, #tpu.memory_space<hbm>> -> memref<2560x125xi32, #tpu.memory_space<hbm>>
        %dma_wait3A_59 = arith.constant 0 : i32
        %dma_wait3A_60 = tpu.memref_slice %dma_wait3A_58[%add3A_25, %dma_wait3A_59] : memref<2560x125xi32, #tpu.memory_space<hbm>> -> memref<16x125xi32, #tpu.memory_space<hbm>>
        %dma_wait3A_61 = arith.constant 0 : i32
        %dma_wait3A_62 = arith.constant 0 : i32
        %dma_wait3A_63 = tpu.memref_slice %arg3[%run_scoped3A, %dma_wait3A_61, %dma_wait3A_62] : memref<2x2560x125xi32, #tpu.memory_space<hbm>> -> memref<1x2560x125xi32, #tpu.memory_space<hbm>>
        %dma_wait3A_64 = tpu.memref_squeeze %dma_wait3A_63 : memref<1x2560x125xi32, #tpu.memory_space<hbm>> -> memref<2560x125xi32, #tpu.memory_space<hbm>>
        %dma_wait3A_65 = arith.constant 0 : i32
        %dma_wait3A_66 = tpu.memref_slice %dma_wait3A_64[%add3A_25, %dma_wait3A_65] : memref<2560x125xi32, #tpu.memory_space<hbm>> -> memref<16x125xi32, #tpu.memory_space<hbm>>
        tpu.wait_dma2 semaphore(%run_scoped3A_43 : memref<!tpu.dma_semaphore, #tpu.memory_space<semaphore_mem>>) src(%dma_wait3A_66 : memref<16x125xi32, #tpu.memory_space<hbm>>) dst(%arg6 : memref<16x125xi32, #tpu.memory_space<vmem>>)
        tpu.yield
      }) : () -> ()
      %mul3A_26 = arith.constant 80 : i32
      %mul3A_27 = arith.muli %add3A, %mul3A_26 : i32
      %mul3A_28 = arith.constant 16 : i32
      %mul3A_29 = arith.muli %add3A_20, %mul3A_28 : i32
      %add3A_30 = arith.addi %mul3A_27, %mul3A_29 : i32
      %run_scoped3A_31 = arith.constant 1 : i32
      "tpu.region"() ({
        %run_scoped3A_43 = tpu.sem_alloc : memref<!tpu.dma_semaphore, #tpu.memory_space<semaphore_mem>>
        %dma_start3A_44 = arith.constant 0 : i32
        %dma_start3A_45 = arith.constant 0 : i32
        %dma_start3A_46 = tpu.memref_slice %arg3[%run_scoped3A_31, %dma_start3A_44, %dma_start3A_45] : memref<2x2560x125xi32, #tpu.memory_space<hbm>> -> memref<1x2560x125xi32, #tpu.memory_space<hbm>>
        %dma_start3A_47 = tpu.memref_squeeze %dma_start3A_46 : memref<1x2560x125xi32, #tpu.memory_space<hbm>> -> memref<2560x125xi32, #tpu.memory_space<hbm>>
        %dma_start3A_48 = arith.constant 0 : i32
        %dma_start3A_49 = tpu.memref_slice %dma_start3A_47[%add3A_30, %dma_start3A_48] : memref<2560x125xi32, #tpu.memory_space<hbm>> -> memref<16x125xi32, #tpu.memory_space<hbm>>
        %dma_start3A_50 = arith.constant 0 : i32
        %dma_start3A_51 = arith.constant 0 : i32
        %dma_start3A_52 = tpu.memref_slice %arg3[%run_scoped3A_31, %dma_start3A_50, %dma_start3A_51] : memref<2x2560x125xi32, #tpu.memory_space<hbm>> -> memref<1x2560x125xi32, #tpu.memory_space<hbm>>
        %dma_start3A_53 = tpu.memref_squeeze %dma_start3A_52 : memref<1x2560x125xi32, #tpu.memory_space<hbm>> -> memref<2560x125xi32, #tpu.memory_space<hbm>>
        %dma_start3A_54 = arith.constant 0 : i32
        %dma_start3A_55 = tpu.memref_slice %dma_start3A_53[%add3A_30, %dma_start3A_54] : memref<2560x125xi32, #tpu.memory_space<hbm>> -> memref<16x125xi32, #tpu.memory_space<hbm>>
        tpu.enqueue_dma source(%dma_start3A_55 : memref<16x125xi32, #tpu.memory_space<hbm>>) target(%arg7 : memref<16x125xi32, #tpu.memory_space<vmem>>) target_semaphore(%run_scoped3A_43 : memref<!tpu.dma_semaphore, #tpu.memory_space<semaphore_mem>>)
        %dma_wait3A = arith.constant 0 : i32
        %dma_wait3A_56 = arith.constant 0 : i32
        %dma_wait3A_57 = tpu.memref_slice %arg3[%run_scoped3A_31, %dma_wait3A, %dma_wait3A_56] : memref<2x2560x125xi32, #tpu.memory_space<hbm>> -> memref<1x2560x125xi32, #tpu.memory_space<hbm>>
        %dma_wait3A_58 = tpu.memref_squeeze %dma_wait3A_57 : memref<1x2560x125xi32, #tpu.memory_space<hbm>> -> memref<2560x125xi32, #tpu.memory_space<hbm>>
        %dma_wait3A_59 = arith.constant 0 : i32
        %dma_wait3A_60 = tpu.memref_slice %dma_wait3A_58[%add3A_30, %dma_wait3A_59] : memref<2560x125xi32, #tpu.memory_space<hbm>> -> memref<16x125xi32, #tpu.memory_space<hbm>>
        %dma_wait3A_61 = arith.constant 0 : i32
        %dma_wait3A_62 = arith.constant 0 : i32
        %dma_wait3A_63 = tpu.memref_slice %arg3[%run_scoped3A_31, %dma_wait3A_61, %dma_wait3A_62] : memref<2x2560x125xi32, #tpu.memory_space<hbm>> -> memref<1x2560x125xi32, #tpu.memory_space<hbm>>
        %dma_wait3A_64 = tpu.memref_squeeze %dma_wait3A_63 : memref<1x2560x125xi32, #tpu.memory_space<hbm>> -> memref<2560x125xi32, #tpu.memory_space<hbm>>
        %dma_wait3A_65 = arith.constant 0 : i32
        %dma_wait3A_66 = tpu.memref_slice %dma_wait3A_64[%add3A_30, %dma_wait3A_65] : memref<2560x125xi32, #tpu.memory_space<hbm>> -> memref<16x125xi32, #tpu.memory_space<hbm>>
        tpu.wait_dma2 semaphore(%run_scoped3A_43 : memref<!tpu.dma_semaphore, #tpu.memory_space<semaphore_mem>>) src(%dma_wait3A_66 : memref<16x125xi32, #tpu.memory_space<hbm>>) dst(%arg7 : memref<16x125xi32, #tpu.memory_space<vmem>>)
        tpu.yield
      }) : () -> ()
      %dma_start3A = arith.constant 0 : i32
      %dma_start3A_32 = arith.constant 0 : i32
      %dma_start3A_33 = tpu.memref_slice %arg6[%dma_start3A, %dma_start3A_32] : memref<16x125xi32, #tpu.memory_space<vmem>> -> memref<1x125xi32, #tpu.memory_space<vmem>>
      %dma_start3A_34 = tpu.memref_squeeze %dma_start3A_33 : memref<1x125xi32, #tpu.memory_space<vmem>> -> memref<125xi32, #tpu.memory_space<vmem>>
      %dma_start3A_35 = arith.constant 0 : i32
      %dma_start3A_36 = arith.constant 0 : i32
      %dma_start3A_37 = tpu.memref_slice %arg2[%dma_start3A_35, %dma_start3A_36] : memref<10000x128xf32, #tpu.memory_space<hbm>> -> memref<10000x128xf32, #tpu.memory_space<hbm>>
      tpu.enqueue_indirect_dma source(%dma_start3A_37 : memref<10000x128xf32, #tpu.memory_space<hbm>>) target(%arg8 : memref<125x128xf32, #tpu.memory_space<vmem>>) offsets(%dma_start3A_34 : memref<125xi32, #tpu.memory_space<vmem>>) semaphore(%arg11 : memref<!tpu.dma_semaphore, #tpu.memory_space<semaphore_mem>>)
      %scan3A_38 = arith.constant 0 : i32
      %scan3A_39 = arith.constant 8 : i32
      %scan3A_40 = arith.addi %scan3A_38, %scan3A_39 : i32
      %scan3A_41 = arith.constant 1 : i32
      scf.for %scan3A_43 = %scan3A_38 to %scan3A_40 step %scan3A_41  : i32 {
        %mul3A_44 = arith.constant 1 : i32
        %mul3A_45 = arith.muli %scan3A_43, %mul3A_44 : i32
        %add3A_46 = arith.constant 0 : i32
        %add3A_47 = arith.addi %add3A_46, %mul3A_45 : i32
        %mul3A_48 = arith.constant 2 : i32
        %mul3A_49 = arith.muli %mul3A_48, %add3A_47 : i32
        %dma_wait3A = arith.constant 0 : i32
        %dma_wait3A_50 = tpu.memref_slice %arg6[%mul3A_49, %dma_wait3A] : memref<16x125xi32, #tpu.memory_space<vmem>> -> memref<1x125xi32, #tpu.memory_space<vmem>>
        %dma_wait3A_51 = tpu.memref_squeeze %dma_wait3A_50 : memref<1x125xi32, #tpu.memory_space<vmem>> -> memref<125xi32, #tpu.memory_space<vmem>>
        %dma_wait3A_52 = arith.constant 0 : i32
        %dma_wait3A_53 = arith.constant 0 : i32
        %dma_wait3A_54 = tpu.memref_slice %arg2[%dma_wait3A_52, %dma_wait3A_53] : memref<10000x128xf32, #tpu.memory_space<hbm>> -> memref<10000x128xf32, #tpu.memory_space<hbm>>
        tpu.wait_indirect_dma semaphore(%arg11 : memref<!tpu.dma_semaphore, #tpu.memory_space<semaphore_mem>>) src(%dma_wait3A_54 : memref<10000x128xf32, #tpu.memory_space<hbm>>) dst(%arg8 : memref<125x128xf32, #tpu.memory_space<vmem>>)
        %add3A_55 = arith.constant 1 : i32
        %add3A_56 = arith.addi %mul3A_49, %add3A_55 : i32
        %dma_start3A_57 = arith.constant 0 : i32
        %dma_start3A_58 = tpu.memref_slice %arg6[%add3A_56, %dma_start3A_57] : memref<16x125xi32, #tpu.memory_space<vmem>> -> memref<1x125xi32, #tpu.memory_space<vmem>>
        %dma_start3A_59 = tpu.memref_squeeze %dma_start3A_58 : memref<1x125xi32, #tpu.memory_space<vmem>> -> memref<125xi32, #tpu.memory_space<vmem>>
        %dma_start3A_60 = arith.constant 0 : i32
        %dma_start3A_61 = arith.constant 0 : i32
        %dma_start3A_62 = tpu.memref_slice %arg2[%dma_start3A_60, %dma_start3A_61] : memref<10000x128xf32, #tpu.memory_space<hbm>> -> memref<10000x128xf32, #tpu.memory_space<hbm>>
        tpu.enqueue_indirect_dma source(%dma_start3A_62 : memref<10000x128xf32, #tpu.memory_space<hbm>>) target(%arg9 : memref<125x128xf32, #tpu.memory_space<vmem>>) offsets(%dma_start3A_59 : memref<125xi32, #tpu.memory_space<vmem>>) semaphore(%arg12 : memref<!tpu.dma_semaphore, #tpu.memory_space<semaphore_mem>>)
        "tpu.region"() ({
          %run_scoped3A_77 = tpu.sem_alloc : memref<!tpu.dma_semaphore, #tpu.memory_space<semaphore_mem>>
          %dma_start3A_78 = arith.constant 0 : i32
          %dma_start3A_79 = tpu.memref_slice %arg7[%mul3A_49, %dma_start3A_78] : memref<16x125xi32, #tpu.memory_space<vmem>> -> memref<1x125xi32, #tpu.memory_space<vmem>>
          %dma_start3A_80 = tpu.memref_squeeze %dma_start3A_79 : memref<1x125xi32, #tpu.memory_space<vmem>> -> memref<125xi32, #tpu.memory_space<vmem>>
          %dma_start3A_81 = arith.constant 0 : i32
          %dma_start3A_82 = arith.constant 0 : i32
          %dma_start3A_83 = tpu.memref_slice %arg10[%dma_start3A_81, %dma_start3A_82] : memref<10000x128xf32, #tpu.memory_space<vmem_shared>> -> memref<10000x128xf32, #tpu.memory_space<vmem_shared>>
          tpu.enqueue_indirect_dma source(%arg8 : memref<125x128xf32, #tpu.memory_space<vmem>>) target(%dma_start3A_83 : memref<10000x128xf32, #tpu.memory_space<vmem_shared>>) offsets(%dma_start3A_80 : memref<125xi32, #tpu.memory_space<vmem>>) semaphore(%run_scoped3A_77 : memref<!tpu.dma_semaphore, #tpu.memory_space<semaphore_mem>>) {add = true}
          %dma_wait3A_84 = arith.constant 0 : i32
          %dma_wait3A_85 = tpu.memref_slice %arg7[%mul3A_49, %dma_wait3A_84] : memref<16x125xi32, #tpu.memory_space<vmem>> -> memref<1x125xi32, #tpu.memory_space<vmem>>
          %dma_wait3A_86 = tpu.memref_squeeze %dma_wait3A_85 : memref<1x125xi32, #tpu.memory_space<vmem>> -> memref<125xi32, #tpu.memory_space<vmem>>
          %dma_wait3A_87 = arith.constant 0 : i32
          %dma_wait3A_88 = arith.constant 0 : i32
          %dma_wait3A_89 = tpu.memref_slice %arg10[%dma_wait3A_87, %dma_wait3A_88] : memref<10000x128xf32, #tpu.memory_space<vmem_shared>> -> memref<10000x128xf32, #tpu.memory_space<vmem_shared>>
          tpu.wait_indirect_dma semaphore(%run_scoped3A_77 : memref<!tpu.dma_semaphore, #tpu.memory_space<semaphore_mem>>) src(%arg8 : memref<125x128xf32, #tpu.memory_space<vmem>>) dst(%dma_wait3A_89 : memref<10000x128xf32, #tpu.memory_space<vmem_shared>>)
          tpu.yield
        }) : () -> ()
        %add3A_63 = arith.constant 1 : i32
        %add3A_64 = arith.addi %mul3A_49, %add3A_63 : i32
        %dma_wait3A_65 = arith.constant 0 : i32
        %dma_wait3A_66 = tpu.memref_slice %arg6[%add3A_64, %dma_wait3A_65] : memref<16x125xi32, #tpu.memory_space<vmem>> -> memref<1x125xi32, #tpu.memory_space<vmem>>
        %dma_wait3A_67 = tpu.memref_squeeze %dma_wait3A_66 : memref<1x125xi32, #tpu.memory_space<vmem>> -> memref<125xi32, #tpu.memory_space<vmem>>
        %dma_wait3A_68 = arith.constant 0 : i32
        %dma_wait3A_69 = arith.constant 0 : i32
        %dma_wait3A_70 = tpu.memref_slice %arg2[%dma_wait3A_68, %dma_wait3A_69] : memref<10000x128xf32, #tpu.memory_space<hbm>> -> memref<10000x128xf32, #tpu.memory_space<hbm>>
        tpu.wait_indirect_dma semaphore(%arg12 : memref<!tpu.dma_semaphore, #tpu.memory_space<semaphore_mem>>) src(%dma_wait3A_70 : memref<10000x128xf32, #tpu.memory_space<hbm>>) dst(%arg9 : memref<125x128xf32, #tpu.memory_space<vmem>>)
        %add3A_71 = arith.constant 2 : i32
        %add3A_72 = arith.addi %mul3A_49, %add3A_71 : i32
        %lt3A = arith.constant 16 : i32
        %lt3A_73 = arith.cmpi slt, %add3A_72, %lt3A : i32
        %convert_element_type3A = arith.extui %lt3A_73 : i1 to i32
        %cond3A = arith.constant 0 : i32
        %cond3A_74 = arith.cmpi ne, %convert_element_type3A, %cond3A : i32
        scf.if %cond3A_74 {
          %add3A_77 = arith.constant 2 : i32
          %add3A_78 = arith.addi %mul3A_49, %add3A_77 : i32
          %dma_start3A_79 = arith.constant 0 : i32
          %dma_start3A_80 = tpu.memref_slice %arg6[%add3A_78, %dma_start3A_79] : memref<16x125xi32, #tpu.memory_space<vmem>> -> memref<1x125xi32, #tpu.memory_space<vmem>>
          %dma_start3A_81 = tpu.memref_squeeze %dma_start3A_80 : memref<1x125xi32, #tpu.memory_space<vmem>> -> memref<125xi32, #tpu.memory_space<vmem>>
          %dma_start3A_82 = arith.constant 0 : i32
          %dma_start3A_83 = arith.constant 0 : i32
          %dma_start3A_84 = tpu.memref_slice %arg2[%dma_start3A_82, %dma_start3A_83] : memref<10000x128xf32, #tpu.memory_space<hbm>> -> memref<10000x128xf32, #tpu.memory_space<hbm>>
          tpu.enqueue_indirect_dma source(%dma_start3A_84 : memref<10000x128xf32, #tpu.memory_space<hbm>>) target(%arg8 : memref<125x128xf32, #tpu.memory_space<vmem>>) offsets(%dma_start3A_81 : memref<125xi32, #tpu.memory_space<vmem>>) semaphore(%arg11 : memref<!tpu.dma_semaphore, #tpu.memory_space<semaphore_mem>>)
        } else {
        }
        %add3A_75 = arith.constant 1 : i32
        %add3A_76 = arith.addi %mul3A_49, %add3A_75 : i32
        "tpu.region"() ({
          %run_scoped3A_77 = tpu.sem_alloc : memref<!tpu.dma_semaphore, #tpu.memory_space<semaphore_mem>>
          %dma_start3A_78 = arith.constant 0 : i32
          %dma_start3A_79 = tpu.memref_slice %arg7[%add3A_76, %dma_start3A_78] : memref<16x125xi32, #tpu.memory_space<vmem>> -> memref<1x125xi32, #tpu.memory_space<vmem>>
          %dma_start3A_80 = tpu.memref_squeeze %dma_start3A_79 : memref<1x125xi32, #tpu.memory_space<vmem>> -> memref<125xi32, #tpu.memory_space<vmem>>
          %dma_start3A_81 = arith.constant 0 : i32
          %dma_start3A_82 = arith.constant 0 : i32
          %dma_start3A_83 = tpu.memref_slice %arg10[%dma_start3A_81, %dma_start3A_82] : memref<10000x128xf32, #tpu.memory_space<vmem_shared>> -> memref<10000x128xf32, #tpu.memory_space<vmem_shared>>
          tpu.enqueue_indirect_dma source(%arg9 : memref<125x128xf32, #tpu.memory_space<vmem>>) target(%dma_start3A_83 : memref<10000x128xf32, #tpu.memory_space<vmem_shared>>) offsets(%dma_start3A_80 : memref<125xi32, #tpu.memory_space<vmem>>) semaphore(%run_scoped3A_77 : memref<!tpu.dma_semaphore, #tpu.memory_space<semaphore_mem>>) {add = true}
          %dma_wait3A_84 = arith.constant 0 : i32
          %dma_wait3A_85 = tpu.memref_slice %arg7[%add3A_76, %dma_wait3A_84] : memref<16x125xi32, #tpu.memory_space<vmem>> -> memref<1x125xi32, #tpu.memory_space<vmem>>
          %dma_wait3A_86 = tpu.memref_squeeze %dma_wait3A_85 : memref<1x125xi32, #tpu.memory_space<vmem>> -> memref<125xi32, #tpu.memory_space<vmem>>
          %dma_wait3A_87 = arith.constant 0 : i32
          %dma_wait3A_88 = arith.constant 0 : i32
          %dma_wait3A_89 = tpu.memref_slice %arg10[%dma_wait3A_87, %dma_wait3A_88] : memref<10000x128xf32, #tpu.memory_space<vmem_shared>> -> memref<10000x128xf32, #tpu.memory_space<vmem_shared>>
          tpu.wait_indirect_dma semaphore(%run_scoped3A_77 : memref<!tpu.dma_semaphore, #tpu.memory_space<semaphore_mem>>) src(%arg9 : memref<125x128xf32, #tpu.memory_space<vmem>>) dst(%dma_wait3A_89 : memref<10000x128xf32, #tpu.memory_space<vmem_shared>>)
          tpu.yield
        }) : () -> ()
      }
      %scan3A_42 = arith.constant 8 : i32
    }
    %scan3A_9 = arith.constant 5 : i32
    %barrier3A_10 = arith.constant 0 : index
    tpu.barrier barrier_id(%barrier3A_10)
    %scan3A_11 = arith.constant 0 : i32
    %scan3A_12 = arith.constant 8 : i32
    %scan3A_13 = arith.addi %scan3A_11, %scan3A_12 : i32
    %scan3A_14 = arith.constant 1 : i32
    scf.for %scan3A_16 = %scan3A_11 to %scan3A_13 step %scan3A_14  : i32 {
      %mul3A_17 = arith.constant 1 : i32
      %mul3A_18 = arith.muli %scan3A_16, %mul3A_17 : i32
      %add3A_19 = arith.constant 0 : i32
      %add3A_20 = arith.addi %add3A_19, %mul3A_18 : i32
      %mul3A_21 = arith.constant 16 : i32
      %mul3A_22 = arith.muli %add3A_20, %mul3A_21 : i32
      %add3A_23 = arith.addi %arg1, %mul3A_22 : i32
      %lt3A = arith.constant 125 : i32
      %lt3A_24 = arith.cmpi slt, %add3A_23, %lt3A : i32
      %convert_element_type3A = arith.extui %lt3A_24 : i1 to i32
      %cond3A = arith.constant 0 : i32
      %cond3A_25 = arith.cmpi ne, %convert_element_type3A, %cond3A : i32
      scf.if %cond3A_25 {
        %mul3A_26 = arith.constant 80 : i32
        %mul3A_27 = arith.muli %add3A_23, %mul3A_26 : i32
        %mul3A_28 = arith.constant 10000 : i32
        %mul3A_29 = arith.muli %arg0, %mul3A_28 : i32
        %add3A_30 = arith.addi %mul3A_29, %mul3A_27 : i32
        "tpu.region"() ({
          %run_scoped3A = tpu.sem_alloc : memref<!tpu.dma_semaphore, #tpu.memory_space<semaphore_mem>>
          %dma_start3A = arith.constant 0 : i32
          %dma_start3A_31 = tpu.memref_slice %arg5[%add3A_30, %dma_start3A] : memref<20000x128xf32, #tpu.memory_space<hbm>> -> memref<80x128xf32, #tpu.memory_space<hbm>>
          %dma_start3A_32 = arith.constant 0 : i32
          %dma_start3A_33 = tpu.memref_slice %arg10[%mul3A_27, %dma_start3A_32] : memref<10000x128xf32, #tpu.memory_space<vmem_shared>> -> memref<80x128xf32, #tpu.memory_space<vmem_shared>>
          tpu.enqueue_dma source(%dma_start3A_33 : memref<80x128xf32, #tpu.memory_space<vmem_shared>>) target(%dma_start3A_31 : memref<80x128xf32, #tpu.memory_space<hbm>>) target_semaphore(%run_scoped3A : memref<!tpu.dma_semaphore, #tpu.memory_space<semaphore_mem>>)
          %dma_wait3A = arith.constant 0 : i32
          %dma_wait3A_34 = tpu.memref_slice %arg5[%add3A_30, %dma_wait3A] : memref<20000x128xf32, #tpu.memory_space<hbm>> -> memref<80x128xf32, #tpu.memory_space<hbm>>
          %dma_wait3A_35 = arith.constant 0 : i32
          %dma_wait3A_36 = tpu.memref_slice %arg10[%mul3A_27, %dma_wait3A_35] : memref<10000x128xf32, #tpu.memory_space<vmem_shared>> -> memref<80x128xf32, #tpu.memory_space<vmem_shared>>
          tpu.wait_dma2 semaphore(%run_scoped3A : memref<!tpu.dma_semaphore, #tpu.memory_space<semaphore_mem>>) src(%dma_wait3A_36 : memref<80x128xf32, #tpu.memory_space<vmem_shared>>) dst(%dma_wait3A_34 : memref<80x128xf32, #tpu.memory_space<hbm>>)
          tpu.yield
        }) : () -> ()
      } else {
      }
    }
    %scan3A_15 = arith.constant 8 : i32
    return
  }
}

#map = affine_map<(d0, d1) -> (0, 0)>
#map1 = affine_map<(d0, d1) -> (0, 0, 0)>
module attributes {stable_mosaic.version = 14 : i64} {
  func.func @agg(%arg0: i32, %arg1: i32, %arg2: memref<10000x128xf32, #tpu.memory_space<hbm>>, %arg3: memref<2x2560x125xi32, #tpu.memory_space<hbm>>, %arg4: memref<10000x128xf32, #tpu.memory_space<hbm>>, %arg5: memref<20000x128xf32, #tpu.memory_space<hbm>>, %arg6: memref<16x125xi32, #tpu.memory_space<vmem>>, %arg7: memref<16x125xi32, #tpu.memory_space<vmem>>, %arg8: memref<125x128xf32, #tpu.memory_space<vmem>>, %arg9: memref<125x128xf32, #tpu.memory_space<vmem>>, %arg10: memref<10000x128xf32, #tpu.memory_space<vmem_shared>>, %arg11: memref<!tpu.dma_semaphore, #tpu.memory_space<semaphore_mem>>, %arg12: memref<!tpu.dma_semaphore, #tpu.memory_space<semaphore_mem>>) attributes {dimension_semantics = [#tpu.dimension_semantics<core_parallel>, #tpu.dimension_semantics<subcore_parallel>], iteration_bounds = array<i64: 2, 16>, scalar_prefetch = 0 : i64, scratch_operands = 7 : i64, tpu.core_type = #tpu.core_type<sc_vector_subcore>, window_params = [{transform_indices = #map}, {transform_indices = #map1}, {transform_indices = #map}, {transform_indices = #map}]} {
    %mul3A = arith.constant 16 : i32
    %mul3A_0 = arith.muli %arg0, %mul3A : i32
    %add3A = arith.addi %mul3A_0, %arg1 : i32
    %scan3A = arith.constant 0 : i32
    %scan3A_1 = arith.constant 8 : i32
    %scan3A_2 = arith.addi %scan3A, %scan3A_1 : i32
    %scan3A_3 = arith.constant 1 : i32
    scf.for %scan3A_16 = %scan3A to %scan3A_2 step %scan3A_3  : i32 {
      %mul3A_17 = arith.constant 1 : i32
      %mul3A_18 = arith.muli %scan3A_16, %mul3A_17 : i32
      %add3A_19 = arith.constant 0 : i32
      %add3A_20 = arith.addi %add3A_19, %mul3A_18 : i32
      %mul3A_21 = arith.constant 16 : i32
      %mul3A_22 = arith.muli %add3A_20, %mul3A_21 : i32
      %add3A_23 = arith.addi %arg1, %mul3A_22 : i32
      %lt3A = arith.constant 125 : i32
      %lt3A_24 = arith.cmpi slt, %add3A_23, %lt3A : i32
      %convert_element_type3A = arith.extui %lt3A_24 : i1 to i32
      %cond3A = arith.constant 0 : i32
      %cond3A_25 = arith.cmpi ne, %convert_element_type3A, %cond3A : i32
      scf.if %cond3A_25 {
        %mul3A_26 = arith.constant 80 : i32
        %mul3A_27 = arith.muli %add3A_23, %mul3A_26 : i32
        "tpu.region"() ({
          %run_scoped3A = tpu.sem_alloc : memref<!tpu.dma_semaphore, #tpu.memory_space<semaphore_mem>>
          %dma_start3A = arith.constant 0 : i32
          %dma_start3A_28 = tpu.memref_slice %arg10[%mul3A_27, %dma_start3A] : memref<10000x128xf32, #tpu.memory_space<vmem_shared>> -> memref<80x128xf32, #tpu.memory_space<vmem_shared>>
          %dma_start3A_29 = arith.constant 0 : i32
          %dma_start3A_30 = tpu.memref_slice %arg4[%mul3A_27, %dma_start3A_29] : memref<10000x128xf32, #tpu.memory_space<hbm>> -> memref<80x128xf32, #tpu.memory_space<hbm>>
          tpu.enqueue_dma source(%dma_start3A_30 : memref<80x128xf32, #tpu.memory_space<hbm>>) target(%dma_start3A_28 : memref<80x128xf32, #tpu.memory_space<vmem_shared>>) target_semaphore(%run_scoped3A : memref<!tpu.dma_semaphore, #tpu.memory_space<semaphore_mem>>)
          %dma_wait3A = arith.constant 0 : i32
          %dma_wait3A_31 = tpu.memref_slice %arg10[%mul3A_27, %dma_wait3A] : memref<10000x128xf32, #tpu.memory_space<vmem_shared>> -> memref<80x128xf32, #tpu.memory_space<vmem_shared>>
          %dma_wait3A_32 = arith.constant 0 : i32
          %dma_wait3A_33 = tpu.memref_slice %arg4[%mul3A_27, %dma_wait3A_32] : memref<10000x128xf32, #tpu.memory_space<hbm>> -> memref<80x128xf32, #tpu.memory_space<hbm>>
          tpu.wait_dma2 semaphore(%run_scoped3A : memref<!tpu.dma_semaphore, #tpu.memory_space<semaphore_mem>>) src(%dma_wait3A_33 : memref<80x128xf32, #tpu.memory_space<hbm>>) dst(%dma_wait3A_31 : memref<80x128xf32, #tpu.memory_space<vmem_shared>>)
          tpu.yield
        }) : () -> ()
      } else {
      }
    }
    %scan3A_4 = arith.constant 8 : i32
    %barrier3A = arith.constant 0 : index
    tpu.barrier barrier_id(%barrier3A)
    %scan3A_5 = arith.constant 0 : i32
    %scan3A_6 = arith.constant 5 : i32
    %scan3A_7 = arith.addi %scan3A_5, %scan3A_6 : i32
    %scan3A_8 = arith.constant 1 : i32
    scf.for %scan3A_16 = %scan3A_5 to %scan3A_7 step %scan3A_8  : i32 {
      %mul3A_17 = arith.constant 1 : i32
      %mul3A_18 = arith.muli %scan3A_16, %mul3A_17 : i32
      %add3A_19 = arith.constant 0 : i32
      %add3A_20 = arith.addi %add3A_19, %mul3A_18 : i32
      %mul3A_21 = arith.constant 80 : i32
      %mul3A_22 = arith.muli %add3A, %mul3A_21 : i32
      %mul3A_23 = arith.constant 16 : i32
      %mul3A_24 = arith.muli %add3A_20, %mul3A_23 : i32
      %add3A_25 = arith.addi %mul3A_22, %mul3A_24 : i32
      %run_scoped3A = arith.constant 0 : i32
      "tpu.region"() ({
        %run_scoped3A_43 = tpu.sem_alloc : memref<!tpu.dma_semaphore, #tpu.memory_space<semaphore_mem>>
        %dma_start3A_44 = arith.constant 0 : i32
        %dma_start3A_45 = arith.constant 0 : i32
        %dma_start3A_46 = tpu.memref_slice %arg3[%run_scoped3A, %dma_start3A_44, %dma_start3A_45] : memref<2x2560x125xi32, #tpu.memory_space<hbm>> -> memref<1x2560x125xi32, #tpu.memory_space<hbm>>
        %dma_start3A_47 = tpu.memref_squeeze %dma_start3A_46 : memref<1x2560x125xi32, #tpu.memory_space<hbm>> -> memref<2560x125xi32, #tpu.memory_space<hbm>>
        %dma_start3A_48 = arith.constant 0 : i32
        %dma_start3A_49 = tpu.memref_slice %dma_start3A_47[%add3A_25, %dma_start3A_48] : memref<2560x125xi32, #tpu.memory_space<hbm>> -> memref<16x125xi32, #tpu.memory_space<hbm>>
        %dma_start3A_50 = arith.constant 0 : i32
        %dma_start3A_51 = arith.constant 0 : i32
        %dma_start3A_52 = tpu.memref_slice %arg3[%run_scoped3A, %dma_start3A_50, %dma_start3A_51] : memref<2x2560x125xi32, #tpu.memory_space<hbm>> -> memref<1x2560x125xi32, #tpu.memory_space<hbm>>
        %dma_start3A_53 = tpu.memref_squeeze %dma_start3A_52 : memref<1x2560x125xi32, #tpu.memory_space<hbm>> -> memref<2560x125xi32, #tpu.memory_space<hbm>>
        %dma_start3A_54 = arith.constant 0 : i32
        %dma_start3A_55 = tpu.memref_slice %dma_start3A_53[%add3A_25, %dma_start3A_54] : memref<2560x125xi32, #tpu.memory_space<hbm>> -> memref<16x125xi32, #tpu.memory_space<hbm>>
        tpu.enqueue_dma source(%dma_start3A_55 : memref<16x125xi32, #tpu.memory_space<hbm>>) target(%arg6 : memref<16x125xi32, #tpu.memory_space<vmem>>) target_semaphore(%run_scoped3A_43 : memref<!tpu.dma_semaphore, #tpu.memory_space<semaphore_mem>>)
        %dma_wait3A = arith.constant 0 : i32
        %dma_wait3A_56 = arith.constant 0 : i32
        %dma_wait3A_57 = tpu.memref_slice %arg3[%run_scoped3A, %dma_wait3A, %dma_wait3A_56] : memref<2x2560x125xi32, #tpu.memory_space<hbm>> -> memref<1x2560x125xi32, #tpu.memory_space<hbm>>
        %dma_wait3A_58 = tpu.memref_squeeze %dma_wait3A_57 : memref<1x2560x125xi32, #tpu.memory_space<hbm>> -> memref<2560x125xi32, #tpu.memory_space<hbm>>
        %dma_wait3A_59 = arith.constant 0 : i32
        %dma_wait3A_60 = tpu.memref_slice %dma_wait3A_58[%add3A_25, %dma_wait3A_59] : memref<2560x125xi32, #tpu.memory_space<hbm>> -> memref<16x125xi32, #tpu.memory_space<hbm>>
        %dma_wait3A_61 = arith.constant 0 : i32
        %dma_wait3A_62 = arith.constant 0 : i32
        %dma_wait3A_63 = tpu.memref_slice %arg3[%run_scoped3A, %dma_wait3A_61, %dma_wait3A_62] : memref<2x2560x125xi32, #tpu.memory_space<hbm>> -> memref<1x2560x125xi32, #tpu.memory_space<hbm>>
        %dma_wait3A_64 = tpu.memref_squeeze %dma_wait3A_63 : memref<1x2560x125xi32, #tpu.memory_space<hbm>> -> memref<2560x125xi32, #tpu.memory_space<hbm>>
        %dma_wait3A_65 = arith.constant 0 : i32
        %dma_wait3A_66 = tpu.memref_slice %dma_wait3A_64[%add3A_25, %dma_wait3A_65] : memref<2560x125xi32, #tpu.memory_space<hbm>> -> memref<16x125xi32, #tpu.memory_space<hbm>>
        tpu.wait_dma2 semaphore(%run_scoped3A_43 : memref<!tpu.dma_semaphore, #tpu.memory_space<semaphore_mem>>) src(%dma_wait3A_66 : memref<16x125xi32, #tpu.memory_space<hbm>>) dst(%arg6 : memref<16x125xi32, #tpu.memory_space<vmem>>)
        tpu.yield
      }) : () -> ()
      %mul3A_26 = arith.constant 80 : i32
      %mul3A_27 = arith.muli %add3A, %mul3A_26 : i32
      %mul3A_28 = arith.constant 16 : i32
      %mul3A_29 = arith.muli %add3A_20, %mul3A_28 : i32
      %add3A_30 = arith.addi %mul3A_27, %mul3A_29 : i32
      %run_scoped3A_31 = arith.constant 1 : i32
      "tpu.region"() ({
        %run_scoped3A_43 = tpu.sem_alloc : memref<!tpu.dma_semaphore, #tpu.memory_space<semaphore_mem>>
        %dma_start3A_44 = arith.constant 0 : i32
        %dma_start3A_45 = arith.constant 0 : i32
        %dma_start3A_46 = tpu.memref_slice %arg3[%run_scoped3A_31, %dma_start3A_44, %dma_start3A_45] : memref<2x2560x125xi32, #tpu.memory_space<hbm>> -> memref<1x2560x125xi32, #tpu.memory_space<hbm>>
        %dma_start3A_47 = tpu.memref_squeeze %dma_start3A_46 : memref<1x2560x125xi32, #tpu.memory_space<hbm>> -> memref<2560x125xi32, #tpu.memory_space<hbm>>
        %dma_start3A_48 = arith.constant 0 : i32
        %dma_start3A_49 = tpu.memref_slice %dma_start3A_47[%add3A_30, %dma_start3A_48] : memref<2560x125xi32, #tpu.memory_space<hbm>> -> memref<16x125xi32, #tpu.memory_space<hbm>>
        %dma_start3A_50 = arith.constant 0 : i32
        %dma_start3A_51 = arith.constant 0 : i32
        %dma_start3A_52 = tpu.memref_slice %arg3[%run_scoped3A_31, %dma_start3A_50, %dma_start3A_51] : memref<2x2560x125xi32, #tpu.memory_space<hbm>> -> memref<1x2560x125xi32, #tpu.memory_space<hbm>>
        %dma_start3A_53 = tpu.memref_squeeze %dma_start3A_52 : memref<1x2560x125xi32, #tpu.memory_space<hbm>> -> memref<2560x125xi32, #tpu.memory_space<hbm>>
        %dma_start3A_54 = arith.constant 0 : i32
        %dma_start3A_55 = tpu.memref_slice %dma_start3A_53[%add3A_30, %dma_start3A_54] : memref<2560x125xi32, #tpu.memory_space<hbm>> -> memref<16x125xi32, #tpu.memory_space<hbm>>
        tpu.enqueue_dma source(%dma_start3A_55 : memref<16x125xi32, #tpu.memory_space<hbm>>) target(%arg7 : memref<16x125xi32, #tpu.memory_space<vmem>>) target_semaphore(%run_scoped3A_43 : memref<!tpu.dma_semaphore, #tpu.memory_space<semaphore_mem>>)
        %dma_wait3A = arith.constant 0 : i32
        %dma_wait3A_56 = arith.constant 0 : i32
        %dma_wait3A_57 = tpu.memref_slice %arg3[%run_scoped3A_31, %dma_wait3A, %dma_wait3A_56] : memref<2x2560x125xi32, #tpu.memory_space<hbm>> -> memref<1x2560x125xi32, #tpu.memory_space<hbm>>
        %dma_wait3A_58 = tpu.memref_squeeze %dma_wait3A_57 : memref<1x2560x125xi32, #tpu.memory_space<hbm>> -> memref<2560x125xi32, #tpu.memory_space<hbm>>
        %dma_wait3A_59 = arith.constant 0 : i32
        %dma_wait3A_60 = tpu.memref_slice %dma_wait3A_58[%add3A_30, %dma_wait3A_59] : memref<2560x125xi32, #tpu.memory_space<hbm>> -> memref<16x125xi32, #tpu.memory_space<hbm>>
        %dma_wait3A_61 = arith.constant 0 : i32
        %dma_wait3A_62 = arith.constant 0 : i32
        %dma_wait3A_63 = tpu.memref_slice %arg3[%run_scoped3A_31, %dma_wait3A_61, %dma_wait3A_62] : memref<2x2560x125xi32, #tpu.memory_space<hbm>> -> memref<1x2560x125xi32, #tpu.memory_space<hbm>>
        %dma_wait3A_64 = tpu.memref_squeeze %dma_wait3A_63 : memref<1x2560x125xi32, #tpu.memory_space<hbm>> -> memref<2560x125xi32, #tpu.memory_space<hbm>>
        %dma_wait3A_65 = arith.constant 0 : i32
        %dma_wait3A_66 = tpu.memref_slice %dma_wait3A_64[%add3A_30, %dma_wait3A_65] : memref<2560x125xi32, #tpu.memory_space<hbm>> -> memref<16x125xi32, #tpu.memory_space<hbm>>
        tpu.wait_dma2 semaphore(%run_scoped3A_43 : memref<!tpu.dma_semaphore, #tpu.memory_space<semaphore_mem>>) src(%dma_wait3A_66 : memref<16x125xi32, #tpu.memory_space<hbm>>) dst(%arg7 : memref<16x125xi32, #tpu.memory_space<vmem>>)
        tpu.yield
      }) : () -> ()
      %dma_start3A = arith.constant 0 : i32
      %dma_start3A_32 = arith.constant 0 : i32
      %dma_start3A_33 = tpu.memref_slice %arg6[%dma_start3A, %dma_start3A_32] : memref<16x125xi32, #tpu.memory_space<vmem>> -> memref<1x125xi32, #tpu.memory_space<vmem>>
      %dma_start3A_34 = tpu.memref_squeeze %dma_start3A_33 : memref<1x125xi32, #tpu.memory_space<vmem>> -> memref<125xi32, #tpu.memory_space<vmem>>
      %dma_start3A_35 = arith.constant 0 : i32
      %dma_start3A_36 = arith.constant 0 : i32
      %dma_start3A_37 = tpu.memref_slice %arg2[%dma_start3A_35, %dma_start3A_36] : memref<10000x128xf32, #tpu.memory_space<hbm>> -> memref<10000x128xf32, #tpu.memory_space<hbm>>
      tpu.enqueue_indirect_dma source(%dma_start3A_37 : memref<10000x128xf32, #tpu.memory_space<hbm>>) target(%arg8 : memref<125x128xf32, #tpu.memory_space<vmem>>) offsets(%dma_start3A_34 : memref<125xi32, #tpu.memory_space<vmem>>) semaphore(%arg11 : memref<!tpu.dma_semaphore, #tpu.memory_space<semaphore_mem>>)
      %scan3A_38 = arith.constant 0 : i32
      %scan3A_39 = arith.constant 8 : i32
      %scan3A_40 = arith.addi %scan3A_38, %scan3A_39 : i32
      %scan3A_41 = arith.constant 1 : i32
      scf.for %scan3A_43 = %scan3A_38 to %scan3A_40 step %scan3A_41  : i32 {
        %mul3A_44 = arith.constant 1 : i32
        %mul3A_45 = arith.muli %scan3A_43, %mul3A_44 : i32
        %add3A_46 = arith.constant 0 : i32
        %add3A_47 = arith.addi %add3A_46, %mul3A_45 : i32
        %mul3A_48 = arith.constant 2 : i32
        %mul3A_49 = arith.muli %mul3A_48, %add3A_47 : i32
        %dma_wait3A = arith.constant 0 : i32
        %dma_wait3A_50 = tpu.memref_slice %arg6[%mul3A_49, %dma_wait3A] : memref<16x125xi32, #tpu.memory_space<vmem>> -> memref<1x125xi32, #tpu.memory_space<vmem>>
        %dma_wait3A_51 = tpu.memref_squeeze %dma_wait3A_50 : memref<1x125xi32, #tpu.memory_space<vmem>> -> memref<125xi32, #tpu.memory_space<vmem>>
        %dma_wait3A_52 = arith.constant 0 : i32
        %dma_wait3A_53 = arith.constant 0 : i32
        %dma_wait3A_54 = tpu.memref_slice %arg2[%dma_wait3A_52, %dma_wait3A_53] : memref<10000x128xf32, #tpu.memory_space<hbm>> -> memref<10000x128xf32, #tpu.memory_space<hbm>>
        tpu.wait_indirect_dma semaphore(%arg11 : memref<!tpu.dma_semaphore, #tpu.memory_space<semaphore_mem>>) src(%dma_wait3A_54 : memref<10000x128xf32, #tpu.memory_space<hbm>>) dst(%arg8 : memref<125x128xf32, #tpu.memory_space<vmem>>)
        %add3A_55 = arith.constant 1 : i32
        %add3A_56 = arith.addi %mul3A_49, %add3A_55 : i32
        %dma_start3A_57 = arith.constant 0 : i32
        %dma_start3A_58 = tpu.memref_slice %arg6[%add3A_56, %dma_start3A_57] : memref<16x125xi32, #tpu.memory_space<vmem>> -> memref<1x125xi32, #tpu.memory_space<vmem>>
        %dma_start3A_59 = tpu.memref_squeeze %dma_start3A_58 : memref<1x125xi32, #tpu.memory_space<vmem>> -> memref<125xi32, #tpu.memory_space<vmem>>
        %dma_start3A_60 = arith.constant 0 : i32
        %dma_start3A_61 = arith.constant 0 : i32
        %dma_start3A_62 = tpu.memref_slice %arg2[%dma_start3A_60, %dma_start3A_61] : memref<10000x128xf32, #tpu.memory_space<hbm>> -> memref<10000x128xf32, #tpu.memory_space<hbm>>
        tpu.enqueue_indirect_dma source(%dma_start3A_62 : memref<10000x128xf32, #tpu.memory_space<hbm>>) target(%arg9 : memref<125x128xf32, #tpu.memory_space<vmem>>) offsets(%dma_start3A_59 : memref<125xi32, #tpu.memory_space<vmem>>) semaphore(%arg12 : memref<!tpu.dma_semaphore, #tpu.memory_space<semaphore_mem>>)
        "tpu.region"() ({
          %run_scoped3A_77 = tpu.sem_alloc : memref<!tpu.dma_semaphore, #tpu.memory_space<semaphore_mem>>
          %dma_start3A_78 = arith.constant 0 : i32
          %dma_start3A_79 = tpu.memref_slice %arg7[%mul3A_49, %dma_start3A_78] : memref<16x125xi32, #tpu.memory_space<vmem>> -> memref<1x125xi32, #tpu.memory_space<vmem>>
          %dma_start3A_80 = tpu.memref_squeeze %dma_start3A_79 : memref<1x125xi32, #tpu.memory_space<vmem>> -> memref<125xi32, #tpu.memory_space<vmem>>
          %dma_start3A_81 = arith.constant 0 : i32
          %dma_start3A_82 = arith.constant 0 : i32
          %dma_start3A_83 = tpu.memref_slice %arg10[%dma_start3A_81, %dma_start3A_82] : memref<10000x128xf32, #tpu.memory_space<vmem_shared>> -> memref<10000x128xf32, #tpu.memory_space<vmem_shared>>
          tpu.enqueue_indirect_dma source(%arg8 : memref<125x128xf32, #tpu.memory_space<vmem>>) target(%dma_start3A_83 : memref<10000x128xf32, #tpu.memory_space<vmem_shared>>) offsets(%dma_start3A_80 : memref<125xi32, #tpu.memory_space<vmem>>) semaphore(%run_scoped3A_77 : memref<!tpu.dma_semaphore, #tpu.memory_space<semaphore_mem>>) {add = true}
          %dma_wait3A_84 = arith.constant 0 : i32
          %dma_wait3A_85 = tpu.memref_slice %arg7[%mul3A_49, %dma_wait3A_84] : memref<16x125xi32, #tpu.memory_space<vmem>> -> memref<1x125xi32, #tpu.memory_space<vmem>>
          %dma_wait3A_86 = tpu.memref_squeeze %dma_wait3A_85 : memref<1x125xi32, #tpu.memory_space<vmem>> -> memref<125xi32, #tpu.memory_space<vmem>>
          %dma_wait3A_87 = arith.constant 0 : i32
          %dma_wait3A_88 = arith.constant 0 : i32
          %dma_wait3A_89 = tpu.memref_slice %arg10[%dma_wait3A_87, %dma_wait3A_88] : memref<10000x128xf32, #tpu.memory_space<vmem_shared>> -> memref<10000x128xf32, #tpu.memory_space<vmem_shared>>
          tpu.wait_indirect_dma semaphore(%run_scoped3A_77 : memref<!tpu.dma_semaphore, #tpu.memory_space<semaphore_mem>>) src(%arg8 : memref<125x128xf32, #tpu.memory_space<vmem>>) dst(%dma_wait3A_89 : memref<10000x128xf32, #tpu.memory_space<vmem_shared>>)
          tpu.yield
        }) : () -> ()
        %add3A_63 = arith.constant 1 : i32
        %add3A_64 = arith.addi %mul3A_49, %add3A_63 : i32
        %dma_wait3A_65 = arith.constant 0 : i32
        %dma_wait3A_66 = tpu.memref_slice %arg6[%add3A_64, %dma_wait3A_65] : memref<16x125xi32, #tpu.memory_space<vmem>> -> memref<1x125xi32, #tpu.memory_space<vmem>>
        %dma_wait3A_67 = tpu.memref_squeeze %dma_wait3A_66 : memref<1x125xi32, #tpu.memory_space<vmem>> -> memref<125xi32, #tpu.memory_space<vmem>>
        %dma_wait3A_68 = arith.constant 0 : i32
        %dma_wait3A_69 = arith.constant 0 : i32
        %dma_wait3A_70 = tpu.memref_slice %arg2[%dma_wait3A_68, %dma_wait3A_69] : memref<10000x128xf32, #tpu.memory_space<hbm>> -> memref<10000x128xf32, #tpu.memory_space<hbm>>
        tpu.wait_indirect_dma semaphore(%arg12 : memref<!tpu.dma_semaphore, #tpu.memory_space<semaphore_mem>>) src(%dma_wait3A_70 : memref<10000x128xf32, #tpu.memory_space<hbm>>) dst(%arg9 : memref<125x128xf32, #tpu.memory_space<vmem>>)
        %add3A_71 = arith.constant 2 : i32
        %add3A_72 = arith.addi %mul3A_49, %add3A_71 : i32
        %lt3A = arith.constant 16 : i32
        %lt3A_73 = arith.cmpi slt, %add3A_72, %lt3A : i32
        %convert_element_type3A = arith.extui %lt3A_73 : i1 to i32
        %cond3A = arith.constant 0 : i32
        %cond3A_74 = arith.cmpi ne, %convert_element_type3A, %cond3A : i32
        scf.if %cond3A_74 {
          %add3A_77 = arith.constant 2 : i32
          %add3A_78 = arith.addi %mul3A_49, %add3A_77 : i32
          %dma_start3A_79 = arith.constant 0 : i32
          %dma_start3A_80 = tpu.memref_slice %arg6[%add3A_78, %dma_start3A_79] : memref<16x125xi32, #tpu.memory_space<vmem>> -> memref<1x125xi32, #tpu.memory_space<vmem>>
          %dma_start3A_81 = tpu.memref_squeeze %dma_start3A_80 : memref<1x125xi32, #tpu.memory_space<vmem>> -> memref<125xi32, #tpu.memory_space<vmem>>
          %dma_start3A_82 = arith.constant 0 : i32
          %dma_start3A_83 = arith.constant 0 : i32
          %dma_start3A_84 = tpu.memref_slice %arg2[%dma_start3A_82, %dma_start3A_83] : memref<10000x128xf32, #tpu.memory_space<hbm>> -> memref<10000x128xf32, #tpu.memory_space<hbm>>
          tpu.enqueue_indirect_dma source(%dma_start3A_84 : memref<10000x128xf32, #tpu.memory_space<hbm>>) target(%arg8 : memref<125x128xf32, #tpu.memory_space<vmem>>) offsets(%dma_start3A_81 : memref<125xi32, #tpu.memory_space<vmem>>) semaphore(%arg11 : memref<!tpu.dma_semaphore, #tpu.memory_space<semaphore_mem>>)
        } else {
        }
        %add3A_75 = arith.constant 1 : i32
        %add3A_76 = arith.addi %mul3A_49, %add3A_75 : i32
        "tpu.region"() ({
          %run_scoped3A_77 = tpu.sem_alloc : memref<!tpu.dma_semaphore, #tpu.memory_space<semaphore_mem>>
          %dma_start3A_78 = arith.constant 0 : i32
          %dma_start3A_79 = tpu.memref_slice %arg7[%add3A_76, %dma_start3A_78] : memref<16x125xi32, #tpu.memory_space<vmem>> -> memref<1x125xi32, #tpu.memory_space<vmem>>
          %dma_start3A_80 = tpu.memref_squeeze %dma_start3A_79 : memref<1x125xi32, #tpu.memory_space<vmem>> -> memref<125xi32, #tpu.memory_space<vmem>>
          %dma_start3A_81 = arith.constant 0 : i32
          %dma_start3A_82 = arith.constant 0 : i32
          %dma_start3A_83 = tpu.memref_slice %arg10[%dma_start3A_81, %dma_start3A_82] : memref<10000x128xf32, #tpu.memory_space<vmem_shared>> -> memref<10000x128xf32, #tpu.memory_space<vmem_shared>>
          tpu.enqueue_indirect_dma source(%arg9 : memref<125x128xf32, #tpu.memory_space<vmem>>) target(%dma_start3A_83 : memref<10000x128xf32, #tpu.memory_space<vmem_shared>>) offsets(%dma_start3A_80 : memref<125xi32, #tpu.memory_space<vmem>>) semaphore(%run_scoped3A_77 : memref<!tpu.dma_semaphore, #tpu.memory_space<semaphore_mem>>) {add = true}
          %dma_wait3A_84 = arith.constant 0 : i32
          %dma_wait3A_85 = tpu.memref_slice %arg7[%add3A_76, %dma_wait3A_84] : memref<16x125xi32, #tpu.memory_space<vmem>> -> memref<1x125xi32, #tpu.memory_space<vmem>>
          %dma_wait3A_86 = tpu.memref_squeeze %dma_wait3A_85 : memref<1x125xi32, #tpu.memory_space<vmem>> -> memref<125xi32, #tpu.memory_space<vmem>>
          %dma_wait3A_87 = arith.constant 0 : i32
          %dma_wait3A_88 = arith.constant 0 : i32
          %dma_wait3A_89 = tpu.memref_slice %arg10[%dma_wait3A_87, %dma_wait3A_88] : memref<10000x128xf32, #tpu.memory_space<vmem_shared>> -> memref<10000x128xf32, #tpu.memory_space<vmem_shared>>
          tpu.wait_indirect_dma semaphore(%run_scoped3A_77 : memref<!tpu.dma_semaphore, #tpu.memory_space<semaphore_mem>>) src(%arg9 : memref<125x128xf32, #tpu.memory_space<vmem>>) dst(%dma_wait3A_89 : memref<10000x128xf32, #tpu.memory_space<vmem_shared>>)
          tpu.yield
        }) : () -> ()
      }
      %scan3A_42 = arith.constant 8 : i32
    }
    %scan3A_9 = arith.constant 5 : i32
    %barrier3A_10 = arith.constant 0 : index
    tpu.barrier barrier_id(%barrier3A_10)
    %scan3A_11 = arith.constant 0 : i32
    %scan3A_12 = arith.constant 8 : i32
    %scan3A_13 = arith.addi %scan3A_11, %scan3A_12 : i32
    %scan3A_14 = arith.constant 1 : i32
    scf.for %scan3A_16 = %scan3A_11 to %scan3A_13 step %scan3A_14  : i32 {
      %mul3A_17 = arith.constant 1 : i32
      %mul3A_18 = arith.muli %scan3A_16, %mul3A_17 : i32
      %add3A_19 = arith.constant 0 : i32
      %add3A_20 = arith.addi %add3A_19, %mul3A_18 : i32
      %mul3A_21 = arith.constant 16 : i32
      %mul3A_22 = arith.muli %add3A_20, %mul3A_21 : i32
      %add3A_23 = arith.addi %arg1, %mul3A_22 : i32
      %lt3A = arith.constant 125 : i32
      %lt3A_24 = arith.cmpi slt, %add3A_23, %lt3A : i32
      %convert_element_type3A = arith.extui %lt3A_24 : i1 to i32
      %cond3A = arith.constant 0 : i32
      %cond3A_25 = arith.cmpi ne, %convert_element_type3A, %cond3A : i32
      scf.if %cond3A_25 {
        %mul3A_26 = arith.constant 80 : i32
        %mul3A_27 = arith.muli %add3A_23, %mul3A_26 : i32
        %mul3A_28 = arith.constant 10000 : i32
        %mul3A_29 = arith.muli %arg0, %mul3A_28 : i32
        %add3A_30 = arith.addi %mul3A_29, %mul3A_27 : i32
        "tpu.region"() ({
          %run_scoped3A = tpu.sem_alloc : memref<!tpu.dma_semaphore, #tpu.memory_space<semaphore_mem>>
          %dma_start3A = arith.constant 0 : i32
          %dma_start3A_31 = tpu.memref_slice %arg5[%add3A_30, %dma_start3A] : memref<20000x128xf32, #tpu.memory_space<hbm>> -> memref<80x128xf32, #tpu.memory_space<hbm>>
          %dma_start3A_32 = arith.constant 0 : i32
          %dma_start3A_33 = tpu.memref_slice %arg10[%mul3A_27, %dma_start3A_32] : memref<10000x128xf32, #tpu.memory_space<vmem_shared>> -> memref<80x128xf32, #tpu.memory_space<vmem_shared>>
          tpu.enqueue_dma source(%dma_start3A_33 : memref<80x128xf32, #tpu.memory_space<vmem_shared>>) target(%dma_start3A_31 : memref<80x128xf32, #tpu.memory_space<hbm>>) target_semaphore(%run_scoped3A : memref<!tpu.dma_semaphore, #tpu.memory_space<semaphore_mem>>)
          %dma_wait3A = arith.constant 0 : i32
          %dma_wait3A_34 = tpu.memref_slice %arg5[%add3A_30, %dma_wait3A] : memref<20000x128xf32, #tpu.memory_space<hbm>> -> memref<80x128xf32, #tpu.memory_space<hbm>>
          %dma_wait3A_35 = arith.constant 0 : i32
          %dma_wait3A_36 = tpu.memref_slice %arg10[%mul3A_27, %dma_wait3A_35] : memref<10000x128xf32, #tpu.memory_space<vmem_shared>> -> memref<80x128xf32, #tpu.memory_space<vmem_shared>>
          tpu.wait_dma2 semaphore(%run_scoped3A : memref<!tpu.dma_semaphore, #tpu.memory_space<semaphore_mem>>) src(%dma_wait3A_36 : memref<80x128xf32, #tpu.memory_space<vmem_shared>>) dst(%dma_wait3A_34 : memref<80x128xf32, #tpu.memory_space<hbm>>)
          tpu.yield
        }) : () -> ()
      } else {
      }
    }
    %scan3A_15 = arith.constant 8 : i32
    return
  }
}

#map = affine_map<(d0, d1) -> (0, 0, 0)>
#map1 = affine_map<(d0, d1) -> (0, 0)>
module attributes {stable_mosaic.version = 14 : i64} {
  func.func @deg(%arg0: i32, %arg1: i32, %arg2: memref<2x2560x125xi32, #tpu.memory_space<hbm>>, %arg3: memref<10000x128xf32, #tpu.memory_space<hbm>>, %arg4: memref<125x128xf32, #tpu.memory_space<hbm>>, %arg5: memref<20000x128xf32, #tpu.memory_space<hbm>>, %arg6: memref<16x125xi32, #tpu.memory_space<vmem>>, %arg7: memref<125x128xf32, #tpu.memory_space<vmem>>, %arg8: memref<10000x128xf32, #tpu.memory_space<vmem_shared>>) attributes {dimension_semantics = [#tpu.dimension_semantics<core_parallel>, #tpu.dimension_semantics<subcore_parallel>], iteration_bounds = array<i64: 2, 16>, scalar_prefetch = 0 : i64, scratch_operands = 3 : i64, tpu.core_type = #tpu.core_type<sc_vector_subcore>, window_params = [{transform_indices = #map}, {transform_indices = #map1}, {transform_indices = #map1}, {transform_indices = #map1}]} {
    %mul3A = arith.constant 16 : i32
    %mul3A_0 = arith.muli %arg0, %mul3A : i32
    %add3A = arith.addi %mul3A_0, %arg1 : i32
    "tpu.region"() ({
      %run_scoped3A = tpu.sem_alloc : memref<!tpu.dma_semaphore, #tpu.memory_space<semaphore_mem>>
      tpu.enqueue_dma source(%arg4 : memref<125x128xf32, #tpu.memory_space<hbm>>) target(%arg7 : memref<125x128xf32, #tpu.memory_space<vmem>>) target_semaphore(%run_scoped3A : memref<!tpu.dma_semaphore, #tpu.memory_space<semaphore_mem>>)
      tpu.wait_dma2 semaphore(%run_scoped3A : memref<!tpu.dma_semaphore, #tpu.memory_space<semaphore_mem>>) src(%arg4 : memref<125x128xf32, #tpu.memory_space<hbm>>) dst(%arg7 : memref<125x128xf32, #tpu.memory_space<vmem>>)
      tpu.yield
    }) : () -> ()
    %scan3A = arith.constant 0 : i32
    %scan3A_1 = arith.constant 8 : i32
    %scan3A_2 = arith.addi %scan3A, %scan3A_1 : i32
    %scan3A_3 = arith.constant 1 : i32
    scf.for %scan3A_16 = %scan3A to %scan3A_2 step %scan3A_3  : i32 {
      %mul3A_17 = arith.constant 1 : i32
      %mul3A_18 = arith.muli %scan3A_16, %mul3A_17 : i32
      %add3A_19 = arith.constant 0 : i32
      %add3A_20 = arith.addi %add3A_19, %mul3A_18 : i32
      %mul3A_21 = arith.constant 16 : i32
      %mul3A_22 = arith.muli %add3A_20, %mul3A_21 : i32
      %add3A_23 = arith.addi %arg1, %mul3A_22 : i32
      %lt3A = arith.constant 125 : i32
      %lt3A_24 = arith.cmpi slt, %add3A_23, %lt3A : i32
      %convert_element_type3A = arith.extui %lt3A_24 : i1 to i32
      %cond3A = arith.constant 0 : i32
      %cond3A_25 = arith.cmpi ne, %convert_element_type3A, %cond3A : i32
      scf.if %cond3A_25 {
        %mul3A_26 = arith.constant 80 : i32
        %mul3A_27 = arith.muli %add3A_23, %mul3A_26 : i32
        "tpu.region"() ({
          %run_scoped3A = tpu.sem_alloc : memref<!tpu.dma_semaphore, #tpu.memory_space<semaphore_mem>>
          %dma_start3A = arith.constant 0 : i32
          %dma_start3A_28 = tpu.memref_slice %arg8[%mul3A_27, %dma_start3A] : memref<10000x128xf32, #tpu.memory_space<vmem_shared>> -> memref<80x128xf32, #tpu.memory_space<vmem_shared>>
          %dma_start3A_29 = arith.constant 0 : i32
          %dma_start3A_30 = tpu.memref_slice %arg3[%mul3A_27, %dma_start3A_29] : memref<10000x128xf32, #tpu.memory_space<hbm>> -> memref<80x128xf32, #tpu.memory_space<hbm>>
          tpu.enqueue_dma source(%dma_start3A_30 : memref<80x128xf32, #tpu.memory_space<hbm>>) target(%dma_start3A_28 : memref<80x128xf32, #tpu.memory_space<vmem_shared>>) target_semaphore(%run_scoped3A : memref<!tpu.dma_semaphore, #tpu.memory_space<semaphore_mem>>)
          %dma_wait3A = arith.constant 0 : i32
          %dma_wait3A_31 = tpu.memref_slice %arg8[%mul3A_27, %dma_wait3A] : memref<10000x128xf32, #tpu.memory_space<vmem_shared>> -> memref<80x128xf32, #tpu.memory_space<vmem_shared>>
          %dma_wait3A_32 = arith.constant 0 : i32
          %dma_wait3A_33 = tpu.memref_slice %arg3[%mul3A_27, %dma_wait3A_32] : memref<10000x128xf32, #tpu.memory_space<hbm>> -> memref<80x128xf32, #tpu.memory_space<hbm>>
          tpu.wait_dma2 semaphore(%run_scoped3A : memref<!tpu.dma_semaphore, #tpu.memory_space<semaphore_mem>>) src(%dma_wait3A_33 : memref<80x128xf32, #tpu.memory_space<hbm>>) dst(%dma_wait3A_31 : memref<80x128xf32, #tpu.memory_space<vmem_shared>>)
          tpu.yield
        }) : () -> ()
      } else {
      }
    }
    %scan3A_4 = arith.constant 8 : i32
    %barrier3A = arith.constant 0 : index
    tpu.barrier barrier_id(%barrier3A)
    %scan3A_5 = arith.constant 0 : i32
    %scan3A_6 = arith.constant 5 : i32
    %scan3A_7 = arith.addi %scan3A_5, %scan3A_6 : i32
    %scan3A_8 = arith.constant 1 : i32
    scf.for %scan3A_16 = %scan3A_5 to %scan3A_7 step %scan3A_8  : i32 {
      %mul3A_17 = arith.constant 1 : i32
      %mul3A_18 = arith.muli %scan3A_16, %mul3A_17 : i32
      %add3A_19 = arith.constant 0 : i32
      %add3A_20 = arith.addi %add3A_19, %mul3A_18 : i32
      %mul3A_21 = arith.constant 80 : i32
      %mul3A_22 = arith.muli %add3A, %mul3A_21 : i32
      %mul3A_23 = arith.constant 16 : i32
      %mul3A_24 = arith.muli %add3A_20, %mul3A_23 : i32
      %add3A_25 = arith.addi %mul3A_22, %mul3A_24 : i32
      %run_scoped3A = arith.constant 1 : i32
      "tpu.region"() ({
        %run_scoped3A_31 = tpu.sem_alloc : memref<!tpu.dma_semaphore, #tpu.memory_space<semaphore_mem>>
        %dma_start3A = arith.constant 0 : i32
        %dma_start3A_32 = arith.constant 0 : i32
        %dma_start3A_33 = tpu.memref_slice %arg2[%run_scoped3A, %dma_start3A, %dma_start3A_32] : memref<2x2560x125xi32, #tpu.memory_space<hbm>> -> memref<1x2560x125xi32, #tpu.memory_space<hbm>>
        %dma_start3A_34 = tpu.memref_squeeze %dma_start3A_33 : memref<1x2560x125xi32, #tpu.memory_space<hbm>> -> memref<2560x125xi32, #tpu.memory_space<hbm>>
        %dma_start3A_35 = arith.constant 0 : i32
        %dma_start3A_36 = tpu.memref_slice %dma_start3A_34[%add3A_25, %dma_start3A_35] : memref<2560x125xi32, #tpu.memory_space<hbm>> -> memref<16x125xi32, #tpu.memory_space<hbm>>
        %dma_start3A_37 = arith.constant 0 : i32
        %dma_start3A_38 = arith.constant 0 : i32
        %dma_start3A_39 = tpu.memref_slice %arg2[%run_scoped3A, %dma_start3A_37, %dma_start3A_38] : memref<2x2560x125xi32, #tpu.memory_space<hbm>> -> memref<1x2560x125xi32, #tpu.memory_space<hbm>>
        %dma_start3A_40 = tpu.memref_squeeze %dma_start3A_39 : memref<1x2560x125xi32, #tpu.memory_space<hbm>> -> memref<2560x125xi32, #tpu.memory_space<hbm>>
        %dma_start3A_41 = arith.constant 0 : i32
        %dma_start3A_42 = tpu.memref_slice %dma_start3A_40[%add3A_25, %dma_start3A_41] : memref<2560x125xi32, #tpu.memory_space<hbm>> -> memref<16x125xi32, #tpu.memory_space<hbm>>
        tpu.enqueue_dma source(%dma_start3A_42 : memref<16x125xi32, #tpu.memory_space<hbm>>) target(%arg6 : memref<16x125xi32, #tpu.memory_space<vmem>>) target_semaphore(%run_scoped3A_31 : memref<!tpu.dma_semaphore, #tpu.memory_space<semaphore_mem>>)
        %dma_wait3A = arith.constant 0 : i32
        %dma_wait3A_43 = arith.constant 0 : i32
        %dma_wait3A_44 = tpu.memref_slice %arg2[%run_scoped3A, %dma_wait3A, %dma_wait3A_43] : memref<2x2560x125xi32, #tpu.memory_space<hbm>> -> memref<1x2560x125xi32, #tpu.memory_space<hbm>>
        %dma_wait3A_45 = tpu.memref_squeeze %dma_wait3A_44 : memref<1x2560x125xi32, #tpu.memory_space<hbm>> -> memref<2560x125xi32, #tpu.memory_space<hbm>>
        %dma_wait3A_46 = arith.constant 0 : i32
        %dma_wait3A_47 = tpu.memref_slice %dma_wait3A_45[%add3A_25, %dma_wait3A_46] : memref<2560x125xi32, #tpu.memory_space<hbm>> -> memref<16x125xi32, #tpu.memory_space<hbm>>
        %dma_wait3A_48 = arith.constant 0 : i32
        %dma_wait3A_49 = arith.constant 0 : i32
        %dma_wait3A_50 = tpu.memref_slice %arg2[%run_scoped3A, %dma_wait3A_48, %dma_wait3A_49] : memref<2x2560x125xi32, #tpu.memory_space<hbm>> -> memref<1x2560x125xi32, #tpu.memory_space<hbm>>
        %dma_wait3A_51 = tpu.memref_squeeze %dma_wait3A_50 : memref<1x2560x125xi32, #tpu.memory_space<hbm>> -> memref<2560x125xi32, #tpu.memory_space<hbm>>
        %dma_wait3A_52 = arith.constant 0 : i32
        %dma_wait3A_53 = tpu.memref_slice %dma_wait3A_51[%add3A_25, %dma_wait3A_52] : memref<2560x125xi32, #tpu.memory_space<hbm>> -> memref<16x125xi32, #tpu.memory_space<hbm>>
        tpu.wait_dma2 semaphore(%run_scoped3A_31 : memref<!tpu.dma_semaphore, #tpu.memory_space<semaphore_mem>>) src(%dma_wait3A_53 : memref<16x125xi32, #tpu.memory_space<hbm>>) dst(%arg6 : memref<16x125xi32, #tpu.memory_space<vmem>>)
        tpu.yield
      }) : () -> ()
      %scan3A_26 = arith.constant 0 : i32
      %scan3A_27 = arith.constant 16 : i32
      %scan3A_28 = arith.addi %scan3A_26, %scan3A_27 : i32
      %scan3A_29 = arith.constant 1 : i32
      scf.for %scan3A_31 = %scan3A_26 to %scan3A_28 step %scan3A_29  : i32 {
        %mul3A_32 = arith.constant 1 : i32
        %mul3A_33 = arith.muli %scan3A_31, %mul3A_32 : i32
        %add3A_34 = arith.constant 0 : i32
        %add3A_35 = arith.addi %add3A_34, %mul3A_33 : i32
        "tpu.region"() ({
          %run_scoped3A_36 = tpu.sem_alloc : memref<!tpu.dma_semaphore, #tpu.memory_space<semaphore_mem>>
          %dma_start3A = arith.constant 0 : i32
          %dma_start3A_37 = tpu.memref_slice %arg6[%add3A_35, %dma_start3A] : memref<16x125xi32, #tpu.memory_space<vmem>> -> memref<1x125xi32, #tpu.memory_space<vmem>>
          %dma_start3A_38 = tpu.memref_squeeze %dma_start3A_37 : memref<1x125xi32, #tpu.memory_space<vmem>> -> memref<125xi32, #tpu.memory_space<vmem>>
          %dma_start3A_39 = arith.constant 0 : i32
          %dma_start3A_40 = arith.constant 0 : i32
          %dma_start3A_41 = tpu.memref_slice %arg8[%dma_start3A_39, %dma_start3A_40] : memref<10000x128xf32, #tpu.memory_space<vmem_shared>> -> memref<10000x128xf32, #tpu.memory_space<vmem_shared>>
          tpu.enqueue_indirect_dma source(%arg7 : memref<125x128xf32, #tpu.memory_space<vmem>>) target(%dma_start3A_41 : memref<10000x128xf32, #tpu.memory_space<vmem_shared>>) offsets(%dma_start3A_38 : memref<125xi32, #tpu.memory_space<vmem>>) semaphore(%run_scoped3A_36 : memref<!tpu.dma_semaphore, #tpu.memory_space<semaphore_mem>>) {add = true}
          %dma_wait3A = arith.constant 0 : i32
          %dma_wait3A_42 = tpu.memref_slice %arg6[%add3A_35, %dma_wait3A] : memref<16x125xi32, #tpu.memory_space<vmem>> -> memref<1x125xi32, #tpu.memory_space<vmem>>
          %dma_wait3A_43 = tpu.memref_squeeze %dma_wait3A_42 : memref<1x125xi32, #tpu.memory_space<vmem>> -> memref<125xi32, #tpu.memory_space<vmem>>
          %dma_wait3A_44 = arith.constant 0 : i32
          %dma_wait3A_45 = arith.constant 0 : i32
          %dma_wait3A_46 = tpu.memref_slice %arg8[%dma_wait3A_44, %dma_wait3A_45] : memref<10000x128xf32, #tpu.memory_space<vmem_shared>> -> memref<10000x128xf32, #tpu.memory_space<vmem_shared>>
          tpu.wait_indirect_dma semaphore(%run_scoped3A_36 : memref<!tpu.dma_semaphore, #tpu.memory_space<semaphore_mem>>) src(%arg7 : memref<125x128xf32, #tpu.memory_space<vmem>>) dst(%dma_wait3A_46 : memref<10000x128xf32, #tpu.memory_space<vmem_shared>>)
          tpu.yield
        }) : () -> ()
      }
      %scan3A_30 = arith.constant 16 : i32
    }
    %scan3A_9 = arith.constant 5 : i32
    %barrier3A_10 = arith.constant 0 : index
    tpu.barrier barrier_id(%barrier3A_10)
    %scan3A_11 = arith.constant 0 : i32
    %scan3A_12 = arith.constant 8 : i32
    %scan3A_13 = arith.addi %scan3A_11, %scan3A_12 : i32
    %scan3A_14 = arith.constant 1 : i32
    scf.for %scan3A_16 = %scan3A_11 to %scan3A_13 step %scan3A_14  : i32 {
      %mul3A_17 = arith.constant 1 : i32
      %mul3A_18 = arith.muli %scan3A_16, %mul3A_17 : i32
      %add3A_19 = arith.constant 0 : i32
      %add3A_20 = arith.addi %add3A_19, %mul3A_18 : i32
      %mul3A_21 = arith.constant 16 : i32
      %mul3A_22 = arith.muli %add3A_20, %mul3A_21 : i32
      %add3A_23 = arith.addi %arg1, %mul3A_22 : i32
      %lt3A = arith.constant 125 : i32
      %lt3A_24 = arith.cmpi slt, %add3A_23, %lt3A : i32
      %convert_element_type3A = arith.extui %lt3A_24 : i1 to i32
      %cond3A = arith.constant 0 : i32
      %cond3A_25 = arith.cmpi ne, %convert_element_type3A, %cond3A : i32
      scf.if %cond3A_25 {
        %mul3A_26 = arith.constant 80 : i32
        %mul3A_27 = arith.muli %add3A_23, %mul3A_26 : i32
        %mul3A_28 = arith.constant 10000 : i32
        %mul3A_29 = arith.muli %arg0, %mul3A_28 : i32
        %add3A_30 = arith.addi %mul3A_29, %mul3A_27 : i32
        "tpu.region"() ({
          %run_scoped3A = tpu.sem_alloc : memref<!tpu.dma_semaphore, #tpu.memory_space<semaphore_mem>>
          %dma_start3A = arith.constant 0 : i32
          %dma_start3A_31 = tpu.memref_slice %arg5[%add3A_30, %dma_start3A] : memref<20000x128xf32, #tpu.memory_space<hbm>> -> memref<80x128xf32, #tpu.memory_space<hbm>>
          %dma_start3A_32 = arith.constant 0 : i32
          %dma_start3A_33 = tpu.memref_slice %arg8[%mul3A_27, %dma_start3A_32] : memref<10000x128xf32, #tpu.memory_space<vmem_shared>> -> memref<80x128xf32, #tpu.memory_space<vmem_shared>>
          tpu.enqueue_dma source(%dma_start3A_33 : memref<80x128xf32, #tpu.memory_space<vmem_shared>>) target(%dma_start3A_31 : memref<80x128xf32, #tpu.memory_space<hbm>>) target_semaphore(%run_scoped3A : memref<!tpu.dma_semaphore, #tpu.memory_space<semaphore_mem>>)
          %dma_wait3A = arith.constant 0 : i32
          %dma_wait3A_34 = tpu.memref_slice %arg5[%add3A_30, %dma_wait3A] : memref<20000x128xf32, #tpu.memory_space<hbm>> -> memref<80x128xf32, #tpu.memory_space<hbm>>
          %dma_wait3A_35 = arith.constant 0 : i32
          %dma_wait3A_36 = tpu.memref_slice %arg8[%mul3A_27, %dma_wait3A_35] : memref<10000x128xf32, #tpu.memory_space<vmem_shared>> -> memref<80x128xf32, #tpu.memory_space<vmem_shared>>
          tpu.wait_dma2 semaphore(%run_scoped3A : memref<!tpu.dma_semaphore, #tpu.memory_space<semaphore_mem>>) src(%dma_wait3A_36 : memref<80x128xf32, #tpu.memory_space<vmem_shared>>) dst(%dma_wait3A_34 : memref<80x128xf32, #tpu.memory_space<hbm>>)
          tpu.yield
        }) : () -> ()
      } else {
      }
    }
    %scan3A_15 = arith.constant 8 : i32
    return
  }
}

module attributes {stable_mosaic.version = 14 : i64} {
  func.func @_layer_body(%arg0: i32, %arg1: memref<2x1000x128xf32, #tpu.memory_space<vmem>>, %arg2: memref<2x1000x128xf32, #tpu.memory_space<vmem>>, %arg3: memref<128x128xf32, #tpu.memory_space<vmem>>, %arg4: memref<1000x128xf32, #tpu.memory_space<vmem>>) attributes {dimension_semantics = [#tpu.dimension_semantics<arbitrary>], iteration_bounds = array<i64: 10>, scalar_prefetch = 0 : i64, scratch_operands = 0 : i64, tpu.core_type = #tpu.core_type<tc>, window_params = [{transform_indices = @transform_0, window_bounds = array<i64: 2, 1000, 128>}, {transform_indices = @transform_1, window_bounds = array<i64: 2, 1000, 128>}, {pipeline_mode = #tpu.pipeline_mode<synchronous>, transform_indices = @transform_2, window_bounds = array<i64: 128, 128>}, {transform_indices = @transform_3, window_bounds = array<i64: 1000, 128>}]} {
    %get3A = arith.constant 0 : index
    %get3A_0 = arith.constant 0 : index
    %get3A_1 = arith.constant 0 : index
    %get3A_2 = vector.load %arg1[%get3A, %get3A_0, %get3A_1] : memref<2x1000x128xf32, #tpu.memory_space<vmem>>, vector<1x1000x128xf32>
    %get3A_3 = vector.shape_cast %get3A_2 : vector<1x1000x128xf32> to vector<1000x128xf32>
    %get3A_4 = arith.constant 1 : index
    %get3A_5 = arith.constant 0 : index
    %get3A_6 = arith.constant 0 : index
    %get3A_7 = vector.load %arg1[%get3A_4, %get3A_5, %get3A_6] : memref<2x1000x128xf32, #tpu.memory_space<vmem>>, vector<1x1000x128xf32>
    %get3A_8 = vector.shape_cast %get3A_7 : vector<1x1000x128xf32> to vector<1000x128xf32>
    %add3A = arith.addf %get3A_3, %get3A_8 : vector<1000x128xf32>
    %get3A_9 = arith.constant 0 : index
    %get3A_10 = arith.constant 0 : index
    %get3A_11 = arith.constant 0 : index
    %get3A_12 = vector.load %arg2[%get3A_9, %get3A_10, %get3A_11] : memref<2x1000x128xf32, #tpu.memory_space<vmem>>, vector<1x1000x1xf32>
    %get3A_13 = vector.shape_cast %get3A_12 : vector<1x1000x1xf32> to vector<1000x1xf32>
    %get3A_14 = arith.constant 1 : index
    %get3A_15 = arith.constant 0 : index
    %get3A_16 = arith.constant 0 : index
    %get3A_17 = vector.load %arg2[%get3A_14, %get3A_15, %get3A_16] : memref<2x1000x128xf32, #tpu.memory_space<vmem>>, vector<1x1000x1xf32>
    %get3A_18 = vector.shape_cast %get3A_17 : vector<1x1000x1xf32> to vector<1000x1xf32>
    %add3A_19 = arith.addf %get3A_13, %get3A_18 : vector<1000x1xf32>
    %max3A = arith.constant 1.000000e+00 : f32
    %max3A_20 = vector.broadcast %max3A : f32 to vector<1000x1xf32>
    %max3A_21 = arith.maximumf %add3A_19, %max3A_20 : vector<1000x1xf32>
    %div3A = vector.broadcast %max3A_21 : vector<1000x1xf32> to vector<1000x128xf32>
    %div3A_22 = arith.divf %add3A, %div3A : vector<1000x128xf32>
    %get3A_23 = arith.constant 0 : index
    %get3A_24 = arith.constant 0 : index
    %get3A_25 = vector.load %arg3[%get3A_23, %get3A_24] : memref<128x128xf32, #tpu.memory_space<vmem>>, vector<128x128xf32>
    %dot_general3A = arith.constant dense<0.000000e+00> : vector<1000x128xf32>
    %dot_general3A_26 = tpu.matmul %div3A_22, %get3A_25, %dot_general3A {dimension_numbers = #tpu.dot_dimension_numbers<[1], [0], [0], [1], [0, 0, 1, 1], [], []>, transpose_lhs_hint = false} : vector<1000x128xf32>, vector<128x128xf32>, vector<1000x128xf32> -> vector<1000x128xf32>
    %max3A_27 = arith.constant 0.000000e+00 : f32
    %max3A_28 = vector.broadcast %max3A_27 : f32 to vector<1000x128xf32>
    %max3A_29 = arith.maximumf %dot_general3A_26, %max3A_28 : vector<1000x128xf32>
    %swap3A = arith.constant 0 : index
    %swap3A_30 = arith.constant 0 : index
    %swap3A_31 = vector.load %arg4[%swap3A, %swap3A_30] : memref<1000x128xf32, #tpu.memory_space<vmem>>, vector<1000x128xf32>
    tpu.vector_store %arg4[%swap3A, %swap3A_30], %max3A_29 {strides = array<i32>} : memref<1000x128xf32, #tpu.memory_space<vmem>>, vector<1000x128xf32>,
    return
  }
  func.func @transform_0(%arg0: i32) -> (i32, i32, i32) {
    %c0_i32 = arith.constant 0 : i32
    %c0_i32_0 = arith.constant 0 : i32
    %c0_i32_1 = arith.constant 0 : i32
    return %c0_i32, %arg0, %c0_i32_0 : i32, i32, i32
  }
  func.func @transform_1(%arg0: i32) -> (i32, i32, i32) {
    %c0_i32 = arith.constant 0 : i32
    %c0_i32_0 = arith.constant 0 : i32
    %c0_i32_1 = arith.constant 0 : i32
    return %c0_i32, %arg0, %c0_i32_0 : i32, i32, i32
  }
  func.func @transform_2(%arg0: i32) -> (i32, i32) {
    %c0_i32 = arith.constant 0 : i32
    %c0_i32_0 = arith.constant 0 : i32
    %c0_i32_1 = arith.constant 0 : i32
    return %c0_i32, %c0_i32_0 : i32, i32
  }
  func.func @transform_3(%arg0: i32) -> (i32, i32) {
    %c0_i32 = arith.constant 0 : i32
    %c0_i32_0 = arith.constant 0 : i32
    return %arg0, %c0_i32 : i32, i32
  }
}

module attributes {stable_mosaic.version = 14 : i64} {
  func.func @_hca_body(%arg0: i32, %arg1: memref<3x1000x128xf32, #tpu.memory_space<vmem>>, %arg2: memref<128x128xf32, #tpu.memory_space<vmem>>, %arg3: memref<8x128xf32, #tpu.memory_space<vmem>>, %arg4: memref<1000x128xf32, #tpu.memory_space<vmem>>) attributes {dimension_semantics = [#tpu.dimension_semantics<arbitrary>], iteration_bounds = array<i64: 10>, scalar_prefetch = 0 : i64, scratch_operands = 0 : i64, tpu.core_type = #tpu.core_type<tc>, window_params = [{transform_indices = @transform_0, window_bounds = array<i64: 3, 1000, 128>}, {pipeline_mode = #tpu.pipeline_mode<synchronous>, transform_indices = @transform_1, window_bounds = array<i64: 128, 128>}, {pipeline_mode = #tpu.pipeline_mode<synchronous>, transform_indices = @transform_2, window_bounds = array<i64: 8, 128>}, {transform_indices = @transform_3, window_bounds = array<i64: 1000, 128>}]} {
    %get3A = arith.constant 0 : index
    %get3A_0 = arith.constant 0 : index
    %get3A_1 = vector.load %arg2[%get3A, %get3A_0] : memref<128x128xf32, #tpu.memory_space<vmem>>, vector<128x128xf32>
    %get3A_2 = arith.constant 0 : index
    %get3A_3 = arith.constant 0 : index
    %get3A_4 = vector.load %arg3[%get3A_2, %get3A_3] : memref<8x128xf32, #tpu.memory_space<vmem>>, vector<1x128xf32>
    %get3A_5 = arith.constant 0 : index
    %get3A_6 = arith.constant 0 : index
    %get3A_7 = arith.constant 0 : index
    %get3A_8 = vector.load %arg1[%get3A_5, %get3A_6, %get3A_7] : memref<3x1000x128xf32, #tpu.memory_space<vmem>>, vector<1x1000x128xf32>
    %get3A_9 = vector.shape_cast %get3A_8 : vector<1x1000x128xf32> to vector<1000x128xf32>
    %get3A_10 = arith.constant 1 : index
    %get3A_11 = arith.constant 0 : index
    %get3A_12 = arith.constant 0 : index
    %get3A_13 = vector.load %arg1[%get3A_10, %get3A_11, %get3A_12] : memref<3x1000x128xf32, #tpu.memory_space<vmem>>, vector<1x1000x128xf32>
    %get3A_14 = vector.shape_cast %get3A_13 : vector<1x1000x128xf32> to vector<1000x128xf32>
    %get3A_15 = arith.constant 2 : index
    %get3A_16 = arith.constant 0 : index
    %get3A_17 = arith.constant 0 : index
    %get3A_18 = vector.load %arg1[%get3A_15, %get3A_16, %get3A_17] : memref<3x1000x128xf32, #tpu.memory_space<vmem>>, vector<1x1000x128xf32>
    %get3A_19 = vector.shape_cast %get3A_18 : vector<1x1000x128xf32> to vector<1000x128xf32>
    %dot_general3A = arith.constant dense<0.000000e+00> : vector<1000x128xf32>
    %dot_general3A_20 = tpu.matmul %get3A_9, %get3A_1, %dot_general3A {dimension_numbers = #tpu.dot_dimension_numbers<[1], [0], [0], [1], [0, 0, 1, 1], [], []>, transpose_lhs_hint = false} : vector<1000x128xf32>, vector<128x128xf32>, vector<1000x128xf32> -> vector<1000x128xf32>
    %tanh3A = math.tanh %dot_general3A_20 : vector<1000x128xf32>
    %mul3A = vector.broadcast %get3A_4 : vector<1x128xf32> to vector<1000x128xf32>
    %mul3A_21 = arith.mulf %tanh3A, %mul3A : vector<1000x128xf32>
    %reduce_sum3A = arith.constant dense<0.000000e+00> : vector<1000xf32>
    %reduce_sum3A_22 = vector.multi_reduction <add>, %mul3A_21, %reduce_sum3A [1] : vector<1000x128xf32> to vector<1000xf32>
    %broadcast_in_dim3A = vector.shape_cast %reduce_sum3A_22 : vector<1000xf32> to vector<1000x1xf32>
    %dot_general3A_23 = arith.constant dense<0.000000e+00> : vector<1000x128xf32>
    %dot_general3A_24 = tpu.matmul %get3A_14, %get3A_1, %dot_general3A_23 {dimension_numbers = #tpu.dot_dimension_numbers<[1], [0], [0], [1], [0, 0, 1, 1], [], []>, transpose_lhs_hint = false} : vector<1000x128xf32>, vector<128x128xf32>, vector<1000x128xf32> -> vector<1000x128xf32>
    %tanh3A_25 = math.tanh %dot_general3A_24 : vector<1000x128xf32>
    %mul3A_26 = vector.broadcast %get3A_4 : vector<1x128xf32> to vector<1000x128xf32>
    %mul3A_27 = arith.mulf %tanh3A_25, %mul3A_26 : vector<1000x128xf32>
    %reduce_sum3A_28 = arith.constant dense<0.000000e+00> : vector<1000xf32>
    %reduce_sum3A_29 = vector.multi_reduction <add>, %mul3A_27, %reduce_sum3A_28 [1] : vector<1000x128xf32> to vector<1000xf32>
    %broadcast_in_dim3A_30 = vector.shape_cast %reduce_sum3A_29 : vector<1000xf32> to vector<1000x1xf32>
    %dot_general3A_31 = arith.constant dense<0.000000e+00> : vector<1000x128xf32>
    %dot_general3A_32 = tpu.matmul %get3A_19, %get3A_1, %dot_general3A_31 {dimension_numbers = #tpu.dot_dimension_numbers<[1], [0], [0], [1], [0, 0, 1, 1], [], []>, transpose_lhs_hint = false} : vector<1000x128xf32>, vector<128x128xf32>, vector<1000x128xf32> -> vector<1000x128xf32>
    %tanh3A_33 = math.tanh %dot_general3A_32 : vector<1000x128xf32>
    %mul3A_34 = vector.broadcast %get3A_4 : vector<1x128xf32> to vector<1000x128xf32>
    %mul3A_35 = arith.mulf %tanh3A_33, %mul3A_34 : vector<1000x128xf32>
    %reduce_sum3A_36 = arith.constant dense<0.000000e+00> : vector<1000xf32>
    %reduce_sum3A_37 = vector.multi_reduction <add>, %mul3A_35, %reduce_sum3A_36 [1] : vector<1000x128xf32> to vector<1000xf32>
    %broadcast_in_dim3A_38 = vector.shape_cast %reduce_sum3A_37 : vector<1000xf32> to vector<1000x1xf32>
    %max3A = arith.maximumf %broadcast_in_dim3A, %broadcast_in_dim3A_30 : vector<1000x1xf32>
    %max3A_39 = arith.maximumf %max3A, %broadcast_in_dim3A_38 : vector<1000x1xf32>
    %sub3A = arith.subf %broadcast_in_dim3A, %max3A_39 : vector<1000x1xf32>
    %exp3A = math.exp %sub3A : vector<1000x1xf32>
    %sub3A_40 = arith.subf %broadcast_in_dim3A_30, %max3A_39 : vector<1000x1xf32>
    %exp3A_41 = math.exp %sub3A_40 : vector<1000x1xf32>
    %sub3A_42 = arith.subf %broadcast_in_dim3A_38, %max3A_39 : vector<1000x1xf32>
    %exp3A_43 = math.exp %sub3A_42 : vector<1000x1xf32>
    %add3A = arith.addf %exp3A, %exp3A_41 : vector<1000x1xf32>
    %add3A_44 = arith.addf %add3A, %exp3A_43 : vector<1000x1xf32>
    %mul3A_45 = vector.broadcast %exp3A : vector<1000x1xf32> to vector<1000x128xf32>
    %mul3A_46 = arith.mulf %mul3A_45, %get3A_9 : vector<1000x128xf32>
    %mul3A_47 = vector.broadcast %exp3A_41 : vector<1000x1xf32> to vector<1000x128xf32>
    %mul3A_48 = arith.mulf %mul3A_47, %get3A_14 : vector<1000x128xf32>
    %add3A_49 = arith.addf %mul3A_46, %mul3A_48 : vector<1000x128xf32>
    %mul3A_50 = vector.broadcast %exp3A_43 : vector<1000x1xf32> to vector<1000x128xf32>
    %mul3A_51 = arith.mulf %mul3A_50, %get3A_19 : vector<1000x128xf32>
    %add3A_52 = arith.addf %add3A_49, %mul3A_51 : vector<1000x128xf32>
    %div3A = vector.broadcast %add3A_44 : vector<1000x1xf32> to vector<1000x128xf32>
    %div3A_53 = arith.divf %add3A_52, %div3A : vector<1000x128xf32>
    %swap3A = arith.constant 0 : index
    %swap3A_54 = arith.constant 0 : index
    %swap3A_55 = vector.load %arg4[%swap3A, %swap3A_54] : memref<1000x128xf32, #tpu.memory_space<vmem>>, vector<1000x128xf32>
    tpu.vector_store %arg4[%swap3A, %swap3A_54], %div3A_53 {strides = array<i32>} : memref<1000x128xf32, #tpu.memory_space<vmem>>, vector<1000x128xf32>,
    return
  }
  func.func @transform_0(%arg0: i32) -> (i32, i32, i32) {
    %c0_i32 = arith.constant 0 : i32
    %c0_i32_0 = arith.constant 0 : i32
    %c0_i32_1 = arith.constant 0 : i32
    return %c0_i32, %arg0, %c0_i32_0 : i32, i32, i32
  }
  func.func @transform_1(%arg0: i32) -> (i32, i32) {
    %c0_i32 = arith.constant 0 : i32
    %c0_i32_0 = arith.constant 0 : i32
    %c0_i32_1 = arith.constant 0 : i32
    return %c0_i32, %c0_i32_0 : i32, i32
  }
  func.func @transform_2(%arg0: i32) -> (i32, i32) {
    %c0_i32 = arith.constant 0 : i32
    %c0_i32_0 = arith.constant 0 : i32
    %c0_i32_1 = arith.constant 0 : i32
    return %c0_i32, %c0_i32_0 : i32, i32
  }
  func.func @transform_3(%arg0: i32) -> (i32, i32) {
    %c0_i32 = arith.constant 0 : i32
    %c0_i32_0 = arith.constant 0 : i32
    return %arg0, %c0_i32 : i32, i32
  }
}

module attributes {stable_mosaic.version = 14 : i64} {
  func.func @_final_body(%arg0: i32, %arg1: memref<2x1000x128xf32, #tpu.memory_space<vmem>>, %arg2: memref<2x1000x128xf32, #tpu.memory_space<vmem>>, %arg3: memref<1000x128xf32, #tpu.memory_space<vmem>>, %arg4: memref<128x128xf32, #tpu.memory_space<vmem>>, %arg5: memref<128x128xf32, #tpu.memory_space<vmem>>, %arg6: memref<128x128xf32, #tpu.memory_space<vmem>>, %arg7: memref<128x128xf32, #tpu.memory_space<vmem>>, %arg8: memref<128x128xf32, #tpu.memory_space<vmem>>, %arg9: memref<128x128xf32, #tpu.memory_space<vmem>>, %arg10: memref<128x128xf32, #tpu.memory_space<vmem>>, %arg11: memref<1000x128xf32, #tpu.memory_space<vmem>>) attributes {dimension_semantics = [#tpu.dimension_semantics<arbitrary>], iteration_bounds = array<i64: 10>, scalar_prefetch = 0 : i64, scratch_operands = 0 : i64, tpu.core_type = #tpu.core_type<tc>, window_params = [{transform_indices = @transform_0, window_bounds = array<i64: 2, 1000, 128>}, {transform_indices = @transform_1, window_bounds = array<i64: 2, 1000, 128>}, {transform_indices = @transform_2, window_bounds = array<i64: 1000, 128>}, {pipeline_mode = #tpu.pipeline_mode<synchronous>, transform_indices = @transform_3, window_bounds = array<i64: 128, 128>}, {pipeline_mode = #tpu.pipeline_mode<synchronous>, transform_indices = @transform_4, window_bounds = array<i64: 128, 128>}, {pipeline_mode = #tpu.pipeline_mode<synchronous>, transform_indices = @transform_5, window_bounds = array<i64: 128, 128>}, {pipeline_mode = #tpu.pipeline_mode<synchronous>, transform_indices = @transform_6, window_bounds = array<i64: 128, 128>}, {pipeline_mode = #tpu.pipeline_mode<synchronous>, transform_indices = @transform_7, window_bounds = array<i64: 128, 128>}, {pipeline_mode = #tpu.pipeline_mode<synchronous>, transform_indices = @transform_8, window_bounds = array<i64: 128, 128>}, {pipeline_mode = #tpu.pipeline_mode<synchronous>, transform_indices = @transform_9, window_bounds = array<i64: 128, 128>}, {transform_indices = @transform_10, window_bounds = array<i64: 1000, 128>}]} {
    %get3A = arith.constant 0 : index
    %get3A_0 = arith.constant 0 : index
    %get3A_1 = arith.constant 0 : index
    %get3A_2 = vector.load %arg1[%get3A, %get3A_0, %get3A_1] : memref<2x1000x128xf32, #tpu.memory_space<vmem>>, vector<1x1000x128xf32>
    %get3A_3 = vector.shape_cast %get3A_2 : vector<1x1000x128xf32> to vector<1000x128xf32>
    %get3A_4 = arith.constant 1 : index
    %get3A_5 = arith.constant 0 : index
    %get3A_6 = arith.constant 0 : index
    %get3A_7 = vector.load %arg1[%get3A_4, %get3A_5, %get3A_6] : memref<2x1000x128xf32, #tpu.memory_space<vmem>>, vector<1x1000x128xf32>
    %get3A_8 = vector.shape_cast %get3A_7 : vector<1x1000x128xf32> to vector<1000x128xf32>
    %add3A = arith.addf %get3A_3, %get3A_8 : vector<1000x128xf32>
    %get3A_9 = arith.constant 0 : index
    %get3A_10 = arith.constant 0 : index
    %get3A_11 = arith.constant 0 : index
    %get3A_12 = vector.load %arg2[%get3A_9, %get3A_10, %get3A_11] : memref<2x1000x128xf32, #tpu.memory_space<vmem>>, vector<1x1000x1xf32>
    %get3A_13 = vector.shape_cast %get3A_12 : vector<1x1000x1xf32> to vector<1000x1xf32>
    %get3A_14 = arith.constant 1 : index
    %get3A_15 = arith.constant 0 : index
    %get3A_16 = arith.constant 0 : index
    %get3A_17 = vector.load %arg2[%get3A_14, %get3A_15, %get3A_16] : memref<2x1000x128xf32, #tpu.memory_space<vmem>>, vector<1x1000x1xf32>
    %get3A_18 = vector.shape_cast %get3A_17 : vector<1x1000x1xf32> to vector<1000x1xf32>
    %add3A_19 = arith.addf %get3A_13, %get3A_18 : vector<1000x1xf32>
    %max3A = arith.constant 1.000000e+00 : f32
    %max3A_20 = vector.broadcast %max3A : f32 to vector<1000x1xf32>
    %max3A_21 = arith.maximumf %add3A_19, %max3A_20 : vector<1000x1xf32>
    %div3A = vector.broadcast %max3A_21 : vector<1000x1xf32> to vector<1000x128xf32>
    %div3A_22 = arith.divf %add3A, %div3A : vector<1000x128xf32>
    %get3A_23 = arith.constant 0 : index
    %get3A_24 = arith.constant 0 : index
    %get3A_25 = vector.load %arg4[%get3A_23, %get3A_24] : memref<128x128xf32, #tpu.memory_space<vmem>>, vector<128x128xf32>
    %dot_general3A = arith.constant dense<0.000000e+00> : vector<1000x128xf32>
    %dot_general3A_26 = tpu.matmul %div3A_22, %get3A_25, %dot_general3A {dimension_numbers = #tpu.dot_dimension_numbers<[1], [0], [0], [1], [0, 0, 1, 1], [], []>, transpose_lhs_hint = false} : vector<1000x128xf32>, vector<128x128xf32>, vector<1000x128xf32> -> vector<1000x128xf32>
    %max3A_27 = arith.constant 0.000000e+00 : f32
    %max3A_28 = vector.broadcast %max3A_27 : f32 to vector<1000x128xf32>
    %max3A_29 = arith.maximumf %dot_general3A_26, %max3A_28 : vector<1000x128xf32>
    %get3A_30 = arith.constant 0 : index
    %get3A_31 = arith.constant 0 : index
    %get3A_32 = vector.load %arg3[%get3A_30, %get3A_31] : memref<1000x128xf32, #tpu.memory_space<vmem>>, vector<1000x128xf32>
    %get3A_33 = arith.constant 0 : index
    %get3A_34 = arith.constant 0 : index
    %get3A_35 = vector.load %arg5[%get3A_33, %get3A_34] : memref<128x128xf32, #tpu.memory_space<vmem>>, vector<128x128xf32>
    %dot_general3A_36 = arith.constant dense<0.000000e+00> : vector<1000x128xf32>
    %dot_general3A_37 = tpu.matmul %max3A_29, %get3A_35, %dot_general3A_36 {dimension_numbers = #tpu.dot_dimension_numbers<[1], [0], [0], [1], [0, 0, 1, 1], [], []>, transpose_lhs_hint = false} : vector<1000x128xf32>, vector<128x128xf32>, vector<1000x128xf32> -> vector<1000x128xf32>
    %get3A_38 = arith.constant 0 : index
    %get3A_39 = arith.constant 0 : index
    %get3A_40 = vector.load %arg6[%get3A_38, %get3A_39] : memref<128x128xf32, #tpu.memory_space<vmem>>, vector<128x128xf32>
    %dot_general3A_41 = arith.constant dense<0.000000e+00> : vector<1000x128xf32>
    %dot_general3A_42 = tpu.matmul %get3A_32, %get3A_40, %dot_general3A_41 {dimension_numbers = #tpu.dot_dimension_numbers<[1], [0], [0], [1], [0, 0, 1, 1], [], []>, transpose_lhs_hint = false} : vector<1000x128xf32>, vector<128x128xf32>, vector<1000x128xf32> -> vector<1000x128xf32>
    %add3A_43 = arith.addf %dot_general3A_37, %dot_general3A_42 : vector<1000x128xf32>
    %logistic3A = arith.negf %add3A_43 : vector<1000x128xf32>
    %logistic3A_44 = math.exp %logistic3A : vector<1000x128xf32>
    %logistic3A_45 = arith.constant 1.000000e+00 : f32
    %logistic3A_46 = vector.broadcast %logistic3A_45 : f32 to vector<1000x128xf32>
    %logistic3A_47 = arith.addf %logistic3A_46, %logistic3A_44 : vector<1000x128xf32>
    %logistic3A_48 = arith.divf %logistic3A_46, %logistic3A_47 : vector<1000x128xf32>
    %get3A_49 = arith.constant 0 : index
    %get3A_50 = arith.constant 0 : index
    %get3A_51 = vector.load %arg7[%get3A_49, %get3A_50] : memref<128x128xf32, #tpu.memory_space<vmem>>, vector<128x128xf32>
    %dot_general3A_52 = arith.constant dense<0.000000e+00> : vector<1000x128xf32>
    %dot_general3A_53 = tpu.matmul %max3A_29, %get3A_51, %dot_general3A_52 {dimension_numbers = #tpu.dot_dimension_numbers<[1], [0], [0], [1], [0, 0, 1, 1], [], []>, transpose_lhs_hint = false} : vector<1000x128xf32>, vector<128x128xf32>, vector<1000x128xf32> -> vector<1000x128xf32>
    %get3A_54 = arith.constant 0 : index
    %get3A_55 = arith.constant 0 : index
    %get3A_56 = vector.load %arg8[%get3A_54, %get3A_55] : memref<128x128xf32, #tpu.memory_space<vmem>>, vector<128x128xf32>
    %dot_general3A_57 = arith.constant dense<0.000000e+00> : vector<1000x128xf32>
    %dot_general3A_58 = tpu.matmul %get3A_32, %get3A_56, %dot_general3A_57 {dimension_numbers = #tpu.dot_dimension_numbers<[1], [0], [0], [1], [0, 0, 1, 1], [], []>, transpose_lhs_hint = false} : vector<1000x128xf32>, vector<128x128xf32>, vector<1000x128xf32> -> vector<1000x128xf32>
    %add3A_59 = arith.addf %dot_general3A_53, %dot_general3A_58 : vector<1000x128xf32>
    %logistic3A_60 = arith.negf %add3A_59 : vector<1000x128xf32>
    %logistic3A_61 = math.exp %logistic3A_60 : vector<1000x128xf32>
    %logistic3A_62 = arith.constant 1.000000e+00 : f32
    %logistic3A_63 = vector.broadcast %logistic3A_62 : f32 to vector<1000x128xf32>
    %logistic3A_64 = arith.addf %logistic3A_63, %logistic3A_61 : vector<1000x128xf32>
    %logistic3A_65 = arith.divf %logistic3A_63, %logistic3A_64 : vector<1000x128xf32>
    %get3A_66 = arith.constant 0 : index
    %get3A_67 = arith.constant 0 : index
    %get3A_68 = vector.load %arg9[%get3A_66, %get3A_67] : memref<128x128xf32, #tpu.memory_space<vmem>>, vector<128x128xf32>
    %dot_general3A_69 = arith.constant dense<0.000000e+00> : vector<1000x128xf32>
    %dot_general3A_70 = tpu.matmul %max3A_29, %get3A_68, %dot_general3A_69 {dimension_numbers = #tpu.dot_dimension_numbers<[1], [0], [0], [1], [0, 0, 1, 1], [], []>, transpose_lhs_hint = false} : vector<1000x128xf32>, vector<128x128xf32>, vector<1000x128xf32> -> vector<1000x128xf32>
    %mul3A = arith.mulf %logistic3A_65, %get3A_32 : vector<1000x128xf32>
    %get3A_71 = arith.constant 0 : index
    %get3A_72 = arith.constant 0 : index
    %get3A_73 = vector.load %arg10[%get3A_71, %get3A_72] : memref<128x128xf32, #tpu.memory_space<vmem>>, vector<128x128xf32>
    %dot_general3A_74 = arith.constant dense<0.000000e+00> : vector<1000x128xf32>
    %dot_general3A_75 = tpu.matmul %mul3A, %get3A_73, %dot_general3A_74 {dimension_numbers = #tpu.dot_dimension_numbers<[1], [0], [0], [1], [0, 0, 1, 1], [], []>, transpose_lhs_hint = false} : vector<1000x128xf32>, vector<128x128xf32>, vector<1000x128xf32> -> vector<1000x128xf32>
    %add3A_76 = arith.addf %dot_general3A_70, %dot_general3A_75 : vector<1000x128xf32>
    %tanh3A = math.tanh %add3A_76 : vector<1000x128xf32>
    %sub3A = arith.constant 1.000000e+00 : f32
    %sub3A_77 = vector.broadcast %sub3A : f32 to vector<1000x128xf32>
    %sub3A_78 = arith.subf %sub3A_77, %logistic3A_48 : vector<1000x128xf32>
    %mul3A_79 = arith.mulf %sub3A_78, %get3A_32 : vector<1000x128xf32>
    %mul3A_80 = arith.mulf %logistic3A_48, %tanh3A : vector<1000x128xf32>
    %add3A_81 = arith.addf %mul3A_79, %mul3A_80 : vector<1000x128xf32>
    %max3A_82 = arith.constant 0.000000e+00 : f32
    %max3A_83 = vector.broadcast %max3A_82 : f32 to vector<1000x128xf32>
    %max3A_84 = arith.maximumf %add3A_81, %max3A_83 : vector<1000x128xf32>
    %swap3A = arith.constant 0 : index
    %swap3A_85 = arith.constant 0 : index
    %swap3A_86 = vector.load %arg11[%swap3A, %swap3A_85] : memref<1000x128xf32, #tpu.memory_space<vmem>>, vector<1000x128xf32>
    tpu.vector_store %arg11[%swap3A, %swap3A_85], %max3A_84 {strides = array<i32>} : memref<1000x128xf32, #tpu.memory_space<vmem>>, vector<1000x128xf32>,
    return
  }
  func.func @transform_0(%arg0: i32) -> (i32, i32, i32) {
    %c0_i32 = arith.constant 0 : i32
    %c0_i32_0 = arith.constant 0 : i32
    %c0_i32_1 = arith.constant 0 : i32
    return %c0_i32, %arg0, %c0_i32_0 : i32, i32, i32
  }
  func.func @transform_1(%arg0: i32) -> (i32, i32, i32) {
    %c0_i32 = arith.constant 0 : i32
    %c0_i32_0 = arith.constant 0 : i32
    %c0_i32_1 = arith.constant 0 : i32
    return %c0_i32, %arg0, %c0_i32_0 : i32, i32, i32
  }
  func.func @transform_2(%arg0: i32) -> (i32, i32) {
    %c0_i32 = arith.constant 0 : i32
    %c0_i32_0 = arith.constant 0 : i32
    return %arg0, %c0_i32 : i32, i32
  }
  func.func @transform_3(%arg0: i32) -> (i32, i32) {
    %c0_i32 = arith.constant 0 : i32
    %c0_i32_0 = arith.constant 0 : i32
    %c0_i32_1 = arith.constant 0 : i32
    return %c0_i32, %c0_i32_0 : i32, i32
  }
  func.func @transform_4(%arg0: i32) -> (i32, i32) {
    %c0_i32 = arith.constant 0 : i32
    %c0_i32_0 = arith.constant 0 : i32
    %c0_i32_1 = arith.constant 0 : i32
    return %c0_i32, %c0_i32_0 : i32, i32
  }
  func.func @transform_5(%arg0: i32) -> (i32, i32) {
    %c0_i32 = arith.constant 0 : i32
    %c0_i32_0 = arith.constant 0 : i32
    %c0_i32_1 = arith.constant 0 : i32
    return %c0_i32, %c0_i32_0 : i32, i32
  }
  func.func @transform_6(%arg0: i32) -> (i32, i32) {
    %c0_i32 = arith.constant 0 : i32
    %c0_i32_0 = arith.constant 0 : i32
    %c0_i32_1 = arith.constant 0 : i32
    return %c0_i32, %c0_i32_0 : i32, i32
  }
  func.func @transform_7(%arg0: i32) -> (i32, i32) {
    %c0_i32 = arith.constant 0 : i32
    %c0_i32_0 = arith.constant 0 : i32
    %c0_i32_1 = arith.constant 0 : i32
    return %c0_i32, %c0_i32_0 : i32, i32
  }
  func.func @transform_8(%arg0: i32) -> (i32, i32) {
    %c0_i32 = arith.constant 0 : i32
    %c0_i32_0 = arith.constant 0 : i32
    %c0_i32_1 = arith.constant 0 : i32
    return %c0_i32, %c0_i32_0 : i32, i32
  }
  func.func @transform_9(%arg0: i32) -> (i32, i32) {
    %c0_i32 = arith.constant 0 : i32
    %c0_i32_0 = arith.constant 0 : i32
    %c0_i32_1 = arith.constant 0 : i32
    return %c0_i32, %c0_i32_0 : i32, i32
  }
  func.func @transform_10(%arg0: i32) -> (i32, i32) {
    %c0_i32 = arith.constant 0 : i32
    %c0_i32_0 = arith.constant 0 : i32
    return %arg0, %c0_i32 : i32, i32
  }
}

</mosaic_0001>

<sc_bundles>
// kernel: kernel.11.cloned.1.call-start
scs
__scs_entry_jumppad:
0x0: {  	(pc) =	sbr.rel $0x88, $3  }
0x1: {  	(tag) =	ssettag $0x0;
	lr =	simm.s32 $0x1  }
0x2: {  	[smem:$0x3F94] =	sst lr;
	_ =	strace $0xD0000000  }
0x3: {  	_ = 	snop  }
0x4: {  	_ = 	snop  }
0x5: {  	_ = 	snop  }
0x6: {  	_ = 	snop  }
0x7: {  	_ = 	snop  }
__scs_overlays_trampoline_lowered:
0x8: {  	[smem:$0x3FA3] =	sst s0  }
0x9: {  	[smem:$0x3FA4] =	sst s1  }
0xa: {  	[smem:$0x3FA5] =	sst s2  }
0xb: {  	[smem:$0x3FA6] =	sst s3  }
0xc: {  	[smem:$0x3FA7] =	sst s4  }
0xd: {  	[smem:$0x3FA8] =	sst s5  }
0xe: {  	[smem:$0x3FA9] =	sst s6  }
0xf: {  	[smem:$0x3FAA] =	sst s7  }
0x10: {  	[smem:$0x3FAB] =	sst s8  }
0x11: {  	[smem:$0x3FAC] =	sst s9;
	s0 =	simm.s32 @!p0 $0x0  }
0x12: {  	s1 =	sld [smem:$0x3F92];
	s0 =	simm.s32 @p0 $0x1  }
0x13: {  	[smem:$0x3FAD] =	sst s0;
	s0 =	simm.s32 @!p1 $0x0  }
0x14: {  	s2 =	sld [smem:$0x3F91];
	s0 =	simm.s32 @p1 $0x1  }
0x15: {  	[smem:$0x3FAE] =	sst s0;
	s0 =	simm.s32 @!p2 $0x0  }
0x16: {  	s3 =	sld [smem:$0x3FDB];
	s0 =	simm.s32 @p2 $0x1  }
0x17: {  	s4 =	simm.s32 $0x1BF5;
	[smem:$0x3FB0] =	sst s0  }
0x18: {  	s0 =	sld [smem:$0x3F93];
	_ =	swait.ge [sflag:s4], $0x0  }
0x19: {  	s7 =	sld [smem:$0x3F94]  }
0x1a: {  	s8 =	sadd.s32 $0xFFFFE003, lr  }
0x1b: {  	s9 =	sadd.s32 $0xFFFFFEF7, lr;
	s5 =	simm.s32 $0xFFFFFFFF;
	p2 =	slt.u32 s8, $0xFFFFF086  }
0x1c: {  	p1 =	slt.u32 s9, $0xF7A;
	s5 =	simm.s32 @!p2 $0x0  }
0x1d: {  	s5 =	simm.s32 @p1 $0x1;
	p0 =	seq.s32 s7, s2  }
0x1e: {  	s7 =	smul.u32 @!p0 $0xF7A, s2;
	p2 =	seq.s32 @!p0 s5, $0x0  }
0x1f: {  	s9 =	smul.u32 $0xF7A, s1;
	s8 =	simm.s32 @!p0 $0x1BF5;
	p2 =	por !p2, p0  }
0x20: {  	[sflag:s8] =	ssyncset.s32 @!p0 $0xFFFFF086;
	s6 =	sadd.s32 @!p0 s3, s7;
	s7 =	simm.s32 @!p0 $0x108  }
0x21: {  	s3 =	sadd.s32 s3, s9;
	s6 =	sadd.s32 @!p0 $0x88, s6;
	s7 =	simm.s32 @p2 $0x1082  }
0x22: {  	[simem:s7], [sflag:s8] =	dma.local @!p0 [hbm:s6], $0xF7A  }
0x23: {  	s9 =	sor.u32 $0xD0000000, s2;
	s6 =	simm.s32 $0x108;
	_ =	swait.ge @!p0 [sflag:s8], $0x0  }
0x24: {  	s3 =	sadd.s32 $0x88, s3;
	s6 =	simm.s32 @!p1 $0x1082;
	[sflag:s4] =	ssyncset.s32 $0xFFFFF086  }
0x25: {  	[simem:s6], [sflag:s4] =	dma.local [hbm:s3], $0xF7A  }
0x26: {  	[smem:$0x3F94] =	sst s1;
	(tag) =	ssettag s2;
	_ =	strace s9  }
0x27: {  	s1 =	sld [smem:$0x3FA4]  }
0x28: {  	s2 =	sld [smem:$0x3FA5]  }
0x29: {  	s4 =	sld [smem:$0x3FA7]  }
0x2a: {  	p0 =	seq.s32 s5, $0x0;
	s5 =	sld [smem:$0x3FA8]  }
0x2b: {  	s6 =	sld [smem:$0x3FA9]  }
0x2c: {  	s7 =	sld [smem:$0x3FAA]  }
0x2d: {  	s3 =	simm.s32 $0x108;
	s8 =	sld [smem:$0x3FAB]  }
0x2e: {  	s3 =	simm.s32 @!p0 $0x1082;
	s9 =	sld [smem:$0x3FAC]  }
0x2f: {  	lr =	sadd.s32 s0, s3;
	s0 =	sld [smem:$0x3FA3]  }
0x30: {  	s3 =	sld [smem:$0x3FA6]  }
0x31: {  	[smem:$0x3FAF] =	sst s10  }
0x32: {  	s10 =	sld [smem:$0x3FAD];
	_ =	sdelay $0x3  }
0x33: {  	p0 =	seq.s32 s10, $0x1;
	s10 =	sld [smem:$0x3FAF];
	_ =	sdelay $0x3  }
0x34: {  	[smem:$0x3FAF] =	sst s10  }
0x35: {  	s10 =	sld [smem:$0x3FAE];
	_ =	sdelay $0x3  }
0x36: {  	p1 =	seq.s32 s10, $0x1;
	s10 =	sld [smem:$0x3FAF];
	_ =	sdelay $0x3  }
0x37: {  	[smem:$0x3FAF] =	sst s10  }
0x38: {  	s10 =	sld [smem:$0x3FB0]  }
0x39: {  	_ = 	snop;
	(pc) =	sbr.ind lr, $3  }
0x3a: {  	_ = 	snop  }
0x3b: {  	_ = 	snop  }
0x3c: {  	p2 =	seq.s32 s10, $0x1;
	s10 =	sld [smem:$0x3FAF]  }
0x3d: {  	_ =	shalt  }
0x3e: {  	_ =	shalt  }
0x3f: {  	_ =	shalt  }
0x40: {  	_ =	shalt  }
0x41: {  	_ =	shalt  }
0x42: {  	_ =	shalt  }
0x43: {  	_ =	shalt  }
0x44: {  	_ =	shalt  }
0x45: {  	_ =	shalt  }
0x46: {  	_ =	shalt  }
0x47: {  	_ =	shalt  }
0x48: {  	_ =	shalt  }
0x49: {  	_ =	shalt  }
0x4a: {  	_ =	shalt  }
0x4b: {  	_ =	shalt  }
0x4c: {  	_ =	shalt  }
0x4d: {  	_ =	shalt  }
0x4e: {  	_ =	shalt  }
0x4f: {  	_ =	shalt  }
0x50: {  	_ =	shalt  }
0x51: {  	_ =	shalt  }
0x52: {  	_ =	shalt  }
0x53: {  	_ =	shalt  }
0x54: {  	_ =	shalt  }
0x55: {  	_ =	shalt  }
0x56: {  	_ =	shalt  }
0x57: {  	_ =	shalt  }
0x58: {  	_ =	shalt  }
0x59: {  	_ =	shalt  }
0x5a: {  	_ =	shalt  }
0x5b: {  	_ =	shalt  }
0x5c: {  	_ =	shalt  }
0x5d: {  	_ =	shalt  }
0x5e: {  	_ =	shalt  }
0x5f: {  	_ =	shalt  }
0x60: {  	_ =	shalt  }
0x61: {  	_ =	shalt  }
0x62: {  	_ =	shalt  }
0x63: {  	_ =	shalt  }
0x64: {  	_ =	shalt  }
0x65: {  	_ =	shalt  }
0x66: {  	_ =	shalt  }
0x67: {  	_ =	shalt  }
0x68: {  	_ =	shalt  }
0x69: {  	_ =	shalt  }
0x6a: {  	_ =	shalt  }
0x6b: {  	_ =	shalt  }
0x6c: {  	_ =	shalt  }
0x6d: {  	_ =	shalt  }
0x6e: {  	_ =	shalt  }
0x6f: {  	_ =	shalt  }
0x70: {  	_ =	shalt  }
0x71: {  	_ =	shalt  }
0x72: {  	_ =	shalt  }
0x73: {  	_ =	shalt  }
0x74: {  	_ =	shalt  }
0x75: {  	_ =	shalt  }
0x76: {  	_ =	shalt  }
0x77: {  	_ =	shalt  }
0x78: {  	_ =	shalt  }
0x79: {  	_ =	shalt  }
0x7a: {  	_ =	shalt  }
0x7b: {  	_ =	shalt  }
0x7c: {  	_ =	shalt  }
0x7d: {  	_ =	shalt  }
0x7e: {  	_ =	shalt  }
0x7f: {  	_ =	shalt  }
0x80: {  	_ =	shalt  }
0x81: {  	_ =	shalt  }
0x82: {  	_ =	shalt  }
0x83: {  	_ =	shalt  }
0x84: {  	_ =	shalt  }
0x85: {  	_ =	shalt  }
0x86: {  	_ =	shalt  }
0x87: {  	_ =	shalt  }
.Lfunc_end0:
.L_simem_size_0:
called_computation.1_lowered:
.L_overlay_start_0:
0x88: {  	s2 =	sld [smem:$0x3FD9]  }
0x89: {  	s3 =	sld [smem:$0x3FFE];
	_ =	sdelay $0x1  }
0x8a: {  	s1 =	srdreg.scid  }
0x8b: {  	s0 =	sand.u32 $0x1, s1  }
0x8c: {  	s17 =	sshll.u32 s0, $0xA;
	s2 =	sadd.s32 s3, s2  }
0x8d: {  	s2 =	sadd.s32 s2, s17  }
0x8e: {  	[smem:$0x3FBB] =	sst s2  }
0x8f: {  	_ = 	snop  }
0x90: {  	s2 =	sld [smem:$0x3FD0];
	(tm) =	ssettm $0x1  }
0x91: {  	s18 =	sld [smem:$0x3FFB];
	_ =	sdelay $0x3  }
0x92: {  	_ =	strace s18  }
0x93: {  	s3 =	sld [smem:$0x3FFC];
	_ =	sdelay $0x3  }
0x94: {  	_ =	strace s3  }
0x95: {  	s3 =	sld [smem:$0x3FFD];
	_ =	sdelay $0x3  }
0x96: {  	_ =	strace s3  }
0x97: {  	_ =	strace $0x8FFFFFFF  }
0x98: {  	s19 =	sld [smem:$0x3FDB];
	_ =	sdelay $0x1  }
0x99: {  	s4 =	simm.s32 $_scs_section_size  }
0x9a: {  	s5 =	simm.s32 $_size__tile_overlayer_lowered;
	s6 =	simm.s32 $_tile_overlayer_lowered  }
0x9b: {  	s22 =	simm.s32 $0x1BFF;
	s21 =	sshll.u32 s6, $0x1;
	s3 =	sadd.s32 s4, s19  }
0x9c: {  	s7 =	simm.s32 $0x0;
	s20 =	sshll.u32 s5, $0x1;
	s5 =	sadd.s32 s21, s3  }
0x9d: {  	[timem:s7], [sflag:s22] =	dma.local [hbm:s5], s20  }
0x9e: {  	_ =	swait.ge [sflag:s22], s20  }
0x9f: {  	s4 =	ssub.s32 $0x0, s20;
	[sflag:s22] =	ssyncset.done $0x0  }
0xa0: {  	[sflag:s22] =	ssyncadd.s32 s4;
	_ =	sdelay $0x1  }
0xa1: {  	s23 =	simm.s32 $0x1B8B  }
0xa2: {  	_ =	swait.ge [sflag:s23], $0x1  }
0xa3: {  	[sflag:s23] =	ssyncset.done $0x0  }
0xa4: {  	s25 =	simm.s32 $0x1B8E;
	s24 =	sld [smem:$0x3FFE];
	[sflag:s23] =	ssyncadd.s32 $0xFFFFFFFF  }
0xa5: {  	s26 =	simm.s32 $execute0_lowered;
	[smem:$0x3FD2] =	sst s25  }
0xa6: {  	s5 =	sshll.u32 s26, $0x1;
	_ =	strace $0x80000046;
	[dreg:$0x1] =	wrdreg $0xFFFFFFFF  }
0xa7: {  	s28 =	simm.s32 $_size_execute0_lowered;
	s3 =	sadd.s32 s3, s5;
	[dreg:$0x0] =	wrdreg $0x0  }
0xa8: {  	s5 =	sshll.u32 s28, $0x1;
	[dreg:$0x2] =	wrdreg s3  }
0xa9: {  	[dreg:$0x3] =	wrdreg s5  }
0xaa: {  	[dreg:$0x4] =	wrdreg $0xC0  }
0xab: {  	_ =	task [dreg:s7], $0x5FFFF  }
0xac: {  	[dreg:$0x1] =	wrdreg $0xFFFFFFFF  }
0xad: {  	[dreg:$0x0] =	wrdreg $0x60  }
0xae: {  	[dreg:$0x2] =	wrdreg s24  }
0xaf: {  	[dreg:$0x3] =	wrdreg s2  }
0xb0: {  	[dreg:$0x4] =	wrdreg $0x48000  }
0xb1: {  	[dreg:$0x5] =	wrdreg $0xA  }
0xb2: {  	_ =	task.clear_ibuf [dreg:s7], $0x6FFFF;
	_ =	strace $0x90000046  }
0xb3: {  	s29 =	simm.s32 $0xA;
	_ =	strace $0x80000048  }
0xb4: {  	_ =	swait.ge [sflag:s29], $0x1  }
0xb5: {  	[sflag:s29] =	ssyncadd.s32 $0xFFFFFFFF  }
0xb6: {  	_ =	strace $0x90000048  }
0xb7: {  	_ =	sfence  }
0xb8: {  	s30 =	sld [smem:$0x0];
	_ =	sdelay $0x2  }
0xb9: {  	s31 =	sshll.u32 s1, $0xD;
	s1 =	sshrl.u32 s1, $0x2  }
0xba: {  	s3 =	sand.u32 $0x4000, s31;
	s1 =	sadd.s32 s1, s30  }
0xbb: {  	s0 =	sor.u32 s3, s0;
	s1 =	sshll.u32 s1, $0x11  }
0xbc: {  	s0 =	sor.u32 s1, s0  }
0xbd: {  	s0 =	sadd.s32 $0x8F2B, s0  }
0xbe: {  	[sflag:s0] =	ssyncadd.remote.s32 $0x1  }
0xbf: {  	_ =	sfence.sel $0xFFFF  }
0xc0: {  	[dreg:$0x0] =	wrdreg $0xFFFFFFFF;
	(pc) =	sbr.abs _section_cstart, $3  }
0xc1: {  	[dreg:$0x1] =	wrdreg $0xFFFFFFFF  }
0xc2: {  	_ =	task.clear_ibuf [dreg:s7], $0x2FFFF;
	_ =	strace $0x9FFFFFFF  }
0xc3: {  	(tm) =	ssettm $0x7FFFFFFF  }
tec
execute0_lowered:
.L_overlay_start_1:
0x0: {  	(tag) =	ssettag $0x1  }
0x1: {  	s0 =	srdreg.scid;
	s21 =	stileid.u32  }
0x2: {  	s0 =	sand.u32 $0x1, s0;
	s4 =	smul.u32 $0x500, s21  }
0x3: {  	s5 =	sor.u32 $0x10, s21;
	s2 =	smul.u32 $0x27100, s0  }
0x4: {  	s8 =	sor.u32 $0x20, s21;
	s7 =	smul.u32 $0x500, s5  }
0x5: {  	s11 =	sor.u32 $0x30, s21;
	s10 =	smul.u32 $0x500, s8  }
0x6: {  	s12 =	sor.u32 $0x40, s21;
	s28 =	smul.u32 $0x500, s11  }
0x7: {  	s14 =	sor.u32 $0x50, s21;
	s13 =	smul.u32 $0x500, s12  }
0x8: {  	s1 =	rddreg [dreg:$0x0];
	s29 =	smul.u32 $0x500, s14  }
0x9: {  	s3 =	rddreg [dreg:$0x1];
	s6 =	ssub.s32 $0x2, s0;
	s0 =	smul.u32 $0x28000, s0  }
0xa: {  	s16 =	sor.u32 $0x60, s21;
	s18 =	sor.u32 $0x70, s21;
	s11 =	smul.u32 $0xA000, s11  }
0xb: {  	p0 =	sgt.u32 s18, $0x7C;
	s9 =	sshrl.u32 s6, $0x1;
	s15 =	sadd.s32 s3, s4  }
0xc: {  	s2 =	sadd.s32 s2, s1;
	s6 =	ssub.s32 s6, s9;
	[dreg:$0x4] =	wrdreg s15  }
0xd: {  	s17 =	sadd.s32 s3, s7;
	s19 =	sadd.s32 s3, s10;
	s30 =	sadd.s32 s3, s28  }
0xe: {  	s20 =	sadd.s32 s3, s13;
	s9 =	smul.u32 $0xA000, s8;
	[dreg:$0x5] =	wrdreg s17  }
0xf: {  	s31 =	sadd.s32 s3, s29;
	s15 =	smul.u32 $0xA000, s12;
	[dreg:$0x6] =	wrdreg s19  }
0x10: {  	s8 =	simm.s32 $0x380;
	s17 =	smul.u32 $0x500, s16;
	[dreg:$0x7] =	wrdreg s30  }
0x11: {  	s12 =	simm.s32 $0x580;
	s19 =	smul.u32 $0x500, s18;
	[dreg:$0x8] =	wrdreg s20  }
0x12: {  	s2 =	sadd.s32 $0x17E00, s2;
	[dreg:$0x9] =	wrdreg s31;
	s30 =	smul.u32 $0x2800, s21  }
0x13: {  	s23 =	sadd.s32 s2, s4;
	s24 =	sadd.s32 s2, s7;
	s25 =	sadd.s32 s2, s10  }
0x14: {  	s26 =	sadd.s32 s2, s28;
	s28 =	sadd.s32 s2, s13;
	[dreg:$0xc] =	wrdreg s23  }
0x15: {  	s29 =	sadd.s32 s2, s29;
	s4 =	smul.u32 $0xA000, s5;
	[dreg:$0xd] =	wrdreg s24  }
0x16: {  	s5 =	sadd.s32 $0xD600, s1;
	s7 =	smul.u32 $0xA000, s21;
	[dreg:$0xe] =	wrdreg s25  }
0x17: {  	s1 =	sadd.s32 $0x17600, s1;
	s10 =	smax.u32 s6, $0x1;
	[dreg:$0xf] =	wrdreg s26  }
0x18: {  	s21 =	sshrl.u32 s9, $0x2;
	s6 =	simm.s32 $0x280;
	[dreg:$0x10] =	wrdreg s28  }
0x19: {  	s22 =	sadd.s32 s3, s17;
	s3 =	sadd.s32 s3, s19;
	[dreg:$0x11] =	wrdreg s29  }
0x1a: {  	s31 =	sadd.s32 s2, s17;
	s2 =	sadd.s32 s2, s19;
	s19 =	rddreg [dreg:$0x2]  }
0x1b: {  	s9 =	simm.s32 $0x400;
	s17 =	simm.s32 $0x0;
	[dreg:$0xa] =	wrdreg s22  }
0x1c: {  	s0 =	sadd.s32 s30, s0;
	s24 =	smul.u32 $0xA000, s16;
	[dreg:$0xb] =	wrdreg s3  }
0x1d: {  	s23 =	sshrl.u32 s11, $0x2;
	s25 =	smul.u32 $0xA000, s18;
	[dreg:$0x12] =	wrdreg s31  }
0x1e: {  	s18 =	simm.s32 $0x800;
	s11 =	simm.s32 $0x500;
	[dreg:$0x13] =	wrdreg s2  }
0x1f: {  	s16 =	simm.s32 $0x780;
	[smem:$0x7FF] =	sst s17;
	s0 =	sshrl.u32 s0, $0x3  }
0x20: {  	s13 =	sshrl.u32 s4, $0x2;
	s22 =	smul.u32 $0xA000, s14;
	s2 =	sshrl.u32 s15, $0x2  }
0x21: {  	s3 =	simm.s32 $0x100;
	s4 =	simm.s32 $0x180;
	s14 =	simm.s32 $0x680  }
0x22: {  	s15 =	simm.s32 $0x700;
	_ =	strace $0x80000047;
	[dreg:$0x14] =	wrdreg s1  }
0x23: {  	s20 =	sadd.s32 s5, s0;
	[dreg:$0x15] =	wrdreg s10;
	s0 =	sshrl.u32 s7, $0x2  }
0x24: {  	s26 =	sadd.s32 s2, s19;
	s29 =	sshrl.u32 s24, $0x2;
	s30 =	sshrl.u32 s25, $0x2  }
0x25: {  	s1 =	simm.s32 $0x7D;
	s0 =	sadd.s32 s0, s19;
	[dreg:$0x1a] =	wrdreg s26  }
0x26: {  	s2 =	simm.s32 $0x80;
	s31 =	sadd.s32 s30, s19;
	[dreg:$0x16] =	wrdreg s0  }
0x27: {  	s5 =	simm.s32 $0x200;
	s0 =	sadd.s32 s13, s19;
	[dreg:$0x1d] =	wrdreg s31  }
0x28: {  	s7 =	simm.s32 $0x300;
	[dreg:$0x17] =	wrdreg s0;
	s0 =	sadd.s32 s21, s19  }
0x29: {  	s28 =	sshrl.u32 s22, $0x2;
	[dreg:$0x18] =	wrdreg s0;
	s0 =	sadd.s32 s23, s19  }
0x2a: {  	s10 =	simm.s32 $0x480;
	[dreg:$0x19] =	wrdreg s0;
	s0 =	sadd.s32 s28, s19  }
0x2b: {  	s13 =	simm.s32 $0x600;
	[dreg:$0x1b] =	wrdreg s0;
	s0 =	sadd.s32 s29, s19  }
0x2c: {  	s21 =	simm.s32 $0x0;
	[dreg:$0x1c] =	wrdreg s0;
	s0 =	simm.s32 $0x1  }
.LBB2_1:
0x2d: {  	s22 =	rddreg [dreg:$0x14]  }
0x2e: {  	[tilespmem:s18], [sflag:$0x1] =	stream.linear.gather [hbm4b:s22+s17], $0x3E80, $0x38;
	[tilespmem:$0x18080] =	vst v63  }
0x2f: {  	s24 =	stileid.u32;
	_ =	swait.ge [sflag:s0], $0x3E80  }
0x30: {  	s22 =	sshll.u32 s24, $0x6;
	s23 =	rddreg [dreg:$0x16]  }
0x31: {  	[sflag:s0] =	ssyncset.done $0x0;
	s25 =	rddreg [dreg:$0x4];
	s24 =	sshrl.u32 s23, $0x3  }
0x32: {  	s22 =	sor.u32 $0x1C01, s22;
	[sflag:s0] =	ssyncadd.s32 $0xFFFFC180;
	[dreg:$0x1e] =	wrdreg s24  }
0x33: {  	[spmem:s24], [sflag:s22] =	dma.local [hbm:s25], $0x500  }
0x34: {  	_ =	swait.ge [sflag:s0], $0x500  }
0x35: {  	s26 =	rddreg [dreg:$0x17]  }
0x36: {  	[sflag:s0] =	ssyncset.done $0x0;
	s25 =	rddreg [dreg:$0x5];
	s23 =	sshrl.u32 s26, $0x3  }
0x37: {  	[sflag:s0] =	ssyncadd.s32 $0xFFFFFB00;
	[dreg:$0x1f] =	wrdreg s23  }
0x38: {  	[spmem:s23], [sflag:s22] =	dma.local [hbm:s25], $0x500  }
0x39: {  	_ =	swait.ge [sflag:s0], $0x500  }
0x3a: {  	s26 =	rddreg [dreg:$0x18]  }
0x3b: {  	[sflag:s0] =	ssyncset.done $0x0;
	s25 =	rddreg [dreg:$0x6];
	s23 =	sshrl.u32 s26, $0x3  }
0x3c: {  	[sflag:s0] =	ssyncadd.s32 $0xFFFFFB00;
	[smem:$0x7FC] =	sst s23  }
0x3d: {  	[spmem:s23], [sflag:s22] =	dma.local [hbm:s25], $0x500  }
0x3e: {  	_ =	swait.ge [sflag:s0], $0x500  }
0x3f: {  	s26 =	rddreg [dreg:$0x19]  }
0x40: {  	[sflag:s0] =	ssyncset.done $0x0;
	s25 =	rddreg [dreg:$0x7];
	s23 =	sshrl.u32 s26, $0x3  }
0x41: {  	[sflag:s0] =	ssyncadd.s32 $0xFFFFFB00;
	[smem:$0x7FD] =	sst s23  }
0x42: {  	[spmem:s23], [sflag:s22] =	dma.local [hbm:s25], $0x500  }
0x43: {  	_ =	swait.ge [sflag:s0], $0x500  }
0x44: {  	[sflag:s0] =	ssyncset.done $0x0;
	s26 =	rddreg [dreg:$0x1a]  }
0x45: {  	s24 =	rddreg [dreg:$0x8];
	[sflag:s0] =	ssyncadd.s32 $0xFFFFFB00;
	s28 =	sshrl.u32 s26, $0x3  }
0x46: {  	[spmem:s28], [sflag:s22] =	dma.local [hbm:s24], $0x500  }
0x47: {  	_ =	swait.ge [sflag:s0], $0x500  }
0x48: {  	[sflag:s0] =	ssyncset.done $0x0;
	s25 =	rddreg [dreg:$0x1b]  }
0x49: {  	s26 =	rddreg [dreg:$0x9];
	[sflag:s0] =	ssyncadd.s32 $0xFFFFFB00;
	s29 =	sshrl.u32 s25, $0x3  }
0x4a: {  	[spmem:s29], [sflag:s22] =	dma.local [hbm:s26], $0x500  }
0x4b: {  	_ =	swait.ge [sflag:s0], $0x500  }
0x4c: {  	[sflag:s0] =	ssyncset.done $0x0;
	s24 =	rddreg [dreg:$0x1c]  }
0x4d: {  	s25 =	rddreg [dreg:$0xa];
	[sflag:s0] =	ssyncadd.s32 $0xFFFFFB00;
	s30 =	sshrl.u32 s24, $0x3  }
0x4e: {  	[spmem:s30], [sflag:s22] =	dma.local [hbm:s25], $0x500  }
0x4f: {  	_ =	swait.ge [sflag:s0], $0x500  }
0x50: {  	[sflag:s0] =	ssyncset.done $0x0;
	s23 =	rddreg [dreg:$0x1d]  }
0x51: {  	[sflag:s0] =	ssyncadd.s32 $0xFFFFFB00;
	s31 =	sshrl.u32 @!p0 s23, $0x3;
	s23 =	rddreg [dreg:$0xb]  }
0x52: {  	[spmem:s31], [sflag:s22] =	dma.local @!p0 [hbm:s23], $0x500  }
0x53: {  	s23 =	simm.s32 @!p0 $0x1  }
0x54: {  	_ =	swait.ge @!p0 [sflag:s23], $0x500  }
0x55: {  	[sflag:s23] =	ssyncset.done @!p0 $0x0  }
0x56: {  	[sflag:s23] =	ssyncadd.s32 @!p0 $0xFFFFFB00  }
0x57: {  	s26 =	sadd.s32 $0x0, s20;
	[bflag:$0x0] =	sbarrier.arrive $0xFFFF  }
0x58: {  	[tilespmem:s17], [sflag:$0x1] =	stream.linear.gather [hbm4b:s26+s17], $0x800, $0x38;
	[tilespmem:$0x18080] =	vst v63  }
0x59: {  	_ =	swait.ge [sflag:s0], $0x800  }
0x5a: {  	[sflag:s0] =	ssyncset.done $0x0  }
0x5b: {  	[sflag:s0] =	ssyncadd.s32 $0xFFFFF800  }
0x5c: {  	[spmem:s19] =	stream.indirect.scatter.add.f32 [tilespmem:s18], [sflag:$0x1], $0x80, s17, s1, $0xb8;
	[tilespmem:$0x18080] =	vst v63  }
0x5d: {  	_ =	swait.ge [sflag:s0], $0x3E80  }
0x5e: {  	[sflag:s0] =	ssyncset.done $0x0  }
0x5f: {  	[sflag:s0] =	ssyncadd.s32 $0xFFFFC180  }
0x60: {  	[spmem:s19] =	stream.indirect.scatter.add.f32 [tilespmem:s18], [sflag:$0x1], $0x80, s2, s1, $0xb8;
	[tilespmem:$0x18080] =	vst v63  }
0x61: {  	_ =	swait.ge [sflag:s0], $0x3E80  }
0x62: {  	[sflag:s0] =	ssyncset.done $0x0  }
0x63: {  	[sflag:s0] =	ssyncadd.s32 $0xFFFFC180  }
0x64: {  	[spmem:s19] =	stream.indirect.scatter.add.f32 [tilespmem:s18], [sflag:$0x1], $0x80, s3, s1, $0xb8;
	[tilespmem:$0x18080] =	vst v63  }
0x65: {  	_ =	swait.ge [sflag:s0], $0x3E80  }
0x66: {  	[sflag:s0] =	ssyncset.done $0x0  }
0x67: {  	[sflag:s0] =	ssyncadd.s32 $0xFFFFC180  }
0x68: {  	[spmem:s19] =	stream.indirect.scatter.add.f32 [tilespmem:s18], [sflag:$0x1], $0x80, s4, s1, $0xb8;
	[tilespmem:$0x18080] =	vst v63  }
0x69: {  	_ =	swait.ge [sflag:s0], $0x3E80  }
0x6a: {  	[sflag:s0] =	ssyncset.done $0x0  }
0x6b: {  	[sflag:s0] =	ssyncadd.s32 $0xFFFFC180  }
0x6c: {  	[spmem:s19] =	stream.indirect.scatter.add.f32 [tilespmem:s18], [sflag:$0x1], $0x80, s5, s1, $0xb8;
	[tilespmem:$0x18080] =	vst v63  }
0x6d: {  	_ =	swait.ge [sflag:s0], $0x3E80  }
0x6e: {  	[sflag:s0] =	ssyncset.done $0x0  }
0x6f: {  	[sflag:s0] =	ssyncadd.s32 $0xFFFFC180  }
0x70: {  	[spmem:s19] =	stream.indirect.scatter.add.f32 [tilespmem:s18], [sflag:$0x1], $0x80, s6, s1, $0xb8;
	[tilespmem:$0x18080] =	vst v63  }
0x71: {  	_ =	swait.ge [sflag:s0], $0x3E80  }
0x72: {  	[sflag:s0] =	ssyncset.done $0x0  }
0x73: {  	[sflag:s0] =	ssyncadd.s32 $0xFFFFC180  }
0x74: {  	[spmem:s19] =	stream.indirect.scatter.add.f32 [tilespmem:s18], [sflag:$0x1], $0x80, s7, s1, $0xb8;
	[tilespmem:$0x18080] =	vst v63  }
0x75: {  	_ =	swait.ge [sflag:s0], $0x3E80  }
0x76: {  	[sflag:s0] =	ssyncset.done $0x0  }
0x77: {  	[sflag:s0] =	ssyncadd.s32 $0xFFFFC180  }
0x78: {  	[spmem:s19] =	stream.indirect.scatter.add.f32 [tilespmem:s18], [sflag:$0x1], $0x80, s8, s1, $0xb8;
	[tilespmem:$0x18080] =	vst v63  }
0x79: {  	_ =	swait.ge [sflag:s0], $0x3E80  }
0x7a: {  	[sflag:s0] =	ssyncset.done $0x0  }
0x7b: {  	[sflag:s0] =	ssyncadd.s32 $0xFFFFC180  }
0x7c: {  	[spmem:s19] =	stream.indirect.scatter.add.f32 [tilespmem:s18], [sflag:$0x1], $0x80, s9, s1, $0xb8;
	[tilespmem:$0x18080] =	vst v63  }
0x7d: {  	_ =	swait.ge [sflag:s0], $0x3E80  }
0x7e: {  	[sflag:s0] =	ssyncset.done $0x0  }
0x7f: {  	[sflag:s0] =	ssyncadd.s32 $0xFFFFC180  }
0x80: {  	[spmem:s19] =	stream.indirect.scatter.add.f32 [tilespmem:s18], [sflag:$0x1], $0x80, s10, s1, $0xb8;
	[tilespmem:$0x18080] =	vst v63  }
0x81: {  	_ =	swait.ge [sflag:s0], $0x3E80  }
0x82: {  	[sflag:s0] =	ssyncset.done $0x0  }
0x83: {  	[sflag:s0] =	ssyncadd.s32 $0xFFFFC180  }
0x84: {  	[spmem:s19] =	stream.indirect.scatter.add.f32 [tilespmem:s18], [sflag:$0x1], $0x80, s11, s1, $0xb8;
	[tilespmem:$0x18080] =	vst v63  }
0x85: {  	_ =	swait.ge [sflag:s0], $0x3E80  }
0x86: {  	[sflag:s0] =	ssyncset.done $0x0  }
0x87: {  	[sflag:s0] =	ssyncadd.s32 $0xFFFFC180  }
0x88: {  	[spmem:s19] =	stream.indirect.scatter.add.f32 [tilespmem:s18], [sflag:$0x1], $0x80, s12, s1, $0xb8;
	[tilespmem:$0x18080] =	vst v63  }
0x89: {  	_ =	swait.ge [sflag:s0], $0x3E80  }
0x8a: {  	[sflag:s0] =	ssyncset.done $0x0  }
0x8b: {  	[sflag:s0] =	ssyncadd.s32 $0xFFFFC180  }
0x8c: {  	[spmem:s19] =	stream.indirect.scatter.add.f32 [tilespmem:s18], [sflag:$0x1], $0x80, s13, s1, $0xb8;
	[tilespmem:$0x18080] =	vst v63  }
0x8d: {  	_ =	swait.ge [sflag:s0], $0x3E80  }
0x8e: {  	[sflag:s0] =	ssyncset.done $0x0  }
0x8f: {  	[sflag:s0] =	ssyncadd.s32 $0xFFFFC180  }
0x90: {  	[spmem:s19] =	stream.indirect.scatter.add.f32 [tilespmem:s18], [sflag:$0x1], $0x80, s14, s1, $0xb8;
	[tilespmem:$0x18080] =	vst v63  }
0x91: {  	_ =	swait.ge [sflag:s0], $0x3E80  }
0x92: {  	[sflag:s0] =	ssyncset.done $0x0  }
0x93: {  	[sflag:s0] =	ssyncadd.s32 $0xFFFFC180  }
0x94: {  	[spmem:s19] =	stream.indirect.scatter.add.f32 [tilespmem:s18], [sflag:$0x1], $0x80, s15, s1, $0xb8;
	[tilespmem:$0x18080] =	vst v63  }
0x95: {  	_ =	swait.ge [sflag:s0], $0x3E80  }
0x96: {  	[sflag:s0] =	ssyncset.done $0x0  }
0x97: {  	[sflag:s0] =	ssyncadd.s32 $0xFFFFC180  }
0x98: {  	[spmem:s19] =	stream.indirect.scatter.add.f32 [tilespmem:s18], [sflag:$0x1], $0x80, s16, s1, $0xb8;
	[tilespmem:$0x18080] =	vst v63  }
0x99: {  	_ =	swait.ge [sflag:s0], $0x3E80  }
0x9a: {  	s24 =	simm.s32 $0x200;
	s23 =	simm.s32 $0x100;
	[sflag:s0] =	ssyncset.done $0x0  }
.LBB2_2:
0x9b: {  	s26 =	sadd.s32 s23, s20  }
0x9c: {  	[sflag:s0] =	ssyncadd.s32 $0xFFFFC180;
	s23 =	smov.u32 s24;
	s25 =	sadd.s32 $0x100, s24  }
0x9d: {  	[tilespmem:s17], [sflag:$0x1] =	stream.linear.gather [hbm4b:s26+s17], $0x800, $0x38;
	[tilespmem:$0x18080] =	vst v63  }
0x9e: {  	p1 =	sne.s32 s24, $0x400;
	_ =	swait.ge [sflag:s0], $0x800  }
0x9f: {  	[sflag:s0] =	ssyncset.done $0x0  }
0xa0: {  	[sflag:s0] =	ssyncadd.s32 $0xFFFFF800  }
0xa1: {  	[spmem:s19] =	stream.indirect.scatter.add.f32 [tilespmem:s18], [sflag:$0x1], $0x80, s17, s1, $0xb8;
	[tilespmem:$0x18080] =	vst v63  }
0xa2: {  	_ =	swait.ge [sflag:s0], $0x3E80  }
0xa3: {  	[sflag:s0] =	ssyncset.done $0x0  }
0xa4: {  	[sflag:s0] =	ssyncadd.s32 $0xFFFFC180  }
0xa5: {  	[spmem:s19] =	stream.indirect.scatter.add.f32 [tilespmem:s18], [sflag:$0x1], $0x80, s2, s1, $0xb8;
	[tilespmem:$0x18080] =	vst v63  }
0xa6: {  	_ =	swait.ge [sflag:s0], $0x3E80  }
0xa7: {  	[sflag:s0] =	ssyncset.done $0x0  }
0xa8: {  	[sflag:s0] =	ssyncadd.s32 $0xFFFFC180  }
0xa9: {  	[spmem:s19] =	stream.indirect.scatter.add.f32 [tilespmem:s18], [sflag:$0x1], $0x80, s3, s1, $0xb8;
	[tilespmem:$0x18080] =	vst v63  }
0xaa: {  	_ =	swait.ge [sflag:s0], $0x3E80  }
0xab: {  	[sflag:s0] =	ssyncset.done $0x0  }
0xac: {  	[sflag:s0] =	ssyncadd.s32 $0xFFFFC180  }
0xad: {  	[spmem:s19] =	stream.indirect.scatter.add.f32 [tilespmem:s18], [sflag:$0x1], $0x80, s4, s1, $0xb8;
	[tilespmem:$0x18080] =	vst v63  }
0xae: {  	_ =	swait.ge [sflag:s0], $0x3E80  }
0xaf: {  	[sflag:s0] =	ssyncset.done $0x0  }
0xb0: {  	[sflag:s0] =	ssyncadd.s32 $0xFFFFC180  }
0xb1: {  	[spmem:s19] =	stream.indirect.scatter.add.f32 [tilespmem:s18], [sflag:$0x1], $0x80, s5, s1, $0xb8;
	[tilespmem:$0x18080] =	vst v63  }
0xb2: {  	_ =	swait.ge [sflag:s0], $0x3E80  }
0xb3: {  	[sflag:s0] =	ssyncset.done $0x0  }
0xb4: {  	[sflag:s0] =	ssyncadd.s32 $0xFFFFC180  }
0xb5: {  	[spmem:s19] =	stream.indirect.scatter.add.f32 [tilespmem:s18], [sflag:$0x1], $0x80, s6, s1, $0xb8;
	[tilespmem:$0x18080] =	vst v63  }
0xb6: {  	_ =	swait.ge [sflag:s0], $0x3E80  }
0xb7: {  	[sflag:s0] =	ssyncset.done $0x0  }
0xb8: {  	[sflag:s0] =	ssyncadd.s32 $0xFFFFC180  }
0xb9: {  	[spmem:s19] =	stream.indirect.scatter.add.f32 [tilespmem:s18], [sflag:$0x1], $0x80, s7, s1, $0xb8;
	[tilespmem:$0x18080] =	vst v63  }
0xba: {  	_ =	swait.ge [sflag:s0], $0x3E80  }
0xbb: {  	[sflag:s0] =	ssyncset.done $0x0  }
0xbc: {  	[sflag:s0] =	ssyncadd.s32 $0xFFFFC180  }
0xbd: {  	[spmem:s19] =	stream.indirect.scatter.add.f32 [tilespmem:s18], [sflag:$0x1], $0x80, s8, s1, $0xb8;
	[tilespmem:$0x18080] =	vst v63  }
0xbe: {  	_ =	swait.ge [sflag:s0], $0x3E80  }
0xbf: {  	[sflag:s0] =	ssyncset.done $0x0  }
0xc0: {  	[sflag:s0] =	ssyncadd.s32 $0xFFFFC180  }
0xc1: {  	[spmem:s19] =	stream.indirect.scatter.add.f32 [tilespmem:s18], [sflag:$0x1], $0x80, s9, s1, $0xb8;
	[tilespmem:$0x18080] =	vst v63  }
0xc2: {  	_ =	swait.ge [sflag:s0], $0x3E80  }
0xc3: {  	[sflag:s0] =	ssyncset.done $0x0  }
0xc4: {  	[sflag:s0] =	ssyncadd.s32 $0xFFFFC180  }
0xc5: {  	[spmem:s19] =	stream.indirect.scatter.add.f32 [tilespmem:s18], [sflag:$0x1], $0x80, s10, s1, $0xb8;
	[tilespmem:$0x18080] =	vst v63  }
0xc6: {  	_ =	swait.ge [sflag:s0], $0x3E80  }
0xc7: {  	[sflag:s0] =	ssyncset.done $0x0  }
0xc8: {  	[sflag:s0] =	ssyncadd.s32 $0xFFFFC180  }
0xc9: {  	[spmem:s19] =	stream.indirect.scatter.add.f32 [tilespmem:s18], [sflag:$0x1], $0x80, s11, s1, $0xb8;
	[tilespmem:$0x18080] =	vst v63  }
0xca: {  	_ =	swait.ge [sflag:s0], $0x3E80  }
0xcb: {  	[sflag:s0] =	ssyncset.done $0x0  }
0xcc: {  	[sflag:s0] =	ssyncadd.s32 $0xFFFFC180  }
0xcd: {  	[spmem:s19] =	stream.indirect.scatter.add.f32 [tilespmem:s18], [sflag:$0x1], $0x80, s12, s1, $0xb8;
	[tilespmem:$0x18080] =	vst v63  }
0xce: {  	_ =	swait.ge [sflag:s0], $0x3E80  }
0xcf: {  	[sflag:s0] =	ssyncset.done $0x0  }
0xd0: {  	[sflag:s0] =	ssyncadd.s32 $0xFFFFC180  }
0xd1: {  	[spmem:s19] =	stream.indirect.scatter.add.f32 [tilespmem:s18], [sflag:$0x1], $0x80, s13, s1, $0xb8;
	[tilespmem:$0x18080] =	vst v63  }
0xd2: {  	_ =	swait.ge [sflag:s0], $0x3E80  }
0xd3: {  	[sflag:s0] =	ssyncset.done $0x0  }
0xd4: {  	[sflag:s0] =	ssyncadd.s32 $0xFFFFC180  }
0xd5: {  	[spmem:s19] =	stream.indirect.scatter.add.f32 [tilespmem:s18], [sflag:$0x1], $0x80, s14, s1, $0xb8;
	[tilespmem:$0x18080] =	vst v63  }
0xd6: {  	_ =	swait.ge [sflag:s0], $0x3E80  }
0xd7: {  	[sflag:s0] =	ssyncset.done $0x0  }
0xd8: {  	[sflag:s0] =	ssyncadd.s32 $0xFFFFC180  }
0xd9: {  	[spmem:s19] =	stream.indirect.scatter.add.f32 [tilespmem:s18], [sflag:$0x1], $0x80, s15, s1, $0xb8;
	[tilespmem:$0x18080] =	vst v63  }
0xda: {  	_ =	swait.ge [sflag:s0], $0x3E80  }
.Ltmp0:
0xdb: {  	[sflag:s0] =	ssyncset.done $0x0;
	(pc) =	sbr.rel @p1 .LBB2_2-.Ltmp0, $4  }
0xdc: {  	[sflag:s0] =	ssyncadd.s32 $0xFFFFC180  }
0xdd: {  	[spmem:s19] =	stream.indirect.scatter.add.f32 [tilespmem:s18], [sflag:$0x1], $0x80, s16, s1, $0xb8;
	[tilespmem:$0x18080] =	vst v63  }
0xde: {  	_ =	swait.ge [sflag:s0], $0x3E80  }
0xdf: {  	s24 =	smov.u32 s25;
	[sflag:s0] =	ssyncset.done $0x0  }
0xe0: {  	s23 =	sadd.s32 s23, s20;
	[sflag:s0] =	ssyncadd.s32 $0xFFFFC180  }
0xe1: {  	[tilespmem:s17], [sflag:$0x1] =	stream.linear.gather [hbm4b:s23+s17], $0x800, $0x38;
	[tilespmem:$0x18080] =	vst v63  }
0xe2: {  	_ =	swait.ge [sflag:s0], $0x800  }
0xe3: {  	[sflag:s0] =	ssyncset.done $0x0  }
0xe4: {  	[sflag:s0] =	ssyncadd.s32 $0xFFFFF800  }
0xe5: {  	[spmem:s19] =	stream.indirect.scatter.add.f32 [tilespmem:s18], [sflag:$0x1], $0x80, s17, s1, $0xb8;
	[tilespmem:$0x18080] =	vst v63  }
0xe6: {  	_ =	swait.ge [sflag:s0], $0x3E80  }
0xe7: {  	[sflag:s0] =	ssyncset.done $0x0  }
0xe8: {  	[sflag:s0] =	ssyncadd.s32 $0xFFFFC180  }
0xe9: {  	[spmem:s19] =	stream.indirect.scatter.add.f32 [tilespmem:s18], [sflag:$0x1], $0x80, s2, s1, $0xb8;
	[tilespmem:$0x18080] =	vst v63  }
0xea: {  	_ =	swait.ge [sflag:s0], $0x3E80  }
0xeb: {  	[sflag:s0] =	ssyncset.done $0x0  }
0xec: {  	[sflag:s0] =	ssyncadd.s32 $0xFFFFC180  }
0xed: {  	[spmem:s19] =	stream.indirect.scatter.add.f32 [tilespmem:s18], [sflag:$0x1], $0x80, s3, s1, $0xb8;
	[tilespmem:$0x18080] =	vst v63  }
0xee: {  	_ =	swait.ge [sflag:s0], $0x3E80  }
0xef: {  	[sflag:s0] =	ssyncset.done $0x0  }
0xf0: {  	[sflag:s0] =	ssyncadd.s32 $0xFFFFC180  }
0xf1: {  	[spmem:s19] =	stream.indirect.scatter.add.f32 [tilespmem:s18], [sflag:$0x1], $0x80, s4, s1, $0xb8;
	[tilespmem:$0x18080] =	vst v63  }
0xf2: {  	_ =	swait.ge [sflag:s0], $0x3E80  }
0xf3: {  	[sflag:s0] =	ssyncset.done $0x0  }
0xf4: {  	[sflag:s0] =	ssyncadd.s32 $0xFFFFC180  }
0xf5: {  	[spmem:s19] =	stream.indirect.scatter.add.f32 [tilespmem:s18], [sflag:$0x1], $0x80, s5, s1, $0xb8;
	[tilespmem:$0x18080] =	vst v63  }
0xf6: {  	_ =	swait.ge [sflag:s0], $0x3E80  }
0xf7: {  	[sflag:s0] =	ssyncset.done $0x0  }
0xf8: {  	[sflag:s0] =	ssyncadd.s32 $0xFFFFC180  }
0xf9: {  	[spmem:s19] =	stream.indirect.scatter.add.f32 [tilespmem:s18], [sflag:$0x1], $0x80, s6, s1, $0xb8;
	[tilespmem:$0x18080] =	vst v63  }
0xfa: {  	_ =	swait.ge [sflag:s0], $0x3E80  }
0xfb: {  	[sflag:s0] =	ssyncset.done $0x0  }
0xfc: {  	[sflag:s0] =	ssyncadd.s32 $0xFFFFC180  }
0xfd: {  	[spmem:s19] =	stream.indirect.scatter.add.f32 [tilespmem:s18], [sflag:$0x1], $0x80, s7, s1, $0xb8;
	[tilespmem:$0x18080] =	vst v63  }
0xfe: {  	_ =	swait.ge [sflag:s0], $0x3E80  }
0xff: {  	[sflag:s0] =	ssyncset.done $0x0  }
0x100: {  	[sflag:s0] =	ssyncadd.s32 $0xFFFFC180  }
0x101: {  	[spmem:s19] =	stream.indirect.scatter.add.f32 [tilespmem:s18], [sflag:$0x1], $0x80, s8, s1, $0xb8;
	[tilespmem:$0x18080] =	vst v63  }
0x102: {  	_ =	swait.ge [sflag:s0], $0x3E80  }
0x103: {  	[sflag:s0] =	ssyncset.done $0x0  }
0x104: {  	[sflag:s0] =	ssyncadd.s32 $0xFFFFC180  }
0x105: {  	[spmem:s19] =	stream.indirect.scatter.add.f32 [tilespmem:s18], [sflag:$0x1], $0x80, s9, s1, $0xb8;
	[tilespmem:$0x18080] =	vst v63  }
0x106: {  	_ =	swait.ge [sflag:s0], $0x3E80  }
0x107: {  	[sflag:s0] =	ssyncset.done $0x0  }
0x108: {  	[sflag:s0] =	ssyncadd.s32 $0xFFFFC180  }
0x109: {  	[spmem:s19] =	stream.indirect.scatter.add.f32 [tilespmem:s18], [sflag:$0x1], $0x80, s10, s1, $0xb8;
	[tilespmem:$0x18080] =	vst v63  }
0x10a: {  	_ =	swait.ge [sflag:s0], $0x3E80  }
0x10b: {  	[sflag:s0] =	ssyncset.done $0x0  }
0x10c: {  	[sflag:s0] =	ssyncadd.s32 $0xFFFFC180  }
0x10d: {  	[spmem:s19] =	stream.indirect.scatter.add.f32 [tilespmem:s18], [sflag:$0x1], $0x80, s11, s1, $0xb8;
	[tilespmem:$0x18080] =	vst v63  }
0x10e: {  	_ =	swait.ge [sflag:s0], $0x3E80  }
0x10f: {  	[sflag:s0] =	ssyncset.done $0x0  }
0x110: {  	[sflag:s0] =	ssyncadd.s32 $0xFFFFC180  }
0x111: {  	[spmem:s19] =	stream.indirect.scatter.add.f32 [tilespmem:s18], [sflag:$0x1], $0x80, s12, s1, $0xb8;
	[tilespmem:$0x18080] =	vst v63  }
0x112: {  	_ =	swait.ge [sflag:s0], $0x3E80  }
0x113: {  	[sflag:s0] =	ssyncset.done $0x0  }
0x114: {  	[sflag:s0] =	ssyncadd.s32 $0xFFFFC180  }
0x115: {  	[spmem:s19] =	stream.indirect.scatter.add.f32 [tilespmem:s18], [sflag:$0x1], $0x80, s13, s1, $0xb8;
	[tilespmem:$0x18080] =	vst v63  }
0x116: {  	_ =	swait.ge [sflag:s0], $0x3E80  }
0x117: {  	[sflag:s0] =	ssyncset.done $0x0  }
0x118: {  	[sflag:s0] =	ssyncadd.s32 $0xFFFFC180  }
0x119: {  	[spmem:s19] =	stream.indirect.scatter.add.f32 [tilespmem:s18], [sflag:$0x1], $0x80, s14, s1, $0xb8;
	[tilespmem:$0x18080] =	vst v63  }
0x11a: {  	_ =	swait.ge [sflag:s0], $0x3E80  }
0x11b: {  	[sflag:s0] =	ssyncset.done $0x0  }
0x11c: {  	[sflag:s0] =	ssyncadd.s32 $0xFFFFC180  }
0x11d: {  	[spmem:s19] =	stream.indirect.scatter.add.f32 [tilespmem:s18], [sflag:$0x1], $0x80, s15, s1, $0xb8;
	[tilespmem:$0x18080] =	vst v63  }
0x11e: {  	_ =	swait.ge [sflag:s0], $0x3E80  }
0x11f: {  	[sflag:s0] =	ssyncset.done $0x0  }
0x120: {  	[sflag:s0] =	ssyncadd.s32 $0xFFFFC180  }
0x121: {  	[spmem:s19] =	stream.indirect.scatter.add.f32 [tilespmem:s18], [sflag:$0x1], $0x80, s16, s1, $0xb8;
	[tilespmem:$0x18080] =	vst v63  }
0x122: {  	_ =	swait.ge [sflag:s0], $0x3E80  }
0x123: {  	[sflag:s0] =	ssyncset.done $0x0  }
0x124: {  	[sflag:s0] =	ssyncadd.s32 $0xFFFFC180  }
0x125: {  	[bflag:$0x0] =	sbarrier.arrive $0xFFFF  }
0x126: {  	s26 =	rddreg [dreg:$0xc]  }
0x127: {  	s24 =	rddreg [dreg:$0x1e]  }
0x128: {  	[hbm:s26], [sflag:s22] =	dma.local [spmem:s24], $0x500  }
0x129: {  	_ =	swait.ge [sflag:s0], $0x500  }
0x12a: {  	[sflag:s0] =	ssyncset.done $0x0;
	s25 =	rddreg [dreg:$0xd]  }
0x12b: {  	s26 =	rddreg [dreg:$0x1f];
	[sflag:s0] =	ssyncadd.s32 $0xFFFFFB00  }
0x12c: {  	[hbm:s25], [sflag:s22] =	dma.local [spmem:s26], $0x500  }
0x12d: {  	_ =	swait.ge [sflag:s0], $0x500  }
0x12e: {  	s26 =	sld [smem:$0x7FC]  }
0x12f: {  	[sflag:s0] =	ssyncset.done $0x0  }
0x130: {  	s25 =	rddreg [dreg:$0xe];
	[sflag:s0] =	ssyncadd.s32 $0xFFFFFB00  }
0x131: {  	[hbm:s25], [sflag:s22] =	dma.local [spmem:s26], $0x500  }
0x132: {  	_ =	swait.ge [sflag:s0], $0x500  }
0x133: {  	s25 =	sld [smem:$0x7FD]  }
0x134: {  	[sflag:s0] =	ssyncset.done $0x0  }
0x135: {  	s24 =	rddreg [dreg:$0xf];
	[sflag:s0] =	ssyncadd.s32 $0xFFFFFB00  }
0x136: {  	[hbm:s24], [sflag:s22] =	dma.local [spmem:s25], $0x500  }
0x137: {  	_ =	swait.ge [sflag:s0], $0x500  }
0x138: {  	[sflag:s0] =	ssyncset.done $0x0  }
0x139: {  	s26 =	rddreg [dreg:$0x10];
	[sflag:s0] =	ssyncadd.s32 $0xFFFFFB00  }
0x13a: {  	[hbm:s26], [sflag:s22] =	dma.local [spmem:s28], $0x500  }
0x13b: {  	_ =	swait.ge [sflag:s0], $0x500  }
0x13c: {  	[sflag:s0] =	ssyncset.done $0x0  }
0x13d: {  	s28 =	rddreg [dreg:$0x11];
	[sflag:s0] =	ssyncadd.s32 $0xFFFFFB00  }
0x13e: {  	[hbm:s28], [sflag:s22] =	dma.local [spmem:s29], $0x500  }
0x13f: {  	_ =	swait.ge [sflag:s0], $0x500  }
0x140: {  	[sflag:s0] =	ssyncset.done $0x0  }
0x141: {  	s29 =	rddreg [dreg:$0x12];
	[sflag:s0] =	ssyncadd.s32 $0xFFFFFB00  }
0x142: {  	[hbm:s29], [sflag:s22] =	dma.local [spmem:s30], $0x500  }
0x143: {  	_ =	swait.ge [sflag:s0], $0x500  }
0x144: {  	[sflag:s0] =	ssyncset.done $0x0  }
0x145: {  	s23 =	rddreg [dreg:$0x13];
	[sflag:s0] =	ssyncadd.s32 $0xFFFFFB00  }
0x146: {  	[hbm:s23], [sflag:s22] =	dma.local @!p0 [spmem:s31], $0x500  }
0x147: {  	s22 =	simm.s32 @!p0 $0x1  }
0x148: {  	_ =	swait.ge @!p0 [sflag:s22], $0x500  }
0x149: {  	s21 =	sadd.s32 $0x1, s21;
	s31 =	rddreg [dreg:$0x15]  }
0x14a: {  	p1 =	sne.s32 s21, s31  }
.Ltmp1:
0x14b: {  	_ = 	snop;
	(pc) =	sbr.rel @p1 .LBB2_1-.Ltmp1, $3  }
0x14c: {  	_ =	sdelay $0x1  }
0x14d: {  	[sflag:s22] =	ssyncset.done @!p0 $0x0  }
0x14e: {  	[sflag:s22] =	ssyncadd.s32 @!p0 $0xFFFFFB00  }
0x14f: {  	_ =	sfence.sel $0x180000  }
0x150: {  	[bflag:$0x0] =	sbarrier.arrive $0xFFFF  }
0x151: {  	_ =	strace $0x90000047  }
0x152: {  	s0 =	stileid.u32;
	[bflag:$0x2] =	sbarrier.arrive $0xFFFF  }
0x153: {  	p0 =	sne.s32 s0, $0x0;
	s0 =	rddreg [dreg:$0x3]  }
0x154: {  	s0 =	sadd.s32 @!p0 $0x100000, s0  }
0x155: {  	[sflag:s0] =	ssyncadd.tile.s32 @!p0 $0x1;
	_ =	shalt  }
.Lfunc_end2:
_tile_overlayer_lowered:
.L_overlay_start_2:
0x156: {  	(tag) =	ssettag $0x2  }
0x157: {  	s0 =	rddreg [dreg:$0x0];
	s2 =	stileid.u32  }
0x158: {  	s1 =	rddreg [dreg:$0x1];
	p0 =	sne.s32 s2, $0x0  }
0x159: {  	s3 =	rddreg [dreg:$0x2];
	[bflag:$0x3] =	sbarrier.arrive $0xFFFF;
	s2 =	simm.s32 @!p0 $0x1C01  }
0x15a: {  	[timem:s3], [sflag:s2] =	dma.local @!p0 [hbm:s0], s1  }
0x15b: {  	s0 =	simm.s32 @!p0 $0x1  }
0x15c: {  	_ =	swait.ge @!p0 [sflag:s0], s1  }
0x15d: {  	s1 =	ssub.s32 @!p0 $0x0, s1;
	[sflag:s0] =	ssyncset.done @!p0 $0x0  }
0x15e: {  	[sflag:s0] =	ssyncadd.s32 @!p0 s1  }
0x15f: {  	[bflag:$0x3] =	sbarrier.arrive $0xFFFF  }
0x160: {  	_ =	shalt  }

// kernel: kernel.14.cloned.1.call-start
scs
__scs_entry_jumppad:
0x0: {  	(pc) =	sbr.rel $0x88, $3  }
0x1: {  	(tag) =	ssettag $0x0;
	lr =	simm.s32 $0x1  }
0x2: {  	[smem:$0x3F94] =	sst lr;
	_ =	strace $0xD0000000  }
0x3: {  	_ = 	snop  }
0x4: {  	_ = 	snop  }
0x5: {  	_ = 	snop  }
0x6: {  	_ = 	snop  }
0x7: {  	_ = 	snop  }
__scs_overlays_trampoline_lowered:
0x8: {  	[smem:$0x3FA3] =	sst s0  }
0x9: {  	[smem:$0x3FA4] =	sst s1  }
0xa: {  	[smem:$0x3FA5] =	sst s2  }
0xb: {  	[smem:$0x3FA6] =	sst s3  }
0xc: {  	[smem:$0x3FA7] =	sst s4  }
0xd: {  	[smem:$0x3FA8] =	sst s5  }
0xe: {  	[smem:$0x3FA9] =	sst s6  }
0xf: {  	[smem:$0x3FAA] =	sst s7  }
0x10: {  	[smem:$0x3FAB] =	sst s8  }
0x11: {  	[smem:$0x3FAC] =	sst s9;
	s0 =	simm.s32 @!p0 $0x0  }
0x12: {  	s1 =	sld [smem:$0x3F92];
	s0 =	simm.s32 @p0 $0x1  }
0x13: {  	[smem:$0x3FAD] =	sst s0;
	s0 =	simm.s32 @!p1 $0x0  }
0x14: {  	s2 =	sld [smem:$0x3F91];
	s0 =	simm.s32 @p1 $0x1  }
0x15: {  	[smem:$0x3FAE] =	sst s0;
	s0 =	simm.s32 @!p2 $0x0  }
0x16: {  	s3 =	sld [smem:$0x3FDB];
	s0 =	simm.s32 @p2 $0x1  }
0x17: {  	s4 =	simm.s32 $0x1BF5;
	[smem:$0x3FB0] =	sst s0  }
0x18: {  	s0 =	sld [smem:$0x3F93];
	_ =	swait.ge [sflag:s4], $0x0  }
0x19: {  	s7 =	sld [smem:$0x3F94]  }
0x1a: {  	s8 =	sadd.s32 $0xFFFFE003, lr  }
0x1b: {  	s9 =	sadd.s32 $0xFFFFFEF7, lr;
	s5 =	simm.s32 $0xFFFFFFFF;
	p2 =	slt.u32 s8, $0xFFFFF086  }
0x1c: {  	p1 =	slt.u32 s9, $0xF7A;
	s5 =	simm.s32 @!p2 $0x0  }
0x1d: {  	s5 =	simm.s32 @p1 $0x1;
	p0 =	seq.s32 s7, s2  }
0x1e: {  	s7 =	smul.u32 @!p0 $0xF7A, s2;
	p2 =	seq.s32 @!p0 s5, $0x0  }
0x1f: {  	s9 =	smul.u32 $0xF7A, s1;
	s8 =	simm.s32 @!p0 $0x1BF5;
	p2 =	por !p2, p0  }
0x20: {  	[sflag:s8] =	ssyncset.s32 @!p0 $0xFFFFF086;
	s6 =	sadd.s32 @!p0 s3, s7;
	s7 =	simm.s32 @!p0 $0x108  }
0x21: {  	s3 =	sadd.s32 s3, s9;
	s6 =	sadd.s32 @!p0 $0x88, s6;
	s7 =	simm.s32 @p2 $0x1082  }
0x22: {  	[simem:s7], [sflag:s8] =	dma.local @!p0 [hbm:s6], $0xF7A  }
0x23: {  	s9 =	sor.u32 $0xD0000000, s2;
	s6 =	simm.s32 $0x108;
	_ =	swait.ge @!p0 [sflag:s8], $0x0  }
0x24: {  	s3 =	sadd.s32 $0x88, s3;
	s6 =	simm.s32 @!p1 $0x1082;
	[sflag:s4] =	ssyncset.s32 $0xFFFFF086  }
0x25: {  	[simem:s6], [sflag:s4] =	dma.local [hbm:s3], $0xF7A  }
0x26: {  	[smem:$0x3F94] =	sst s1;
	(tag) =	ssettag s2;
	_ =	strace s9  }
0x27: {  	s1 =	sld [smem:$0x3FA4]  }
0x28: {  	s2 =	sld [smem:$0x3FA5]  }
0x29: {  	s4 =	sld [smem:$0x3FA7]  }
0x2a: {  	p0 =	seq.s32 s5, $0x0;
	s5 =	sld [smem:$0x3FA8]  }
0x2b: {  	s6 =	sld [smem:$0x3FA9]  }
0x2c: {  	s7 =	sld [smem:$0x3FAA]  }
0x2d: {  	s3 =	simm.s32 $0x108;
	s8 =	sld [smem:$0x3FAB]  }
0x2e: {  	s3 =	simm.s32 @!p0 $0x1082;
	s9 =	sld [smem:$0x3FAC]  }
0x2f: {  	lr =	sadd.s32 s0, s3;
	s0 =	sld [smem:$0x3FA3]  }
0x30: {  	s3 =	sld [smem:$0x3FA6]  }
0x31: {  	[smem:$0x3FAF] =	sst s10  }
0x32: {  	s10 =	sld [smem:$0x3FAD];
	_ =	sdelay $0x3  }
0x33: {  	p0 =	seq.s32 s10, $0x1;
	s10 =	sld [smem:$0x3FAF];
	_ =	sdelay $0x3  }
0x34: {  	[smem:$0x3FAF] =	sst s10  }
0x35: {  	s10 =	sld [smem:$0x3FAE];
	_ =	sdelay $0x3  }
0x36: {  	p1 =	seq.s32 s10, $0x1;
	s10 =	sld [smem:$0x3FAF];
	_ =	sdelay $0x3  }
0x37: {  	[smem:$0x3FAF] =	sst s10  }
0x38: {  	s10 =	sld [smem:$0x3FB0]  }
0x39: {  	_ = 	snop;
	(pc) =	sbr.ind lr, $3  }
0x3a: {  	_ = 	snop  }
0x3b: {  	_ = 	snop  }
0x3c: {  	p2 =	seq.s32 s10, $0x1;
	s10 =	sld [smem:$0x3FAF]  }
0x3d: {  	_ =	shalt  }
0x3e: {  	_ =	shalt  }
0x3f: {  	_ =	shalt  }
0x40: {  	_ =	shalt  }
0x41: {  	_ =	shalt  }
0x42: {  	_ =	shalt  }
0x43: {  	_ =	shalt  }
0x44: {  	_ =	shalt  }
0x45: {  	_ =	shalt  }
0x46: {  	_ =	shalt  }
0x47: {  	_ =	shalt  }
0x48: {  	_ =	shalt  }
0x49: {  	_ =	shalt  }
0x4a: {  	_ =	shalt  }
0x4b: {  	_ =	shalt  }
0x4c: {  	_ =	shalt  }
0x4d: {  	_ =	shalt  }
0x4e: {  	_ =	shalt  }
0x4f: {  	_ =	shalt  }
0x50: {  	_ =	shalt  }
0x51: {  	_ =	shalt  }
0x52: {  	_ =	shalt  }
0x53: {  	_ =	shalt  }
0x54: {  	_ =	shalt  }
0x55: {  	_ =	shalt  }
0x56: {  	_ =	shalt  }
0x57: {  	_ =	shalt  }
0x58: {  	_ =	shalt  }
0x59: {  	_ =	shalt  }
0x5a: {  	_ =	shalt  }
0x5b: {  	_ =	shalt  }
0x5c: {  	_ =	shalt  }
0x5d: {  	_ =	shalt  }
0x5e: {  	_ =	shalt  }
0x5f: {  	_ =	shalt  }
0x60: {  	_ =	shalt  }
0x61: {  	_ =	shalt  }
0x62: {  	_ =	shalt  }
0x63: {  	_ =	shalt  }
0x64: {  	_ =	shalt  }
0x65: {  	_ =	shalt  }
0x66: {  	_ =	shalt  }
0x67: {  	_ =	shalt  }
0x68: {  	_ =	shalt  }
0x69: {  	_ =	shalt  }
0x6a: {  	_ =	shalt  }
0x6b: {  	_ =	shalt  }
0x6c: {  	_ =	shalt  }
0x6d: {  	_ =	shalt  }
0x6e: {  	_ =	shalt  }
0x6f: {  	_ =	shalt  }
0x70: {  	_ =	shalt  }
0x71: {  	_ =	shalt  }
0x72: {  	_ =	shalt  }
0x73: {  	_ =	shalt  }
0x74: {  	_ =	shalt  }
0x75: {  	_ =	shalt  }
0x76: {  	_ =	shalt  }
0x77: {  	_ =	shalt  }
0x78: {  	_ =	shalt  }
0x79: {  	_ =	shalt  }
0x7a: {  	_ =	shalt  }
0x7b: {  	_ =	shalt  }
0x7c: {  	_ =	shalt  }
0x7d: {  	_ =	shalt  }
0x7e: {  	_ =	shalt  }
0x7f: {  	_ =	shalt  }
0x80: {  	_ =	shalt  }
0x81: {  	_ =	shalt  }
0x82: {  	_ =	shalt  }
0x83: {  	_ =	shalt  }
0x84: {  	_ =	shalt  }
0x85: {  	_ =	shalt  }
0x86: {  	_ =	shalt  }
0x87: {  	_ =	shalt  }
.Lfunc_end0:
.L_simem_size_0:
called_computation.2_lowered:
.L_overlay_start_0:
0x88: {  	s2 =	sld [smem:$0x3FD9]  }
0x89: {  	s3 =	sld [smem:$0x3FFE];
	_ =	sdelay $0x1  }
0x8a: {  	s1 =	srdreg.scid  }
0x8b: {  	s0 =	sand.u32 $0x1, s1  }
0x8c: {  	s17 =	sshll.u32 s0, $0xA;
	s2 =	sadd.s32 s3, s2  }
0x8d: {  	s2 =	sadd.s32 s2, s17  }
0x8e: {  	[smem:$0x3FBB] =	sst s2  }
0x8f: {  	_ = 	snop  }
0x90: {  	s2 =	sld [smem:$0x3FD0];
	(tm) =	ssettm $0x1  }
0x91: {  	s18 =	sld [smem:$0x3FFB];
	_ =	sdelay $0x3  }
0x92: {  	_ =	strace s18  }
0x93: {  	s3 =	sld [smem:$0x3FFC];
	_ =	sdelay $0x3  }
0x94: {  	_ =	strace s3  }
0x95: {  	s3 =	sld [smem:$0x3FFD];
	_ =	sdelay $0x3  }
0x96: {  	_ =	strace s3  }
0x97: {  	_ =	strace $0x8FFFFFFF  }
0x98: {  	s19 =	sld [smem:$0x3FDB];
	_ =	sdelay $0x1  }
0x99: {  	s4 =	simm.s32 $_scs_section_size  }
0x9a: {  	s5 =	simm.s32 $_size__tile_overlayer_lowered;
	s6 =	simm.s32 $_tile_overlayer_lowered  }
0x9b: {  	s22 =	simm.s32 $0x1BFF;
	s21 =	sshll.u32 s6, $0x1;
	s3 =	sadd.s32 s4, s19  }
0x9c: {  	s7 =	simm.s32 $0x0;
	s20 =	sshll.u32 s5, $0x1;
	s5 =	sadd.s32 s21, s3  }
0x9d: {  	[timem:s7], [sflag:s22] =	dma.local [hbm:s5], s20  }
0x9e: {  	_ =	swait.ge [sflag:s22], s20  }
0x9f: {  	s4 =	ssub.s32 $0x0, s20;
	[sflag:s22] =	ssyncset.done $0x0  }
0xa0: {  	[sflag:s22] =	ssyncadd.s32 s4;
	_ =	sdelay $0x1  }
0xa1: {  	s23 =	simm.s32 $0x1B8B  }
0xa2: {  	_ =	swait.ge [sflag:s23], $0x1  }
0xa3: {  	[sflag:s23] =	ssyncset.done $0x0  }
0xa4: {  	s25 =	simm.s32 $0x1B8E;
	s24 =	sld [smem:$0x3FFE];
	[sflag:s23] =	ssyncadd.s32 $0xFFFFFFFF  }
0xa5: {  	s26 =	simm.s32 $execute0_lowered;
	[smem:$0x3FD2] =	sst s25  }
0xa6: {  	s5 =	sshll.u32 s26, $0x1;
	_ =	strace $0x8000004C;
	[dreg:$0x1] =	wrdreg $0xFFFFFFFF  }
0xa7: {  	s28 =	simm.s32 $_size_execute0_lowered;
	s3 =	sadd.s32 s3, s5;
	[dreg:$0x0] =	wrdreg $0x0  }
0xa8: {  	s5 =	sshll.u32 s28, $0x1;
	[dreg:$0x2] =	wrdreg s3  }
0xa9: {  	[dreg:$0x3] =	wrdreg s5  }
0xaa: {  	[dreg:$0x4] =	wrdreg $0xC0  }
0xab: {  	_ =	task [dreg:s7], $0x5FFFF  }
0xac: {  	[dreg:$0x1] =	wrdreg $0xFFFFFFFF  }
0xad: {  	[dreg:$0x0] =	wrdreg $0x60  }
0xae: {  	[dreg:$0x2] =	wrdreg s24  }
0xaf: {  	[dreg:$0x3] =	wrdreg s2  }
0xb0: {  	[dreg:$0x4] =	wrdreg $0x90000  }
0xb1: {  	[dreg:$0x5] =	wrdreg $0x9  }
0xb2: {  	_ =	task.clear_ibuf [dreg:s7], $0x6FFFF;
	_ =	strace $0x9000004C  }
0xb3: {  	s29 =	simm.s32 $0x9;
	_ =	strace $0x8000004E  }
0xb4: {  	_ =	swait.ge [sflag:s29], $0x1  }
0xb5: {  	[sflag:s29] =	ssyncadd.s32 $0xFFFFFFFF  }
0xb6: {  	_ =	strace $0x9000004E  }
0xb7: {  	_ =	sfence  }
0xb8: {  	s30 =	sld [smem:$0x0];
	_ =	sdelay $0x2  }
0xb9: {  	s31 =	sshll.u32 s1, $0xD;
	s1 =	sshrl.u32 s1, $0x2  }
0xba: {  	s3 =	sand.u32 $0x4000, s31;
	s1 =	sadd.s32 s1, s30  }
0xbb: {  	s0 =	sor.u32 s3, s0;
	s1 =	sshll.u32 s1, $0x11  }
0xbc: {  	s0 =	sor.u32 s1, s0  }
0xbd: {  	s0 =	sadd.s32 $0x8F2B, s0  }
0xbe: {  	[sflag:s0] =	ssyncadd.remote.s32 $0x1  }
0xbf: {  	_ =	sfence.sel $0xFFFF  }
0xc0: {  	[dreg:$0x0] =	wrdreg $0xFFFFFFFF;
	(pc) =	sbr.abs _section_cstart, $3  }
0xc1: {  	[dreg:$0x1] =	wrdreg $0xFFFFFFFF  }
0xc2: {  	_ =	task.clear_ibuf [dreg:s7], $0x2FFFF;
	_ =	strace $0x9FFFFFFF  }
0xc3: {  	(tm) =	ssettm $0x7FFFFFFF  }
tec
execute0_lowered:
.L_overlay_start_1:
0x0: {  	(tag) =	ssettag $0x1  }
0x1: {  	s0 =	rddreg [dreg:$0x0]  }
0x2: {  	s1 =	rddreg [dreg:$0x1];
	s3 =	srdreg.scid  }
0x3: {  	s2 =	rddreg [dreg:$0x2];
	s22 =	stileid.u32;
	s19 =	simm.s32 $0x80  }
0x4: {  	s20 =	simm.s32 $0x100;
	s4 =	sand.u32 $0x1, s3;
	s3 =	simm.s32 $0x0  }
0x5: {  	s21 =	simm.s32 $0x880;
	s23 =	simm.s32 $0x180;
	[smem:$0x7FF] =	sst s3  }
0x6: {  	s24 =	simm.s32 $0x900;
	_ =	strace $0x8000004D;
	[dreg:$0x6] =	wrdreg s19  }
0x7: {  	s25 =	simm.s32 $0x200;
	s26 =	simm.s32 $0x980;
	[dreg:$0x7] =	wrdreg s20  }
0x8: {  	s29 =	simm.s32 $0x280;
	s6 =	smul.u32 $0x2800, s22;
	[dreg:$0x8] =	wrdreg s21  }
0x9: {  	s28 =	simm.s32 $0xF80;
	s10 =	smul.u32 $0x500, s22;
	[dreg:$0x9] =	wrdreg s23  }
0xa: {  	s31 =	simm.s32 $0x0;
	s5 =	smul.u32 $0x28000, s4;
	[dreg:$0xa] =	wrdreg s24  }
0xb: {  	s16 =	smul.u32 $0x27100, s4;
	s4 =	ssub.s32 $0x2, s4;
	[dreg:$0xb] =	wrdreg s25  }
0xc: {  	s9 =	sadd.s32 $0xD600, s0;
	s17 =	sshrl.u32 s4, $0x1;
	[dreg:$0xc] =	wrdreg s26  }
0xd: {  	s13 =	sadd.s32 s1, s10;
	[dreg:$0xd] =	wrdreg s29;
	s20 =	simm.s32 $0xA00  }
0xe: {  	s21 =	sor.u32 $0x70, s22;
	s23 =	simm.s32 $0x300;
	[dreg:$0x13] =	wrdreg s13  }
0xf: {  	s5 =	sadd.s32 s6, s5;
	s6 =	sadd.s32 s16, s0;
	[dreg:$0xe] =	wrdreg s20  }
0x10: {  	s4 =	ssub.s32 s4, s17;
	s16 =	sor.u32 $0x50, s22;
	[dreg:$0xf] =	wrdreg s23  }
0x11: {  	p0 =	sgt.u32 s21, $0x7C;
	s7 =	sshrl.u32 s5, $0x3;
	s17 =	smul.u32 $0x500, s16  }
0x12: {  	s5 =	sor.u32 $0x10, s22;
	s11 =	sadd.s32 $0x8D200, s6;
	s16 =	smul.u32 $0xA000, s16  }
0x13: {  	s6 =	sor.u32 $0x20, s22;
	s4 =	smax.u32 s4, $0x1;
	s12 =	smul.u32 $0x500, s5  }
0x14: {  	s8 =	sadd.s32 s7, s0;
	s13 =	smul.u32 $0x500, s6;
	s7 =	sadd.s32 s9, s7  }
0x15: {  	s29 =	sadd.s32 s11, s10;
	[smem:$0x7F4] =	sst s4;
	s4 =	simm.s32 $0x7D  }
0x16: {  	s8 =	sadd.s32 $0x3600, s8;
	[dreg:$0x5] =	wrdreg s7;
	s7 =	smul.u32 $0x500, s21  }
0x17: {  	s25 =	sadd.s32 s1, s17;
	[dreg:$0x1b] =	wrdreg s29;
	s23 =	sadd.s32 s11, s17  }
0x18: {  	s29 =	smul.u32 $0xA000, s22;
	s14 =	sadd.s32 s1, s12;
	[dreg:$0x4] =	wrdreg s8  }
0x19: {  	s18 =	sadd.s32 s1, s13;
	s8 =	sor.u32 $0x30, s22;
	[dreg:$0x18] =	wrdreg s25  }
0x1a: {  	s10 =	sadd.s32 s11, s12;
	[dreg:$0x14] =	wrdreg s14;
	s9 =	smul.u32 $0x500, s8  }
0x1b: {  	s12 =	sadd.s32 s11, s13;
	[dreg:$0x1c] =	wrdreg s10;
	s10 =	smul.u32 $0xA000, s5  }
0x1c: {  	s14 =	sor.u32 $0x40, s22;
	[dreg:$0x1d] =	wrdreg s12;
	s12 =	smul.u32 $0xA000, s8  }
0x1d: {  	[dreg:$0x15] =	wrdreg s18;
	s18 =	sor.u32 $0x60, s22;
	s15 =	smul.u32 $0x500, s14  }
0x1e: {  	[smem:$0x7F1] =	sst s23;
	s25 =	simm.s32 $0xA80;
	s19 =	smul.u32 $0x500, s18  }
0x1f: {  	[dreg:$0x10] =	wrdreg s25;
	s8 =	simm.s32 $0x2;
	s14 =	smul.u32 $0xA000, s14  }
0x20: {  	s24 =	sadd.s32 s1, s9;
	s13 =	sadd.s32 s11, s9;
	s9 =	simm.s32 $0xB00  }
0x21: {  	s17 =	sshrl.u32 s12, $0x2;
	s12 =	simm.s32 $0xC00;
	[dreg:$0x16] =	wrdreg s24  }
0x22: {  	s20 =	sadd.s32 s1, s15;
	s26 =	sadd.s32 s1, s19;
	[dreg:$0x1e] =	wrdreg s13  }
0x23: {  	s1 =	sadd.s32 s1, s7;
	s24 =	sadd.s32 s11, s19;
	[dreg:$0x12] =	wrdreg s9  }
0x24: {  	s7 =	sadd.s32 s11, s7;
	s13 =	sshll.u32 s22, $0x6;
	[dreg:$0x17] =	wrdreg s20  }
0x25: {  	s19 =	smul.u32 $0xA000, s18;
	s5 =	sshrl.u32 s14, $0x2;
	[dreg:$0x19] =	wrdreg s26  }
0x26: {  	s22 =	smul.u32 $0xA000, s21;
	s9 =	simm.s32 $0x400;
	[dreg:$0x1a] =	wrdreg s1  }
0x27: {  	s14 =	simm.s32 $0xC80;
	s18 =	simm.s32 $0xD80;
	[smem:$0x7F2] =	sst s24  }
0x28: {  	s21 =	simm.s32 $0xE00;
	s20 =	sadd.s32 s11, s15;
	[smem:$0x7F3] =	sst s7  }
0x29: {  	s26 =	simm.s32 $0x380;
	s1 =	sshrl.u32 s29, $0x2;
	s11 =	smul.u32 $0xA000, s6  }
0x2a: {  	s30 =	sor.u32 $0x1C03, s13;
	s23 =	sadd.s32 s5, s2;
	s24 =	sshrl.u32 s16, $0x2  }
0x2b: {  	s5 =	simm.s32 $0x1000;
	s6 =	simm.s32 $0x1;
	s7 =	simm.s32 $0x5000  }
0x2c: {  	s13 =	simm.s32 $0x500;
	s16 =	simm.s32 $0xD00;
	[dreg:$0x1f] =	wrdreg s20  }
0x2d: {  	[dreg:$0x11] =	wrdreg s26;
	s20 =	sadd.s32 $0x66000, s0;
	s1 =	sadd.s32 s1, s2  }
0x2e: {  	s0 =	sshrl.u32 s10, $0x2;
	[smem:$0x7F9] =	sst s23;
	s25 =	sshrl.u32 s19, $0x2  }
0x2f: {  	s26 =	sshrl.u32 s22, $0x2;
	s10 =	simm.s32 $0xB80;
	[smem:$0x7FD] =	sst s30  }
0x30: {  	s19 =	simm.s32 $0x680;
	s22 =	simm.s32 $0x700;
	[smem:$0x7F5] =	sst s1  }
0x31: {  	s0 =	sadd.s32 s0, s2;
	s15 =	sshrl.u32 s11, $0x2;
	s29 =	sadd.s32 s26, s2  }
0x32: {  	s1 =	simm.s32 $0x800;
	s11 =	simm.s32 $0x480;
	[smem:$0x7F6] =	sst s0  }
0x33: {  	s26 =	simm.s32 $0xF00;
	s0 =	sadd.s32 s15, s2;
	[smem:$0x7FC] =	sst s29  }
0x34: {  	s15 =	simm.s32 $0x580;
	[smem:$0x7F7] =	sst s0;
	s0 =	sadd.s32 s17, s2  }
0x35: {  	s17 =	simm.s32 $0x600;
	[smem:$0x7F8] =	sst s0;
	s0 =	sadd.s32 s24, s2  }
0x36: {  	s24 =	simm.s32 $0xE80;
	[smem:$0x7FA] =	sst s0;
	s0 =	sadd.s32 s25, s2  }
0x37: {  	s25 =	simm.s32 $0x780;
	[smem:$0x7FB] =	sst s0;
	s0 =	simm.s32 $0x3  }
.LBB2_1:
0x38: {  	s23 =	sld [smem:$0x7F5];
	_ =	sdelay $0x1  }
0x39: {  	[smem:$0x7E8] =	sst s31  }
0x3a: {  	s29 =	sshrl.u32 s23, $0x3;
	s23 =	rddreg [dreg:$0x13]  }
0x3b: {  	[smem:$0x7E9] =	sst s29  }
0x3c: {  	[spmem:s29], [sflag:s30] =	dma.local [hbm:s23], $0x500  }
0x3d: {  	_ =	swait.ge [sflag:s0], $0x500  }
0x3e: {  	s23 =	sld [smem:$0x7F6];
	_ =	sdelay $0x2  }
0x3f: {  	[sflag:s0] =	ssyncset.done $0x0;
	s29 =	sshrl.u32 s23, $0x3;
	s23 =	rddreg [dreg:$0x14]  }
0x40: {  	[sflag:s0] =	ssyncadd.s32 $0xFFFFFB00;
	[smem:$0x7EA] =	sst s29  }
0x41: {  	[spmem:s29], [sflag:s30] =	dma.local [hbm:s23], $0x500  }
0x42: {  	_ =	swait.ge [sflag:s0], $0x500  }
0x43: {  	s23 =	sld [smem:$0x7F7];
	_ =	sdelay $0x2  }
0x44: {  	[sflag:s0] =	ssyncset.done $0x0;
	s29 =	sshrl.u32 s23, $0x3;
	s23 =	rddreg [dreg:$0x15]  }
0x45: {  	[sflag:s0] =	ssyncadd.s32 $0xFFFFFB00;
	[smem:$0x7EB] =	sst s29  }
0x46: {  	[spmem:s29], [sflag:s30] =	dma.local [hbm:s23], $0x500  }
0x47: {  	_ =	swait.ge [sflag:s0], $0x500  }
0x48: {  	s23 =	sld [smem:$0x7F8];
	_ =	sdelay $0x2  }
0x49: {  	[sflag:s0] =	ssyncset.done $0x0;
	s29 =	sshrl.u32 s23, $0x3;
	s23 =	rddreg [dreg:$0x16]  }
0x4a: {  	[sflag:s0] =	ssyncadd.s32 $0xFFFFFB00;
	[smem:$0x7EC] =	sst s29  }
0x4b: {  	[spmem:s29], [sflag:s30] =	dma.local [hbm:s23], $0x500  }
0x4c: {  	_ =	swait.ge [sflag:s0], $0x500  }
0x4d: {  	s23 =	sld [smem:$0x7F9];
	_ =	sdelay $0x2  }
0x4e: {  	[sflag:s0] =	ssyncset.done $0x0;
	s29 =	sshrl.u32 s23, $0x3;
	s23 =	rddreg [dreg:$0x17]  }
0x4f: {  	[sflag:s0] =	ssyncadd.s32 $0xFFFFFB00;
	[smem:$0x7ED] =	sst s29  }
0x50: {  	[spmem:s29], [sflag:s30] =	dma.local [hbm:s23], $0x500  }
0x51: {  	_ =	swait.ge [sflag:s0], $0x500  }
0x52: {  	s23 =	sld [smem:$0x7FA];
	_ =	sdelay $0x2  }
0x53: {  	[sflag:s0] =	ssyncset.done $0x0;
	s29 =	sshrl.u32 s23, $0x3;
	s23 =	rddreg [dreg:$0x18]  }
0x54: {  	[sflag:s0] =	ssyncadd.s32 $0xFFFFFB00;
	[smem:$0x7EE] =	sst s29  }
0x55: {  	[spmem:s29], [sflag:s30] =	dma.local [hbm:s23], $0x500  }
0x56: {  	_ =	swait.ge [sflag:s0], $0x500  }
0x57: {  	s23 =	sld [smem:$0x7FB];
	_ =	sdelay $0x2  }
0x58: {  	[sflag:s0] =	ssyncset.done $0x0;
	s29 =	sshrl.u32 s23, $0x3;
	s23 =	rddreg [dreg:$0x19]  }
0x59: {  	[sflag:s0] =	ssyncadd.s32 $0xFFFFFB00;
	[smem:$0x7EF] =	sst s29  }
0x5a: {  	[spmem:s29], [sflag:s30] =	dma.local [hbm:s23], $0x500  }
0x5b: {  	_ =	swait.ge [sflag:s0], $0x500  }
0x5c: {  	s23 =	sld [smem:$0x7FC];
	_ =	sdelay $0x2  }
0x5d: {  	[sflag:s0] =	ssyncset.done $0x0;
	s29 =	sshrl.u32 @!p0 s23, $0x3;
	s23 =	rddreg [dreg:$0x1a]  }
0x5e: {  	[sflag:s0] =	ssyncadd.s32 $0xFFFFFB00;
	[smem:$0x7F0] =	sst s29  }
0x5f: {  	[spmem:s29], [sflag:s30] =	dma.local @!p0 [hbm:s23], $0x500  }
0x60: {  	s29 =	simm.s32 @!p0 $0x3  }
0x61: {  	_ =	swait.ge @!p0 [sflag:s29], $0x500  }
0x62: {  	[sflag:s29] =	ssyncset.done @!p0 $0x0  }
0x63: {  	[sflag:s29] =	ssyncadd.s32 @!p0 $0xFFFFFB00  }
0x64: {  	[bflag:$0x0] =	sbarrier.arrive $0xFFFF  }
0x65: {  	s29 =	rddreg [dreg:$0x4]  }
0x66: {  	s29 =	sadd.s32 $0x0, s29  }
0x67: {  	[tilespmem:s3], [sflag:$0x3] =	stream.linear.gather [hbm4b:s29+s3], $0x800, $0x38;
	[tilespmem:$0x1C880] =	vst v63  }
0x68: {  	_ =	swait.ge [sflag:s0], $0x800  }
0x69: {  	s29 =	rddreg [dreg:$0x5];
	[sflag:s0] =	ssyncset.done $0x0  }
0x6a: {  	[sflag:s0] =	ssyncadd.s32 $0xFFFFF800;
	s29 =	sadd.s32 $0x0, s29  }
0x6b: {  	[tilespmem:s1], [sflag:$0x3] =	stream.linear.gather [hbm4b:s29+s3], $0x800, $0x38;
	[tilespmem:$0x1C880] =	vst v63  }
0x6c: {  	_ =	swait.ge [sflag:s0], $0x800  }
0x6d: {  	[sflag:s0] =	ssyncset.done $0x0  }
0x6e: {  	[sflag:s0] =	ssyncadd.s32 $0xFFFFF800  }
0x6f: {  	[tilespmem:s5], [sflag:$0x1] =	stream.indirect.gather [hbm4b:s20+s4], $0x80, s3, s4, $0xb8;
	[tilespmem:$0x1C880] =	vst v63  }
0x70: {  	_ =	swait.ge [sflag:s6], $0x3E80  }
0x71: {  	[sflag:s6] =	ssyncset.done $0x0  }
0x72: {  	s29 =	rddreg [dreg:$0x6];
	[sflag:s6] =	ssyncadd.s32 $0xFFFFC180  }
0x73: {  	[tilespmem:s7], [sflag:$0x2] =	stream.indirect.gather [hbm4b:s20+s4], $0x80, s29, s4, $0xb8;
	[tilespmem:$0x1C880] =	vst v63  }
0x74: {  	_ = 	snop  }
0x75: {  	[spmem:s2] =	stream.indirect.scatter.add.f32 [tilespmem:s5], [sflag:$0x3], $0x80, s1, s4, $0xb8;
	[tilespmem:$0x1C880] =	vst v63  }
0x76: {  	_ =	swait.ge [sflag:s0], $0x3E80  }
0x77: {  	[sflag:s0] =	ssyncset.done $0x0  }
0x78: {  	[sflag:s0] =	ssyncadd.s32 $0xFFFFC180  }
0x79: {  	_ =	swait.ge [sflag:s8], $0x3E80  }
0x7a: {  	[sflag:s8] =	ssyncset.done $0x0  }
0x7b: {  	s29 =	rddreg [dreg:$0x7];
	[sflag:s8] =	ssyncadd.s32 $0xFFFFC180  }
0x7c: {  	[tilespmem:s5], [sflag:$0x1] =	stream.indirect.gather [hbm4b:s20+s4], $0x80, s29, s4, $0xb8;
	[tilespmem:$0x1C880] =	vst v63  }
0x7d: {  	s30 =	rddreg [dreg:$0x8]  }
0x7e: {  	[spmem:s2] =	stream.indirect.scatter.add.f32 [tilespmem:s7], [sflag:$0x3], $0x80, s30, s4, $0xb8;
	[tilespmem:$0x1C880] =	vst v63  }
0x7f: {  	_ =	swait.ge [sflag:s0], $0x3E80  }
0x80: {  	[sflag:s0] =	ssyncset.done $0x0  }
0x81: {  	[sflag:s0] =	ssyncadd.s32 $0xFFFFC180  }
0x82: {  	_ =	swait.ge [sflag:s6], $0x3E80  }
0x83: {  	[sflag:s6] =	ssyncset.done $0x0  }
0x84: {  	s29 =	rddreg [dreg:$0x9];
	[sflag:s6] =	ssyncadd.s32 $0xFFFFC180  }
0x85: {  	[tilespmem:s7], [sflag:$0x2] =	stream.indirect.gather [hbm4b:s20+s4], $0x80, s29, s4, $0xb8;
	[tilespmem:$0x1C880] =	vst v63  }
0x86: {  	s30 =	rddreg [dreg:$0xa]  }
0x87: {  	[spmem:s2] =	stream.indirect.scatter.add.f32 [tilespmem:s5], [sflag:$0x3], $0x80, s30, s4, $0xb8;
	[tilespmem:$0x1C880] =	vst v63  }
0x88: {  	_ =	swait.ge [sflag:s0], $0x3E80  }
0x89: {  	[sflag:s0] =	ssyncset.done $0x0  }
0x8a: {  	[sflag:s0] =	ssyncadd.s32 $0xFFFFC180  }
0x8b: {  	_ =	swait.ge [sflag:s8], $0x3E80  }
0x8c: {  	[sflag:s8] =	ssyncset.done $0x0  }
0x8d: {  	s29 =	rddreg [dreg:$0xb];
	[sflag:s8] =	ssyncadd.s32 $0xFFFFC180  }
0x8e: {  	[tilespmem:s5], [sflag:$0x1] =	stream.indirect.gather [hbm4b:s20+s4], $0x80, s29, s4, $0xb8;
	[tilespmem:$0x1C880] =	vst v63  }
0x8f: {  	s30 =	rddreg [dreg:$0xc]  }
0x90: {  	[spmem:s2] =	stream.indirect.scatter.add.f32 [tilespmem:s7], [sflag:$0x3], $0x80, s30, s4, $0xb8;
	[tilespmem:$0x1C880] =	vst v63  }
0x91: {  	_ =	swait.ge [sflag:s0], $0x3E80  }
0x92: {  	[sflag:s0] =	ssyncset.done $0x0  }
0x93: {  	[sflag:s0] =	ssyncadd.s32 $0xFFFFC180  }
0x94: {  	_ =	swait.ge [sflag:s6], $0x3E80  }
0x95: {  	[sflag:s6] =	ssyncset.done $0x0  }
0x96: {  	s29 =	rddreg [dreg:$0xd];
	[sflag:s6] =	ssyncadd.s32 $0xFFFFC180  }
0x97: {  	[tilespmem:s7], [sflag:$0x2] =	stream.indirect.gather [hbm4b:s20+s4], $0x80, s29, s4, $0xb8;
	[tilespmem:$0x1C880] =	vst v63  }
0x98: {  	s30 =	rddreg [dreg:$0xe]  }
0x99: {  	[spmem:s2] =	stream.indirect.scatter.add.f32 [tilespmem:s5], [sflag:$0x3], $0x80, s30, s4, $0xb8;
	[tilespmem:$0x1C880] =	vst v63  }
0x9a: {  	_ =	swait.ge [sflag:s0], $0x3E80  }
0x9b: {  	[sflag:s0] =	ssyncset.done $0x0  }
0x9c: {  	[sflag:s0] =	ssyncadd.s32 $0xFFFFC180  }
0x9d: {  	_ =	swait.ge [sflag:s8], $0x3E80  }
0x9e: {  	[sflag:s8] =	ssyncset.done $0x0  }
0x9f: {  	s29 =	rddreg [dreg:$0xf];
	[sflag:s8] =	ssyncadd.s32 $0xFFFFC180  }
0xa0: {  	[tilespmem:s5], [sflag:$0x1] =	stream.indirect.gather [hbm4b:s20+s4], $0x80, s29, s4, $0xb8;
	[tilespmem:$0x1C880] =	vst v63  }
0xa1: {  	s30 =	rddreg [dreg:$0x10]  }
0xa2: {  	[spmem:s2] =	stream.indirect.scatter.add.f32 [tilespmem:s7], [sflag:$0x3], $0x80, s30, s4, $0xb8;
	[tilespmem:$0x1C880] =	vst v63  }
0xa3: {  	_ =	swait.ge [sflag:s0], $0x3E80  }
0xa4: {  	[sflag:s0] =	ssyncset.done $0x0  }
0xa5: {  	[sflag:s0] =	ssyncadd.s32 $0xFFFFC180  }
0xa6: {  	_ =	swait.ge [sflag:s6], $0x3E80  }
0xa7: {  	[sflag:s6] =	ssyncset.done $0x0  }
0xa8: {  	s29 =	rddreg [dreg:$0x11];
	[sflag:s6] =	ssyncadd.s32 $0xFFFFC180  }
0xa9: {  	[tilespmem:s7], [sflag:$0x2] =	stream.indirect.gather [hbm4b:s20+s4], $0x80, s29, s4, $0xb8;
	[tilespmem:$0x1C880] =	vst v63  }
0xaa: {  	s30 =	rddreg [dreg:$0x12]  }
0xab: {  	[spmem:s2] =	stream.indirect.scatter.add.f32 [tilespmem:s5], [sflag:$0x3], $0x80, s30, s4, $0xb8;
	[tilespmem:$0x1C880] =	vst v63  }
0xac: {  	_ =	swait.ge [sflag:s0], $0x3E80  }
0xad: {  	[sflag:s0] =	ssyncset.done $0x0  }
0xae: {  	[sflag:s0] =	ssyncadd.s32 $0xFFFFC180  }
0xaf: {  	_ =	swait.ge [sflag:s8], $0x3E80  }
0xb0: {  	[sflag:s8] =	ssyncset.done $0x0  }
0xb1: {  	[sflag:s8] =	ssyncadd.s32 $0xFFFFC180  }
0xb2: {  	[tilespmem:s5], [sflag:$0x1] =	stream.indirect.gather [hbm4b:s20+s4], $0x80, s9, s4, $0xb8;
	[tilespmem:$0x1C880] =	vst v63  }
0xb3: {  	_ = 	snop  }
0xb4: {  	[spmem:s2] =	stream.indirect.scatter.add.f32 [tilespmem:s7], [sflag:$0x3], $0x80, s10, s4, $0xb8;
	[tilespmem:$0x1C880] =	vst v63  }
0xb5: {  	_ =	swait.ge [sflag:s0], $0x3E80  }
0xb6: {  	[sflag:s0] =	ssyncset.done $0x0  }
0xb7: {  	[sflag:s0] =	ssyncadd.s32 $0xFFFFC180  }
0xb8: {  	_ =	swait.ge [sflag:s6], $0x3E80  }
0xb9: {  	[sflag:s6] =	ssyncset.done $0x0  }
0xba: {  	[sflag:s6] =	ssyncadd.s32 $0xFFFFC180  }
0xbb: {  	[tilespmem:s7], [sflag:$0x2] =	stream.indirect.gather [hbm4b:s20+s4], $0x80, s11, s4, $0xb8;
	[tilespmem:$0x1C880] =	vst v63  }
0xbc: {  	_ = 	snop  }
0xbd: {  	[spmem:s2] =	stream.indirect.scatter.add.f32 [tilespmem:s5], [sflag:$0x3], $0x80, s12, s4, $0xb8;
	[tilespmem:$0x1C880] =	vst v63  }
0xbe: {  	_ =	swait.ge [sflag:s0], $0x3E80  }
0xbf: {  	[sflag:s0] =	ssyncset.done $0x0  }
0xc0: {  	[sflag:s0] =	ssyncadd.s32 $0xFFFFC180  }
0xc1: {  	_ =	swait.ge [sflag:s8], $0x3E80  }
0xc2: {  	[sflag:s8] =	ssyncset.done $0x0  }
0xc3: {  	[sflag:s8] =	ssyncadd.s32 $0xFFFFC180  }
0xc4: {  	[tilespmem:s5], [sflag:$0x1] =	stream.indirect.gather [hbm4b:s20+s4], $0x80, s13, s4, $0xb8;
	[tilespmem:$0x1C880] =	vst v63  }
0xc5: {  	_ = 	snop  }
0xc6: {  	[spmem:s2] =	stream.indirect.scatter.add.f32 [tilespmem:s7], [sflag:$0x3], $0x80, s14, s4, $0xb8;
	[tilespmem:$0x1C880] =	vst v63  }
0xc7: {  	_ =	swait.ge [sflag:s0], $0x3E80  }
0xc8: {  	[sflag:s0] =	ssyncset.done $0x0  }
0xc9: {  	[sflag:s0] =	ssyncadd.s32 $0xFFFFC180  }
0xca: {  	_ =	swait.ge [sflag:s6], $0x3E80  }
0xcb: {  	[sflag:s6] =	ssyncset.done $0x0  }
0xcc: {  	[sflag:s6] =	ssyncadd.s32 $0xFFFFC180  }
0xcd: {  	[tilespmem:s7], [sflag:$0x2] =	stream.indirect.gather [hbm4b:s20+s4], $0x80, s15, s4, $0xb8;
	[tilespmem:$0x1C880] =	vst v63  }
0xce: {  	_ = 	snop  }
0xcf: {  	[spmem:s2] =	stream.indirect.scatter.add.f32 [tilespmem:s5], [sflag:$0x3], $0x80, s16, s4, $0xb8;
	[tilespmem:$0x1C880] =	vst v63  }
0xd0: {  	_ =	swait.ge [sflag:s0], $0x3E80  }
0xd1: {  	[sflag:s0] =	ssyncset.done $0x0  }
0xd2: {  	[sflag:s0] =	ssyncadd.s32 $0xFFFFC180  }
0xd3: {  	_ =	swait.ge [sflag:s8], $0x3E80  }
0xd4: {  	[sflag:s8] =	ssyncset.done $0x0  }
0xd5: {  	[sflag:s8] =	ssyncadd.s32 $0xFFFFC180  }
0xd6: {  	[tilespmem:s5], [sflag:$0x1] =	stream.indirect.gather [hbm4b:s20+s4], $0x80, s17, s4, $0xb8;
	[tilespmem:$0x1C880] =	vst v63  }
0xd7: {  	_ = 	snop  }
0xd8: {  	[spmem:s2] =	stream.indirect.scatter.add.f32 [tilespmem:s7], [sflag:$0x3], $0x80, s18, s4, $0xb8;
	[tilespmem:$0x1C880] =	vst v63  }
0xd9: {  	_ =	swait.ge [sflag:s0], $0x3E80  }
0xda: {  	[sflag:s0] =	ssyncset.done $0x0  }
0xdb: {  	[sflag:s0] =	ssyncadd.s32 $0xFFFFC180  }
0xdc: {  	_ =	swait.ge [sflag:s6], $0x3E80  }
0xdd: {  	[sflag:s6] =	ssyncset.done $0x0  }
0xde: {  	[sflag:s6] =	ssyncadd.s32 $0xFFFFC180  }
0xdf: {  	[tilespmem:s7], [sflag:$0x2] =	stream.indirect.gather [hbm4b:s20+s4], $0x80, s19, s4, $0xb8;
	[tilespmem:$0x1C880] =	vst v63  }
0xe0: {  	_ = 	snop  }
0xe1: {  	[spmem:s2] =	stream.indirect.scatter.add.f32 [tilespmem:s5], [sflag:$0x3], $0x80, s21, s4, $0xb8;
	[tilespmem:$0x1C880] =	vst v63  }
0xe2: {  	_ =	swait.ge [sflag:s0], $0x3E80  }
0xe3: {  	[sflag:s0] =	ssyncset.done $0x0  }
0xe4: {  	[sflag:s0] =	ssyncadd.s32 $0xFFFFC180  }
0xe5: {  	_ =	swait.ge [sflag:s8], $0x3E80  }
0xe6: {  	[sflag:s8] =	ssyncset.done $0x0  }
0xe7: {  	[sflag:s8] =	ssyncadd.s32 $0xFFFFC180  }
0xe8: {  	[tilespmem:s5], [sflag:$0x1] =	stream.indirect.gather [hbm4b:s20+s4], $0x80, s22, s4, $0xb8;
	[tilespmem:$0x1C880] =	vst v63  }
0xe9: {  	_ = 	snop  }
0xea: {  	[spmem:s2] =	stream.indirect.scatter.add.f32 [tilespmem:s7], [sflag:$0x3], $0x80, s24, s4, $0xb8;
	[tilespmem:$0x1C880] =	vst v63  }
0xeb: {  	_ =	swait.ge [sflag:s0], $0x3E80  }
0xec: {  	[sflag:s0] =	ssyncset.done $0x0  }
0xed: {  	[sflag:s0] =	ssyncadd.s32 $0xFFFFC180  }
0xee: {  	_ =	swait.ge [sflag:s6], $0x3E80  }
0xef: {  	[sflag:s6] =	ssyncset.done $0x0  }
0xf0: {  	[sflag:s6] =	ssyncadd.s32 $0xFFFFC180  }
0xf1: {  	[tilespmem:s7], [sflag:$0x2] =	stream.indirect.gather [hbm4b:s20+s4], $0x80, s25, s4, $0xb8;
	[tilespmem:$0x1C880] =	vst v63  }
0xf2: {  	_ = 	snop  }
0xf3: {  	[spmem:s2] =	stream.indirect.scatter.add.f32 [tilespmem:s5], [sflag:$0x3], $0x80, s26, s4, $0xb8;
	[tilespmem:$0x1C880] =	vst v63  }
0xf4: {  	_ =	swait.ge [sflag:s0], $0x3E80  }
0xf5: {  	[sflag:s0] =	ssyncset.done $0x0  }
0xf6: {  	[sflag:s0] =	ssyncadd.s32 $0xFFFFC180  }
0xf7: {  	_ =	swait.ge [sflag:s8], $0x3E80  }
0xf8: {  	[sflag:s8] =	ssyncset.done $0x0  }
0xf9: {  	[sflag:s8] =	ssyncadd.s32 $0xFFFFC180  }
0xfa: {  	[spmem:s2] =	stream.indirect.scatter.add.f32 [tilespmem:s7], [sflag:$0x3], $0x80, s28, s4, $0xb8;
	[tilespmem:$0x1C880] =	vst v63  }
0xfb: {  	s31 =	simm.s32 $0x200;
	_ =	swait.ge [sflag:s0], $0x3E80  }
0xfc: {  	s30 =	simm.s32 $0x100;
	s29 =	rddreg [dreg:$0x4];
	[sflag:s0] =	ssyncset.done $0x0  }
.LBB2_2:
0xfd: {  	[sflag:s0] =	ssyncadd.s32 $0xFFFFC180;
	s29 =	sadd.s32 s30, s29  }
0xfe: {  	[tilespmem:s3], [sflag:$0x3] =	stream.linear.gather [hbm4b:s29+s3], $0x800, $0x38;
	[tilespmem:$0x1C880] =	vst v63  }
0xff: {  	_ =	swait.ge [sflag:s0], $0x800  }
0x100: {  	s29 =	rddreg [dreg:$0x5];
	[sflag:s0] =	ssyncset.done $0x0  }
0x101: {  	[sflag:s0] =	ssyncadd.s32 $0xFFFFF800;
	s29 =	sadd.s32 s30, s29  }
0x102: {  	[tilespmem:s1], [sflag:$0x3] =	stream.linear.gather [hbm4b:s29+s3], $0x800, $0x38;
	[tilespmem:$0x1C880] =	vst v63  }
0x103: {  	_ =	swait.ge [sflag:s0], $0x800  }
0x104: {  	[sflag:s0] =	ssyncset.done $0x0  }
0x105: {  	[sflag:s0] =	ssyncadd.s32 $0xFFFFF800  }
0x106: {  	[tilespmem:s5], [sflag:$0x1] =	stream.indirect.gather [hbm4b:s20+s4], $0x80, s3, s4, $0xb8;
	[tilespmem:$0x1C880] =	vst v63  }
0x107: {  	_ =	swait.ge [sflag:s6], $0x3E80  }
0x108: {  	s23 =	smov.u32 s31;
	[sflag:s6] =	ssyncset.done $0x0  }
0x109: {  	s30 =	smov.u32 s23;
	s23 =	rddreg [dreg:$0x6];
	[sflag:s6] =	ssyncadd.s32 $0xFFFFC180  }
0x10a: {  	[tilespmem:s7], [sflag:$0x2] =	stream.indirect.gather [hbm4b:s20+s4], $0x80, s23, s4, $0xb8;
	[tilespmem:$0x1C880] =	vst v63  }
0x10b: {  	_ = 	snop  }
0x10c: {  	[spmem:s2] =	stream.indirect.scatter.add.f32 [tilespmem:s5], [sflag:$0x3], $0x80, s1, s4, $0xb8;
	[tilespmem:$0x1C880] =	vst v63  }
0x10d: {  	_ =	swait.ge [sflag:s0], $0x3E80  }
0x10e: {  	[sflag:s0] =	ssyncset.done $0x0  }
0x10f: {  	[sflag:s0] =	ssyncadd.s32 $0xFFFFC180  }
0x110: {  	_ =	swait.ge [sflag:s8], $0x3E80  }
0x111: {  	[sflag:s8] =	ssyncset.done $0x0  }
0x112: {  	s23 =	rddreg [dreg:$0x7];
	[sflag:s8] =	ssyncadd.s32 $0xFFFFC180  }
0x113: {  	[tilespmem:s5], [sflag:$0x1] =	stream.indirect.gather [hbm4b:s20+s4], $0x80, s23, s4, $0xb8;
	[tilespmem:$0x1C880] =	vst v63  }
0x114: {  	s29 =	rddreg [dreg:$0x8]  }
0x115: {  	[spmem:s2] =	stream.indirect.scatter.add.f32 [tilespmem:s7], [sflag:$0x3], $0x80, s29, s4, $0xb8;
	[tilespmem:$0x1C880] =	vst v63  }
0x116: {  	_ =	swait.ge [sflag:s0], $0x3E80  }
0x117: {  	[sflag:s0] =	ssyncset.done $0x0  }
0x118: {  	[sflag:s0] =	ssyncadd.s32 $0xFFFFC180  }
0x119: {  	_ =	swait.ge [sflag:s6], $0x3E80  }
0x11a: {  	[sflag:s6] =	ssyncset.done $0x0  }
0x11b: {  	s23 =	rddreg [dreg:$0x9];
	[sflag:s6] =	ssyncadd.s32 $0xFFFFC180  }
0x11c: {  	[tilespmem:s7], [sflag:$0x2] =	stream.indirect.gather [hbm4b:s20+s4], $0x80, s23, s4, $0xb8;
	[tilespmem:$0x1C880] =	vst v63  }
0x11d: {  	s29 =	rddreg [dreg:$0xa]  }
0x11e: {  	[spmem:s2] =	stream.indirect.scatter.add.f32 [tilespmem:s5], [sflag:$0x3], $0x80, s29, s4, $0xb8;
	[tilespmem:$0x1C880] =	vst v63  }
0x11f: {  	_ =	swait.ge [sflag:s0], $0x3E80  }
0x120: {  	[sflag:s0] =	ssyncset.done $0x0  }
0x121: {  	[sflag:s0] =	ssyncadd.s32 $0xFFFFC180  }
0x122: {  	_ =	swait.ge [sflag:s8], $0x3E80  }
0x123: {  	[sflag:s8] =	ssyncset.done $0x0  }
0x124: {  	s23 =	rddreg [dreg:$0xb];
	[sflag:s8] =	ssyncadd.s32 $0xFFFFC180  }
0x125: {  	[tilespmem:s5], [sflag:$0x1] =	stream.indirect.gather [hbm4b:s20+s4], $0x80, s23, s4, $0xb8;
	[tilespmem:$0x1C880] =	vst v63  }
0x126: {  	s29 =	rddreg [dreg:$0xc]  }
0x127: {  	[spmem:s2] =	stream.indirect.scatter.add.f32 [tilespmem:s7], [sflag:$0x3], $0x80, s29, s4, $0xb8;
	[tilespmem:$0x1C880] =	vst v63  }
0x128: {  	_ =	swait.ge [sflag:s0], $0x3E80  }
0x129: {  	[sflag:s0] =	ssyncset.done $0x0  }
0x12a: {  	[sflag:s0] =	ssyncadd.s32 $0xFFFFC180  }
0x12b: {  	_ =	swait.ge [sflag:s6], $0x3E80  }
0x12c: {  	[sflag:s6] =	ssyncset.done $0x0  }
0x12d: {  	s23 =	rddreg [dreg:$0xd];
	[sflag:s6] =	ssyncadd.s32 $0xFFFFC180  }
0x12e: {  	[tilespmem:s7], [sflag:$0x2] =	stream.indirect.gather [hbm4b:s20+s4], $0x80, s23, s4, $0xb8;
	[tilespmem:$0x1C880] =	vst v63  }
0x12f: {  	s29 =	rddreg [dreg:$0xe]  }
0x130: {  	[spmem:s2] =	stream.indirect.scatter.add.f32 [tilespmem:s5], [sflag:$0x3], $0x80, s29, s4, $0xb8;
	[tilespmem:$0x1C880] =	vst v63  }
0x131: {  	_ =	swait.ge [sflag:s0], $0x3E80  }
0x132: {  	[sflag:s0] =	ssyncset.done $0x0  }
0x133: {  	[sflag:s0] =	ssyncadd.s32 $0xFFFFC180  }
0x134: {  	_ =	swait.ge [sflag:s8], $0x3E80  }
0x135: {  	[sflag:s8] =	ssyncset.done $0x0  }
0x136: {  	s23 =	rddreg [dreg:$0xf];
	[sflag:s8] =	ssyncadd.s32 $0xFFFFC180  }
0x137: {  	[tilespmem:s5], [sflag:$0x1] =	stream.indirect.gather [hbm4b:s20+s4], $0x80, s23, s4, $0xb8;
	[tilespmem:$0x1C880] =	vst v63  }
0x138: {  	s29 =	rddreg [dreg:$0x10]  }
0x139: {  	[spmem:s2] =	stream.indirect.scatter.add.f32 [tilespmem:s7], [sflag:$0x3], $0x80, s29, s4, $0xb8;
	[tilespmem:$0x1C880] =	vst v63  }
0x13a: {  	_ =	swait.ge [sflag:s0], $0x3E80  }
0x13b: {  	[sflag:s0] =	ssyncset.done $0x0  }
0x13c: {  	[sflag:s0] =	ssyncadd.s32 $0xFFFFC180  }
0x13d: {  	_ =	swait.ge [sflag:s6], $0x3E80  }
0x13e: {  	[sflag:s6] =	ssyncset.done $0x0  }
0x13f: {  	s23 =	rddreg [dreg:$0x11];
	[sflag:s6] =	ssyncadd.s32 $0xFFFFC180  }
0x140: {  	[tilespmem:s7], [sflag:$0x2] =	stream.indirect.gather [hbm4b:s20+s4], $0x80, s23, s4, $0xb8;
	[tilespmem:$0x1C880] =	vst v63  }
0x141: {  	s29 =	rddreg [dreg:$0x12]  }
0x142: {  	[spmem:s2] =	stream.indirect.scatter.add.f32 [tilespmem:s5], [sflag:$0x3], $0x80, s29, s4, $0xb8;
	[tilespmem:$0x1C880] =	vst v63  }
0x143: {  	_ =	swait.ge [sflag:s0], $0x3E80  }
0x144: {  	[sflag:s0] =	ssyncset.done $0x0  }
0x145: {  	[sflag:s0] =	ssyncadd.s32 $0xFFFFC180  }
0x146: {  	_ =	swait.ge [sflag:s8], $0x3E80  }
0x147: {  	[sflag:s8] =	ssyncset.done $0x0  }
0x148: {  	[sflag:s8] =	ssyncadd.s32 $0xFFFFC180  }
0x149: {  	[tilespmem:s5], [sflag:$0x1] =	stream.indirect.gather [hbm4b:s20+s4], $0x80, s9, s4, $0xb8;
	[tilespmem:$0x1C880] =	vst v63  }
0x14a: {  	_ = 	snop  }
0x14b: {  	[spmem:s2] =	stream.indirect.scatter.add.f32 [tilespmem:s7], [sflag:$0x3], $0x80, s10, s4, $0xb8;
	[tilespmem:$0x1C880] =	vst v63  }
0x14c: {  	_ =	swait.ge [sflag:s0], $0x3E80  }
0x14d: {  	[sflag:s0] =	ssyncset.done $0x0  }
0x14e: {  	[sflag:s0] =	ssyncadd.s32 $0xFFFFC180  }
0x14f: {  	_ =	swait.ge [sflag:s6], $0x3E80  }
0x150: {  	[sflag:s6] =	ssyncset.done $0x0  }
0x151: {  	[sflag:s6] =	ssyncadd.s32 $0xFFFFC180  }
0x152: {  	[tilespmem:s7], [sflag:$0x2] =	stream.indirect.gather [hbm4b:s20+s4], $0x80, s11, s4, $0xb8;
	[tilespmem:$0x1C880] =	vst v63  }
0x153: {  	_ = 	snop  }
0x154: {  	[spmem:s2] =	stream.indirect.scatter.add.f32 [tilespmem:s5], [sflag:$0x3], $0x80, s12, s4, $0xb8;
	[tilespmem:$0x1C880] =	vst v63  }
0x155: {  	_ =	swait.ge [sflag:s0], $0x3E80  }
0x156: {  	[sflag:s0] =	ssyncset.done $0x0  }
0x157: {  	[sflag:s0] =	ssyncadd.s32 $0xFFFFC180  }
0x158: {  	_ =	swait.ge [sflag:s8], $0x3E80  }
0x159: {  	[sflag:s8] =	ssyncset.done $0x0  }
0x15a: {  	[sflag:s8] =	ssyncadd.s32 $0xFFFFC180  }
0x15b: {  	[tilespmem:s5], [sflag:$0x1] =	stream.indirect.gather [hbm4b:s20+s4], $0x80, s13, s4, $0xb8;
	[tilespmem:$0x1C880] =	vst v63  }
0x15c: {  	_ = 	snop  }
0x15d: {  	[spmem:s2] =	stream.indirect.scatter.add.f32 [tilespmem:s7], [sflag:$0x3], $0x80, s14, s4, $0xb8;
	[tilespmem:$0x1C880] =	vst v63  }
0x15e: {  	_ =	swait.ge [sflag:s0], $0x3E80  }
0x15f: {  	[sflag:s0] =	ssyncset.done $0x0  }
0x160: {  	[sflag:s0] =	ssyncadd.s32 $0xFFFFC180  }
0x161: {  	_ =	swait.ge [sflag:s6], $0x3E80  }
0x162: {  	[sflag:s6] =	ssyncset.done $0x0  }
0x163: {  	[sflag:s6] =	ssyncadd.s32 $0xFFFFC180  }
0x164: {  	[tilespmem:s7], [sflag:$0x2] =	stream.indirect.gather [hbm4b:s20+s4], $0x80, s15, s4, $0xb8;
	[tilespmem:$0x1C880] =	vst v63  }
0x165: {  	_ = 	snop  }
0x166: {  	[spmem:s2] =	stream.indirect.scatter.add.f32 [tilespmem:s5], [sflag:$0x3], $0x80, s16, s4, $0xb8;
	[tilespmem:$0x1C880] =	vst v63  }
0x167: {  	_ =	swait.ge [sflag:s0], $0x3E80  }
0x168: {  	[sflag:s0] =	ssyncset.done $0x0  }
0x169: {  	[sflag:s0] =	ssyncadd.s32 $0xFFFFC180  }
0x16a: {  	_ =	swait.ge [sflag:s8], $0x3E80  }
0x16b: {  	[sflag:s8] =	ssyncset.done $0x0  }
0x16c: {  	[sflag:s8] =	ssyncadd.s32 $0xFFFFC180  }
0x16d: {  	[tilespmem:s5], [sflag:$0x1] =	stream.indirect.gather [hbm4b:s20+s4], $0x80, s17, s4, $0xb8;
	[tilespmem:$0x1C880] =	vst v63  }
0x16e: {  	_ = 	snop  }
0x16f: {  	[spmem:s2] =	stream.indirect.scatter.add.f32 [tilespmem:s7], [sflag:$0x3], $0x80, s18, s4, $0xb8;
	[tilespmem:$0x1C880] =	vst v63  }
0x170: {  	_ =	swait.ge [sflag:s0], $0x3E80  }
0x171: {  	[sflag:s0] =	ssyncset.done $0x0  }
0x172: {  	[sflag:s0] =	ssyncadd.s32 $0xFFFFC180  }
0x173: {  	_ =	swait.ge [sflag:s6], $0x3E80  }
0x174: {  	[sflag:s6] =	ssyncset.done $0x0  }
0x175: {  	[sflag:s6] =	ssyncadd.s32 $0xFFFFC180  }
0x176: {  	[tilespmem:s7], [sflag:$0x2] =	stream.indirect.gather [hbm4b:s20+s4], $0x80, s19, s4, $0xb8;
	[tilespmem:$0x1C880] =	vst v63  }
0x177: {  	_ = 	snop  }
0x178: {  	[spmem:s2] =	stream.indirect.scatter.add.f32 [tilespmem:s5], [sflag:$0x3], $0x80, s21, s4, $0xb8;
	[tilespmem:$0x1C880] =	vst v63  }
0x179: {  	_ =	swait.ge [sflag:s0], $0x3E80  }
0x17a: {  	[sflag:s0] =	ssyncset.done $0x0  }
0x17b: {  	[sflag:s0] =	ssyncadd.s32 $0xFFFFC180  }
0x17c: {  	_ =	swait.ge [sflag:s8], $0x3E80  }
0x17d: {  	[sflag:s8] =	ssyncset.done $0x0  }
0x17e: {  	[sflag:s8] =	ssyncadd.s32 $0xFFFFC180  }
0x17f: {  	[tilespmem:s5], [sflag:$0x1] =	stream.indirect.gather [hbm4b:s20+s4], $0x80, s22, s4, $0xb8;
	[tilespmem:$0x1C880] =	vst v63  }
0x180: {  	_ = 	snop  }
0x181: {  	[spmem:s2] =	stream.indirect.scatter.add.f32 [tilespmem:s7], [sflag:$0x3], $0x80, s24, s4, $0xb8;
	[tilespmem:$0x1C880] =	vst v63  }
0x182: {  	_ =	swait.ge [sflag:s0], $0x3E80  }
0x183: {  	[sflag:s0] =	ssyncset.done $0x0  }
0x184: {  	[sflag:s0] =	ssyncadd.s32 $0xFFFFC180  }
0x185: {  	_ =	swait.ge [sflag:s6], $0x3E80  }
0x186: {  	[sflag:s6] =	ssyncset.done $0x0  }
0x187: {  	[sflag:s6] =	ssyncadd.s32 $0xFFFFC180  }
0x188: {  	[tilespmem:s7], [sflag:$0x2] =	stream.indirect.gather [hbm4b:s20+s4], $0x80, s25, s4, $0xb8;
	[tilespmem:$0x1C880] =	vst v63  }
0x189: {  	_ = 	snop  }
0x18a: {  	[spmem:s2] =	stream.indirect.scatter.add.f32 [tilespmem:s5], [sflag:$0x3], $0x80, s26, s4, $0xb8;
	[tilespmem:$0x1C880] =	vst v63  }
0x18b: {  	_ =	swait.ge [sflag:s0], $0x3E80  }
0x18c: {  	[sflag:s0] =	ssyncset.done $0x0  }
0x18d: {  	[sflag:s0] =	ssyncadd.s32 $0xFFFFC180  }
0x18e: {  	p1 =	sne.s32 s31, $0x400;
	_ =	swait.ge [sflag:s8], $0x3E80  }
.Ltmp0:
0x18f: {  	[sflag:s8] =	ssyncset.done $0x0;
	(pc) =	sbr.rel @p1 .LBB2_2-.Ltmp0, $4  }
0x190: {  	[sflag:s8] =	ssyncadd.s32 $0xFFFFC180  }
0x191: {  	[spmem:s2] =	stream.indirect.scatter.add.f32 [tilespmem:s7], [sflag:$0x3], $0x80, s28, s4, $0xb8;
	[tilespmem:$0x1C880] =	vst v63  }
0x192: {  	_ =	swait.ge [sflag:s0], $0x3E80  }
0x193: {  	s31 =	sadd.s32 $0x100, s31;
	s29 =	rddreg [dreg:$0x4];
	[sflag:s0] =	ssyncset.done $0x0  }
0x194: {  	[sflag:s0] =	ssyncadd.s32 $0xFFFFC180;
	s23 =	sadd.s32 s30, s29  }
0x195: {  	[tilespmem:s3], [sflag:$0x3] =	stream.linear.gather [hbm4b:s23+s3], $0x800, $0x38;
	[tilespmem:$0x1C880] =	vst v63  }
0x196: {  	_ =	swait.ge [sflag:s0], $0x800  }
0x197: {  	s29 =	rddreg [dreg:$0x5];
	[sflag:s0] =	ssyncset.done $0x0  }
0x198: {  	[sflag:s0] =	ssyncadd.s32 $0xFFFFF800;
	s23 =	sadd.s32 s30, s29  }
0x199: {  	[tilespmem:s1], [sflag:$0x3] =	stream.linear.gather [hbm4b:s23+s3], $0x800, $0x38;
	[tilespmem:$0x1C880] =	vst v63  }
0x19a: {  	_ =	swait.ge [sflag:s0], $0x800  }
0x19b: {  	[sflag:s0] =	ssyncset.done $0x0  }
0x19c: {  	[sflag:s0] =	ssyncadd.s32 $0xFFFFF800  }
0x19d: {  	[tilespmem:s5], [sflag:$0x1] =	stream.indirect.gather [hbm4b:s20+s4], $0x80, s3, s4, $0xb8;
	[tilespmem:$0x1C880] =	vst v63  }
0x19e: {  	_ =	swait.ge [sflag:s6], $0x3E80  }
0x19f: {  	[sflag:s6] =	ssyncset.done $0x0  }
0x1a0: {  	s29 =	rddreg [dreg:$0x6];
	[sflag:s6] =	ssyncadd.s32 $0xFFFFC180  }
0x1a1: {  	[tilespmem:s7], [sflag:$0x2] =	stream.indirect.gather [hbm4b:s20+s4], $0x80, s29, s4, $0xb8;
	[tilespmem:$0x1C880] =	vst v63  }
0x1a2: {  	_ = 	snop  }
0x1a3: {  	[spmem:s2] =	stream.indirect.scatter.add.f32 [tilespmem:s5], [sflag:$0x3], $0x80, s1, s4, $0xb8;
	[tilespmem:$0x1C880] =	vst v63  }
0x1a4: {  	_ =	swait.ge [sflag:s0], $0x3E80  }
0x1a5: {  	[sflag:s0] =	ssyncset.done $0x0  }
0x1a6: {  	[sflag:s0] =	ssyncadd.s32 $0xFFFFC180  }
0x1a7: {  	_ =	swait.ge [sflag:s8], $0x3E80  }
0x1a8: {  	[sflag:s8] =	ssyncset.done $0x0  }
0x1a9: {  	s23 =	rddreg [dreg:$0x7];
	[sflag:s8] =	ssyncadd.s32 $0xFFFFC180  }
0x1aa: {  	[tilespmem:s5], [sflag:$0x1] =	stream.indirect.gather [hbm4b:s20+s4], $0x80, s23, s4, $0xb8;
	[tilespmem:$0x1C880] =	vst v63  }
0x1ab: {  	s29 =	rddreg [dreg:$0x8]  }
0x1ac: {  	[spmem:s2] =	stream.indirect.scatter.add.f32 [tilespmem:s7], [sflag:$0x3], $0x80, s29, s4, $0xb8;
	[tilespmem:$0x1C880] =	vst v63  }
0x1ad: {  	_ =	swait.ge [sflag:s0], $0x3E80  }
0x1ae: {  	[sflag:s0] =	ssyncset.done $0x0  }
0x1af: {  	[sflag:s0] =	ssyncadd.s32 $0xFFFFC180  }
0x1b0: {  	_ =	swait.ge [sflag:s6], $0x3E80  }
0x1b1: {  	[sflag:s6] =	ssyncset.done $0x0  }
0x1b2: {  	s23 =	rddreg [dreg:$0x9];
	[sflag:s6] =	ssyncadd.s32 $0xFFFFC180  }
0x1b3: {  	[tilespmem:s7], [sflag:$0x2] =	stream.indirect.gather [hbm4b:s20+s4], $0x80, s23, s4, $0xb8;
	[tilespmem:$0x1C880] =	vst v63  }
0x1b4: {  	s29 =	rddreg [dreg:$0xa]  }
0x1b5: {  	[spmem:s2] =	stream.indirect.scatter.add.f32 [tilespmem:s5], [sflag:$0x3], $0x80, s29, s4, $0xb8;
	[tilespmem:$0x1C880] =	vst v63  }
0x1b6: {  	_ =	swait.ge [sflag:s0], $0x3E80  }
0x1b7: {  	[sflag:s0] =	ssyncset.done $0x0  }
0x1b8: {  	[sflag:s0] =	ssyncadd.s32 $0xFFFFC180  }
0x1b9: {  	_ =	swait.ge [sflag:s8], $0x3E80  }
0x1ba: {  	[sflag:s8] =	ssyncset.done $0x0  }
0x1bb: {  	s23 =	rddreg [dreg:$0xb];
	[sflag:s8] =	ssyncadd.s32 $0xFFFFC180  }
0x1bc: {  	[tilespmem:s5], [sflag:$0x1] =	stream.indirect.gather [hbm4b:s20+s4], $0x80, s23, s4, $0xb8;
	[tilespmem:$0x1C880] =	vst v63  }
0x1bd: {  	s29 =	rddreg [dreg:$0xc]  }
0x1be: {  	[spmem:s2] =	stream.indirect.scatter.add.f32 [tilespmem:s7], [sflag:$0x3], $0x80, s29, s4, $0xb8;
	[tilespmem:$0x1C880] =	vst v63  }
0x1bf: {  	_ =	swait.ge [sflag:s0], $0x3E80  }
0x1c0: {  	[sflag:s0] =	ssyncset.done $0x0  }
0x1c1: {  	[sflag:s0] =	ssyncadd.s32 $0xFFFFC180  }
0x1c2: {  	_ =	swait.ge [sflag:s6], $0x3E80  }
0x1c3: {  	[sflag:s6] =	ssyncset.done $0x0  }
0x1c4: {  	s23 =	rddreg [dreg:$0xd];
	[sflag:s6] =	ssyncadd.s32 $0xFFFFC180  }
0x1c5: {  	[tilespmem:s7], [sflag:$0x2] =	stream.indirect.gather [hbm4b:s20+s4], $0x80, s23, s4, $0xb8;
	[tilespmem:$0x1C880] =	vst v63  }
0x1c6: {  	s29 =	rddreg [dreg:$0xe]  }
0x1c7: {  	[spmem:s2] =	stream.indirect.scatter.add.f32 [tilespmem:s5], [sflag:$0x3], $0x80, s29, s4, $0xb8;
	[tilespmem:$0x1C880] =	vst v63  }
0x1c8: {  	_ =	swait.ge [sflag:s0], $0x3E80  }
0x1c9: {  	[sflag:s0] =	ssyncset.done $0x0  }
0x1ca: {  	[sflag:s0] =	ssyncadd.s32 $0xFFFFC180  }
0x1cb: {  	_ =	swait.ge [sflag:s8], $0x3E80  }
0x1cc: {  	[sflag:s8] =	ssyncset.done $0x0  }
0x1cd: {  	s23 =	rddreg [dreg:$0xf];
	[sflag:s8] =	ssyncadd.s32 $0xFFFFC180  }
0x1ce: {  	[tilespmem:s5], [sflag:$0x1] =	stream.indirect.gather [hbm4b:s20+s4], $0x80, s23, s4, $0xb8;
	[tilespmem:$0x1C880] =	vst v63  }
0x1cf: {  	s29 =	rddreg [dreg:$0x10]  }
0x1d0: {  	[spmem:s2] =	stream.indirect.scatter.add.f32 [tilespmem:s7], [sflag:$0x3], $0x80, s29, s4, $0xb8;
	[tilespmem:$0x1C880] =	vst v63  }
0x1d1: {  	_ =	swait.ge [sflag:s0], $0x3E80  }
0x1d2: {  	[sflag:s0] =	ssyncset.done $0x0  }
0x1d3: {  	[sflag:s0] =	ssyncadd.s32 $0xFFFFC180  }
0x1d4: {  	_ =	swait.ge [sflag:s6], $0x3E80  }
0x1d5: {  	[sflag:s6] =	ssyncset.done $0x0  }
0x1d6: {  	s23 =	rddreg [dreg:$0x11];
	[sflag:s6] =	ssyncadd.s32 $0xFFFFC180  }
0x1d7: {  	[tilespmem:s7], [sflag:$0x2] =	stream.indirect.gather [hbm4b:s20+s4], $0x80, s23, s4, $0xb8;
	[tilespmem:$0x1C880] =	vst v63  }
0x1d8: {  	s29 =	rddreg [dreg:$0x12]  }
0x1d9: {  	[spmem:s2] =	stream.indirect.scatter.add.f32 [tilespmem:s5], [sflag:$0x3], $0x80, s29, s4, $0xb8;
	[tilespmem:$0x1C880] =	vst v63  }
0x1da: {  	_ =	swait.ge [sflag:s0], $0x3E80  }
0x1db: {  	[sflag:s0] =	ssyncset.done $0x0  }
0x1dc: {  	[sflag:s0] =	ssyncadd.s32 $0xFFFFC180  }
0x1dd: {  	_ =	swait.ge [sflag:s8], $0x3E80  }
0x1de: {  	[sflag:s8] =	ssyncset.done $0x0  }
0x1df: {  	[sflag:s8] =	ssyncadd.s32 $0xFFFFC180  }
0x1e0: {  	[tilespmem:s5], [sflag:$0x1] =	stream.indirect.gather [hbm4b:s20+s4], $0x80, s9, s4, $0xb8;
	[tilespmem:$0x1C880] =	vst v63  }
0x1e1: {  	_ = 	snop  }
0x1e2: {  	[spmem:s2] =	stream.indirect.scatter.add.f32 [tilespmem:s7], [sflag:$0x3], $0x80, s10, s4, $0xb8;
	[tilespmem:$0x1C880] =	vst v63  }
0x1e3: {  	_ =	swait.ge [sflag:s0], $0x3E80  }
0x1e4: {  	[sflag:s0] =	ssyncset.done $0x0  }
0x1e5: {  	[sflag:s0] =	ssyncadd.s32 $0xFFFFC180  }
0x1e6: {  	_ =	swait.ge [sflag:s6], $0x3E80  }
0x1e7: {  	[sflag:s6] =	ssyncset.done $0x0  }
0x1e8: {  	[sflag:s6] =	ssyncadd.s32 $0xFFFFC180  }
0x1e9: {  	[tilespmem:s7], [sflag:$0x2] =	stream.indirect.gather [hbm4b:s20+s4], $0x80, s11, s4, $0xb8;
	[tilespmem:$0x1C880] =	vst v63  }
0x1ea: {  	_ = 	snop  }
0x1eb: {  	[spmem:s2] =	stream.indirect.scatter.add.f32 [tilespmem:s5], [sflag:$0x3], $0x80, s12, s4, $0xb8;
	[tilespmem:$0x1C880] =	vst v63  }
0x1ec: {  	_ =	swait.ge [sflag:s0], $0x3E80  }
0x1ed: {  	[sflag:s0] =	ssyncset.done $0x0  }
0x1ee: {  	[sflag:s0] =	ssyncadd.s32 $0xFFFFC180  }
0x1ef: {  	_ =	swait.ge [sflag:s8], $0x3E80  }
0x1f0: {  	[sflag:s8] =	ssyncset.done $0x0  }
0x1f1: {  	[sflag:s8] =	ssyncadd.s32 $0xFFFFC180  }
0x1f2: {  	[tilespmem:s5], [sflag:$0x1] =	stream.indirect.gather [hbm4b:s20+s4], $0x80, s13, s4, $0xb8;
	[tilespmem:$0x1C880] =	vst v63  }
0x1f3: {  	_ = 	snop  }
0x1f4: {  	[spmem:s2] =	stream.indirect.scatter.add.f32 [tilespmem:s7], [sflag:$0x3], $0x80, s14, s4, $0xb8;
	[tilespmem:$0x1C880] =	vst v63  }
0x1f5: {  	_ =	swait.ge [sflag:s0], $0x3E80  }
0x1f6: {  	[sflag:s0] =	ssyncset.done $0x0  }
0x1f7: {  	[sflag:s0] =	ssyncadd.s32 $0xFFFFC180  }
0x1f8: {  	_ =	swait.ge [sflag:s6], $0x3E80  }
0x1f9: {  	[sflag:s6] =	ssyncset.done $0x0  }
0x1fa: {  	[sflag:s6] =	ssyncadd.s32 $0xFFFFC180  }
0x1fb: {  	[tilespmem:s7], [sflag:$0x2] =	stream.indirect.gather [hbm4b:s20+s4], $0x80, s15, s4, $0xb8;
	[tilespmem:$0x1C880] =	vst v63  }
0x1fc: {  	_ = 	snop  }
0x1fd: {  	[spmem:s2] =	stream.indirect.scatter.add.f32 [tilespmem:s5], [sflag:$0x3], $0x80, s16, s4, $0xb8;
	[tilespmem:$0x1C880] =	vst v63  }
0x1fe: {  	_ =	swait.ge [sflag:s0], $0x3E80  }
0x1ff: {  	[sflag:s0] =	ssyncset.done $0x0  }
0x200: {  	[sflag:s0] =	ssyncadd.s32 $0xFFFFC180  }
0x201: {  	_ =	swait.ge [sflag:s8], $0x3E80  }
0x202: {  	[sflag:s8] =	ssyncset.done $0x0  }
0x203: {  	[sflag:s8] =	ssyncadd.s32 $0xFFFFC180  }
0x204: {  	[tilespmem:s5], [sflag:$0x1] =	stream.indirect.gather [hbm4b:s20+s4], $0x80, s17, s4, $0xb8;
	[tilespmem:$0x1C880] =	vst v63  }
0x205: {  	_ = 	snop  }
0x206: {  	[spmem:s2] =	stream.indirect.scatter.add.f32 [tilespmem:s7], [sflag:$0x3], $0x80, s18, s4, $0xb8;
	[tilespmem:$0x1C880] =	vst v63  }
0x207: {  	_ =	swait.ge [sflag:s0], $0x3E80  }
0x208: {  	[sflag:s0] =	ssyncset.done $0x0  }
0x209: {  	[sflag:s0] =	ssyncadd.s32 $0xFFFFC180  }
0x20a: {  	_ =	swait.ge [sflag:s6], $0x3E80  }
0x20b: {  	[sflag:s6] =	ssyncset.done $0x0  }
0x20c: {  	[sflag:s6] =	ssyncadd.s32 $0xFFFFC180  }
0x20d: {  	[tilespmem:s7], [sflag:$0x2] =	stream.indirect.gather [hbm4b:s20+s4], $0x80, s19, s4, $0xb8;
	[tilespmem:$0x1C880] =	vst v63  }
0x20e: {  	_ = 	snop  }
0x20f: {  	[spmem:s2] =	stream.indirect.scatter.add.f32 [tilespmem:s5], [sflag:$0x3], $0x80, s21, s4, $0xb8;
	[tilespmem:$0x1C880] =	vst v63  }
0x210: {  	_ =	swait.ge [sflag:s0], $0x3E80  }
0x211: {  	[sflag:s0] =	ssyncset.done $0x0  }
0x212: {  	[sflag:s0] =	ssyncadd.s32 $0xFFFFC180  }
0x213: {  	_ =	swait.ge [sflag:s8], $0x3E80  }
0x214: {  	[sflag:s8] =	ssyncset.done $0x0  }
0x215: {  	[sflag:s8] =	ssyncadd.s32 $0xFFFFC180  }
0x216: {  	[tilespmem:s5], [sflag:$0x1] =	stream.indirect.gather [hbm4b:s20+s4], $0x80, s22, s4, $0xb8;
	[tilespmem:$0x1C880] =	vst v63  }
0x217: {  	_ = 	snop  }
0x218: {  	[spmem:s2] =	stream.indirect.scatter.add.f32 [tilespmem:s7], [sflag:$0x3], $0x80, s24, s4, $0xb8;
	[tilespmem:$0x1C880] =	vst v63  }
0x219: {  	_ =	swait.ge [sflag:s0], $0x3E80  }
0x21a: {  	[sflag:s0] =	ssyncset.done $0x0  }
0x21b: {  	[sflag:s0] =	ssyncadd.s32 $0xFFFFC180  }
0x21c: {  	_ =	swait.ge [sflag:s6], $0x3E80  }
0x21d: {  	[sflag:s6] =	ssyncset.done $0x0  }
0x21e: {  	[sflag:s6] =	ssyncadd.s32 $0xFFFFC180  }
0x21f: {  	[tilespmem:s7], [sflag:$0x2] =	stream.indirect.gather [hbm4b:s20+s4], $0x80, s25, s4, $0xb8;
	[tilespmem:$0x1C880] =	vst v63  }
0x220: {  	_ = 	snop  }
0x221: {  	[spmem:s2] =	stream.indirect.scatter.add.f32 [tilespmem:s5], [sflag:$0x3], $0x80, s26, s4, $0xb8;
	[tilespmem:$0x1C880] =	vst v63  }
0x222: {  	_ =	swait.ge [sflag:s0], $0x3E80  }
0x223: {  	[sflag:s0] =	ssyncset.done $0x0  }
0x224: {  	[sflag:s0] =	ssyncadd.s32 $0xFFFFC180  }
0x225: {  	_ =	swait.ge [sflag:s8], $0x3E80  }
0x226: {  	[sflag:s8] =	ssyncset.done $0x0  }
0x227: {  	[sflag:s8] =	ssyncadd.s32 $0xFFFFC180  }
0x228: {  	[spmem:s2] =	stream.indirect.scatter.add.f32 [tilespmem:s7], [sflag:$0x3], $0x80, s28, s4, $0xb8;
	[tilespmem:$0x1C880] =	vst v63  }
0x229: {  	_ =	swait.ge [sflag:s0], $0x3E80  }
0x22a: {  	[sflag:s0] =	ssyncset.done $0x0  }
0x22b: {  	[sflag:s0] =	ssyncadd.s32 $0xFFFFC180  }
0x22c: {  	[bflag:$0x0] =	sbarrier.arrive $0xFFFF  }
0x22d: {  	s30 =	sld [smem:$0x7FD]  }
0x22e: {  	s29 =	sld [smem:$0x7E9];
	_ =	sdelay $0x1  }
0x22f: {  	s23 =	rddreg [dreg:$0x1b]  }
0x230: {  	[hbm:s23], [sflag:s30] =	dma.local [spmem:s29], $0x500  }
0x231: {  	_ =	swait.ge [sflag:s0], $0x500  }
0x232: {  	s29 =	sld [smem:$0x7EA]  }
0x233: {  	[sflag:s0] =	ssyncset.done $0x0  }
0x234: {  	s23 =	rddreg [dreg:$0x1c];
	[sflag:s0] =	ssyncadd.s32 $0xFFFFFB00  }
0x235: {  	[hbm:s23], [sflag:s30] =	dma.local [spmem:s29], $0x500  }
0x236: {  	_ =	swait.ge [sflag:s0], $0x500  }
0x237: {  	s29 =	sld [smem:$0x7EB]  }
0x238: {  	[sflag:s0] =	ssyncset.done $0x0  }
0x239: {  	s23 =	rddreg [dreg:$0x1d];
	[sflag:s0] =	ssyncadd.s32 $0xFFFFFB00  }
0x23a: {  	[hbm:s23], [sflag:s30] =	dma.local [spmem:s29], $0x500  }
0x23b: {  	_ =	swait.ge [sflag:s0], $0x500  }
0x23c: {  	s29 =	sld [smem:$0x7EC]  }
0x23d: {  	[sflag:s0] =	ssyncset.done $0x0  }
0x23e: {  	s23 =	rddreg [dreg:$0x1e];
	[sflag:s0] =	ssyncadd.s32 $0xFFFFFB00  }
0x23f: {  	[hbm:s23], [sflag:s30] =	dma.local [spmem:s29], $0x500  }
0x240: {  	_ =	swait.ge [sflag:s0], $0x500  }
0x241: {  	s29 =	sld [smem:$0x7ED]  }
0x242: {  	[sflag:s0] =	ssyncset.done $0x0  }
0x243: {  	s23 =	rddreg [dreg:$0x1f];
	[sflag:s0] =	ssyncadd.s32 $0xFFFFFB00  }
0x244: {  	[hbm:s23], [sflag:s30] =	dma.local [spmem:s29], $0x500  }
0x245: {  	_ =	swait.ge [sflag:s0], $0x500  }
0x246: {  	s23 =	sld [smem:$0x7F1]  }
0x247: {  	s29 =	sld [smem:$0x7EE]  }
0x248: {  	[sflag:s0] =	ssyncset.done $0x0  }
0x249: {  	[sflag:s0] =	ssyncadd.s32 $0xFFFFFB00  }
0x24a: {  	[hbm:s23], [sflag:s30] =	dma.local [spmem:s29], $0x500  }
0x24b: {  	_ =	swait.ge [sflag:s0], $0x500  }
0x24c: {  	s23 =	sld [smem:$0x7F2]  }
0x24d: {  	s29 =	sld [smem:$0x7EF]  }
0x24e: {  	[sflag:s0] =	ssyncset.done $0x0  }
0x24f: {  	[sflag:s0] =	ssyncadd.s32 $0xFFFFFB00  }
0x250: {  	[hbm:s23], [sflag:s30] =	dma.local [spmem:s29], $0x500  }
0x251: {  	_ =	swait.ge [sflag:s0], $0x500  }
0x252: {  	s23 =	sld [smem:$0x7F3]  }
0x253: {  	s29 =	sld [smem:$0x7F0]  }
0x254: {  	[sflag:s0] =	ssyncset.done $0x0  }
0x255: {  	[sflag:s0] =	ssyncadd.s32 $0xFFFFFB00  }
0x256: {  	[hbm:s23], [sflag:s30] =	dma.local @!p0 [spmem:s29], $0x500  }
0x257: {  	s23 =	simm.s32 @!p0 $0x3  }
0x258: {  	_ =	swait.ge @!p0 [sflag:s23], $0x500  }
0x259: {  	s31 =	sld [smem:$0x7E8]  }
0x25a: {  	s29 =	sld [smem:$0x7F4];
	_ =	sdelay $0x1  }
0x25b: {  	s31 =	sadd.s32 $0x1, s31  }
0x25c: {  	p1 =	sne.s32 s31, s29  }
.Ltmp1:
0x25d: {  	_ = 	snop;
	(pc) =	sbr.rel @p1 .LBB2_1-.Ltmp1, $3  }
0x25e: {  	_ =	sdelay $0x1  }
0x25f: {  	[sflag:s23] =	ssyncset.done @!p0 $0x0  }
0x260: {  	[sflag:s23] =	ssyncadd.s32 @!p0 $0xFFFFFB00  }
0x261: {  	_ =	sfence.sel $0x180000  }
0x262: {  	[bflag:$0x0] =	sbarrier.arrive $0xFFFF  }
0x263: {  	_ =	strace $0x9000004D  }
0x264: {  	s0 =	stileid.u32;
	[bflag:$0x2] =	sbarrier.arrive $0xFFFF  }
0x265: {  	p0 =	sne.s32 s0, $0x0;
	s0 =	rddreg [dreg:$0x3]  }
0x266: {  	s0 =	sadd.s32 @!p0 $0x100000, s0  }
0x267: {  	[sflag:s0] =	ssyncadd.tile.s32 @!p0 $0x1;
	_ =	shalt  }
.Lfunc_end2:
_tile_overlayer_lowered:
.L_overlay_start_2:
0x268: {  	(tag) =	ssettag $0x2  }
0x269: {  	s0 =	rddreg [dreg:$0x0];
	s2 =	stileid.u32  }
0x26a: {  	s1 =	rddreg [dreg:$0x1];
	p0 =	sne.s32 s2, $0x0  }
0x26b: {  	s3 =	rddreg [dreg:$0x2];
	[bflag:$0x3] =	sbarrier.arrive $0xFFFF;
	s2 =	simm.s32 @!p0 $0x1C03  }
0x26c: {  	[timem:s3], [sflag:s2] =	dma.local @!p0 [hbm:s0], s1  }
0x26d: {  	s0 =	simm.s32 @!p0 $0x3  }
0x26e: {  	_ =	swait.ge @!p0 [sflag:s0], s1  }
0x26f: {  	s1 =	ssub.s32 @!p0 $0x0, s1;
	[sflag:s0] =	ssyncset.done @!p0 $0x0  }
0x270: {  	[sflag:s0] =	ssyncadd.s32 @!p0 s1  }
0x271: {  	[bflag:$0x3] =	sbarrier.arrive $0xFFFF  }
0x272: {  	_ =	shalt  }

// kernel: kernel.8.cloned.1.call-start
scs
__scs_entry_jumppad:
0x0: {  	(pc) =	sbr.rel $0x88, $3  }
0x1: {  	(tag) =	ssettag $0x0;
	lr =	simm.s32 $0x1  }
0x2: {  	[smem:$0x3F94] =	sst lr;
	_ =	strace $0xD0000000  }
0x3: {  	_ = 	snop  }
0x4: {  	_ = 	snop  }
0x5: {  	_ = 	snop  }
0x6: {  	_ = 	snop  }
0x7: {  	_ = 	snop  }
__scs_overlays_trampoline_lowered:
0x8: {  	[smem:$0x3FA3] =	sst s0  }
0x9: {  	[smem:$0x3FA4] =	sst s1  }
0xa: {  	[smem:$0x3FA5] =	sst s2  }
0xb: {  	[smem:$0x3FA6] =	sst s3  }
0xc: {  	[smem:$0x3FA7] =	sst s4  }
0xd: {  	[smem:$0x3FA8] =	sst s5  }
0xe: {  	[smem:$0x3FA9] =	sst s6  }
0xf: {  	[smem:$0x3FAA] =	sst s7  }
0x10: {  	[smem:$0x3FAB] =	sst s8  }
0x11: {  	[smem:$0x3FAC] =	sst s9;
	s0 =	simm.s32 @!p0 $0x0  }
0x12: {  	s1 =	sld [smem:$0x3F92];
	s0 =	simm.s32 @p0 $0x1  }
0x13: {  	[smem:$0x3FAD] =	sst s0;
	s0 =	simm.s32 @!p1 $0x0  }
0x14: {  	s2 =	sld [smem:$0x3F91];
	s0 =	simm.s32 @p1 $0x1  }
0x15: {  	[smem:$0x3FAE] =	sst s0;
	s0 =	simm.s32 @!p2 $0x0  }
0x16: {  	s3 =	sld [smem:$0x3FDB];
	s0 =	simm.s32 @p2 $0x1  }
0x17: {  	s4 =	simm.s32 $0x1BF5;
	[smem:$0x3FB0] =	sst s0  }
0x18: {  	s0 =	sld [smem:$0x3F93];
	_ =	swait.ge [sflag:s4], $0x0  }
0x19: {  	s7 =	sld [smem:$0x3F94]  }
0x1a: {  	s8 =	sadd.s32 $0xFFFFE003, lr  }
0x1b: {  	s9 =	sadd.s32 $0xFFFFFEF7, lr;
	s5 =	simm.s32 $0xFFFFFFFF;
	p2 =	slt.u32 s8, $0xFFFFF086  }
0x1c: {  	p1 =	slt.u32 s9, $0xF7A;
	s5 =	simm.s32 @!p2 $0x0  }
0x1d: {  	s5 =	simm.s32 @p1 $0x1;
	p0 =	seq.s32 s7, s2  }
0x1e: {  	s7 =	smul.u32 @!p0 $0xF7A, s2;
	p2 =	seq.s32 @!p0 s5, $0x0  }
0x1f: {  	s9 =	smul.u32 $0xF7A, s1;
	s8 =	simm.s32 @!p0 $0x1BF5;
	p2 =	por !p2, p0  }
0x20: {  	[sflag:s8] =	ssyncset.s32 @!p0 $0xFFFFF086;
	s6 =	sadd.s32 @!p0 s3, s7;
	s7 =	simm.s32 @!p0 $0x108  }
0x21: {  	s3 =	sadd.s32 s3, s9;
	s6 =	sadd.s32 @!p0 $0x88, s6;
	s7 =	simm.s32 @p2 $0x1082  }
0x22: {  	[simem:s7], [sflag:s8] =	dma.local @!p0 [hbm:s6], $0xF7A  }
0x23: {  	s9 =	sor.u32 $0xD0000000, s2;
	s6 =	simm.s32 $0x108;
	_ =	swait.ge @!p0 [sflag:s8], $0x0  }
0x24: {  	s3 =	sadd.s32 $0x88, s3;
	s6 =	simm.s32 @!p1 $0x1082;
	[sflag:s4] =	ssyncset.s32 $0xFFFFF086  }
0x25: {  	[simem:s6], [sflag:s4] =	dma.local [hbm:s3], $0xF7A  }
0x26: {  	[smem:$0x3F94] =	sst s1;
	(tag) =	ssettag s2;
	_ =	strace s9  }
0x27: {  	s1 =	sld [smem:$0x3FA4]  }
0x28: {  	s2 =	sld [smem:$0x3FA5]  }
0x29: {  	s4 =	sld [smem:$0x3FA7]  }
0x2a: {  	p0 =	seq.s32 s5, $0x0;
	s5 =	sld [smem:$0x3FA8]  }
0x2b: {  	s6 =	sld [smem:$0x3FA9]  }
0x2c: {  	s7 =	sld [smem:$0x3FAA]  }
0x2d: {  	s3 =	simm.s32 $0x108;
	s8 =	sld [smem:$0x3FAB]  }
0x2e: {  	s3 =	simm.s32 @!p0 $0x1082;
	s9 =	sld [smem:$0x3FAC]  }
0x2f: {  	lr =	sadd.s32 s0, s3;
	s0 =	sld [smem:$0x3FA3]  }
0x30: {  	s3 =	sld [smem:$0x3FA6]  }
0x31: {  	[smem:$0x3FAF] =	sst s10  }
0x32: {  	s10 =	sld [smem:$0x3FAD];
	_ =	sdelay $0x3  }
0x33: {  	p0 =	seq.s32 s10, $0x1;
	s10 =	sld [smem:$0x3FAF];
	_ =	sdelay $0x3  }
0x34: {  	[smem:$0x3FAF] =	sst s10  }
0x35: {  	s10 =	sld [smem:$0x3FAE];
	_ =	sdelay $0x3  }
0x36: {  	p1 =	seq.s32 s10, $0x1;
	s10 =	sld [smem:$0x3FAF];
	_ =	sdelay $0x3  }
0x37: {  	[smem:$0x3FAF] =	sst s10  }
0x38: {  	s10 =	sld [smem:$0x3FB0]  }
0x39: {  	_ = 	snop;
	(pc) =	sbr.ind lr, $3  }
0x3a: {  	_ = 	snop  }
0x3b: {  	_ = 	snop  }
0x3c: {  	p2 =	seq.s32 s10, $0x1;
	s10 =	sld [smem:$0x3FAF]  }
0x3d: {  	_ =	shalt  }
0x3e: {  	_ =	shalt  }
0x3f: {  	_ =	shalt  }
0x40: {  	_ =	shalt  }
0x41: {  	_ =	shalt  }
0x42: {  	_ =	shalt  }
0x43: {  	_ =	shalt  }
0x44: {  	_ =	shalt  }
0x45: {  	_ =	shalt  }
0x46: {  	_ =	shalt  }
0x47: {  	_ =	shalt  }
0x48: {  	_ =	shalt  }
0x49: {  	_ =	shalt  }
0x4a: {  	_ =	shalt  }
0x4b: {  	_ =	shalt  }
0x4c: {  	_ =	shalt  }
0x4d: {  	_ =	shalt  }
0x4e: {  	_ =	shalt  }
0x4f: {  	_ =	shalt  }
0x50: {  	_ =	shalt  }
0x51: {  	_ =	shalt  }
0x52: {  	_ =	shalt  }
0x53: {  	_ =	shalt  }
0x54: {  	_ =	shalt  }
0x55: {  	_ =	shalt  }
0x56: {  	_ =	shalt  }
0x57: {  	_ =	shalt  }
0x58: {  	_ =	shalt  }
0x59: {  	_ =	shalt  }
0x5a: {  	_ =	shalt  }
0x5b: {  	_ =	shalt  }
0x5c: {  	_ =	shalt  }
0x5d: {  	_ =	shalt  }
0x5e: {  	_ =	shalt  }
0x5f: {  	_ =	shalt  }
0x60: {  	_ =	shalt  }
0x61: {  	_ =	shalt  }
0x62: {  	_ =	shalt  }
0x63: {  	_ =	shalt  }
0x64: {  	_ =	shalt  }
0x65: {  	_ =	shalt  }
0x66: {  	_ =	shalt  }
0x67: {  	_ =	shalt  }
0x68: {  	_ =	shalt  }
0x69: {  	_ =	shalt  }
0x6a: {  	_ =	shalt  }
0x6b: {  	_ =	shalt  }
0x6c: {  	_ =	shalt  }
0x6d: {  	_ =	shalt  }
0x6e: {  	_ =	shalt  }
0x6f: {  	_ =	shalt  }
0x70: {  	_ =	shalt  }
0x71: {  	_ =	shalt  }
0x72: {  	_ =	shalt  }
0x73: {  	_ =	shalt  }
0x74: {  	_ =	shalt  }
0x75: {  	_ =	shalt  }
0x76: {  	_ =	shalt  }
0x77: {  	_ =	shalt  }
0x78: {  	_ =	shalt  }
0x79: {  	_ =	shalt  }
0x7a: {  	_ =	shalt  }
0x7b: {  	_ =	shalt  }
0x7c: {  	_ =	shalt  }
0x7d: {  	_ =	shalt  }
0x7e: {  	_ =	shalt  }
0x7f: {  	_ =	shalt  }
0x80: {  	_ =	shalt  }
0x81: {  	_ =	shalt  }
0x82: {  	_ =	shalt  }
0x83: {  	_ =	shalt  }
0x84: {  	_ =	shalt  }
0x85: {  	_ =	shalt  }
0x86: {  	_ =	shalt  }
0x87: {  	_ =	shalt  }
.Lfunc_end0:
.L_simem_size_0:
called_computation_lowered:
.L_overlay_start_0:
0x88: {  	s2 =	sld [smem:$0x3FD9]  }
0x89: {  	s3 =	sld [smem:$0x3FFE];
	_ =	sdelay $0x1  }
0x8a: {  	s1 =	srdreg.scid  }
0x8b: {  	s0 =	sand.u32 $0x1, s1  }
0x8c: {  	s17 =	sshll.u32 s0, $0xA;
	s2 =	sadd.s32 s3, s2  }
0x8d: {  	s2 =	sadd.s32 s2, s17  }
0x8e: {  	[smem:$0x3FBB] =	sst s2  }
0x8f: {  	_ = 	snop  }
0x90: {  	s4 =	sld [smem:$0x3FC8]  }
0x91: {  	s18 =	sld [smem:$0x3FD0];
	(tm) =	ssettm $0x1  }
0x92: {  	s19 =	sld [smem:$0x3FFB];
	_ =	sdelay $0x3  }
0x93: {  	_ =	strace s19  }
0x94: {  	s2 =	sld [smem:$0x3FFC];
	_ =	sdelay $0x3  }
0x95: {  	_ =	strace s2  }
0x96: {  	s2 =	sld [smem:$0x3FFD];
	_ =	sdelay $0x3  }
0x97: {  	_ =	strace s2  }
0x98: {  	_ =	strace $0x8FFFFFFF  }
0x99: {  	s20 =	sld [smem:$0x3FDB];
	_ =	sdelay $0x1  }
0x9a: {  	s5 =	simm.s32 $_scs_section_size  }
0x9b: {  	s6 =	simm.s32 $_size__tile_overlayer_lowered;
	s7 =	simm.s32 $_tile_overlayer_lowered  }
0x9c: {  	s8 =	simm.s32 $0x1BFF;
	s21 =	sshll.u32 s7, $0x1;
	s5 =	sadd.s32 s5, s20  }
0x9d: {  	s22 =	simm.s32 $0x0;
	s6 =	sshll.u32 s6, $0x1;
	s7 =	sadd.s32 s21, s5  }
0x9e: {  	[timem:s22], [sflag:s8] =	dma.local [hbm:s7], s6  }
0x9f: {  	_ =	swait.ge [sflag:s8], s6  }
0xa0: {  	s6 =	ssub.s32 $0x0, s6;
	[sflag:s8] =	ssyncset.done $0x0  }
0xa1: {  	[sflag:s8] =	ssyncadd.s32 s6;
	_ =	sdelay $0x1  }
0xa2: {  	s23 =	simm.s32 $0x1B8B  }
0xa3: {  	_ =	swait.ge [sflag:s23], $0x1  }
0xa4: {  	[sflag:s23] =	ssyncset.done $0x0  }
0xa5: {  	[sflag:s23] =	ssyncadd.s32 $0xFFFFFFFF  }
0xa6: {  	s6 =	sld [smem:$0x0]  }
0xa7: {  	s7 =	sand.u32 $0xFFFFFFFE, s1  }
0xa8: {  	p0 =	sne.s32 s1, s7  }
0xa9: {  	s7 =	sshll.u32 @p0 s7, $0xE  }
0xaa: {  	s7 =	sadd.s32 @p0 $0x11B8D, s7;
	s8 =	sshll.u32 @p0 s6, $0x11  }
0xab: {  	s7 =	sor.u32 @p0 s8, s7  }
0xac: {  	[sflag:s7] =	ssyncadd.remote.s32 @p0 $0x1;
	_ =	sdelay $0x1  }
0xad: {  	s7 =	simm.s32 @p0 $0x1B8D  }
0xae: {  	_ =	swait.eq @p0 [sflag:s7], $0x1  }
0xaf: {  	[sflag:s7] =	ssyncadd.s32 @p0 $0xFFFFFFFF  }
0xb0: {  	s8 =	sshll.u32 @!p0 s1, $0xE  }
0xb1: {  	s8 =	sor.u32 @!p0 $0x4000, s8;
	s7 =	simm.s32 @!p0 $0x1B8D  }
0xb2: {  	s6 =	sshll.u32 @!p0 s6, $0x11;
	s8 =	sadd.s32 @!p0 $0x11B8D, s8;
	_ =	swait.eq @!p0 [sflag:s7], $0x1  }
0xb3: {  	s6 =	sor.u32 @!p0 s6, s8;
	[sflag:s7] =	ssyncadd.s32 @!p0 $0xFFFFFFFF  }
0xb4: {  	s25 =	simm.s32 $0x1B8E;
	s24 =	sld [smem:$0x3FFE];
	[sflag:s6] =	ssyncadd.remote.s32 @!p0 $0x1  }
0xb5: {  	s26 =	simm.s32 $execute0_lowered;
	[smem:$0x3FD2] =	sst s25  }
0xb6: {  	s7 =	sshll.u32 s26, $0x1;
	_ =	strace $0x80000049;
	[dreg:$0x1] =	wrdreg $0xFFFFFFFF  }
0xb7: {  	s28 =	simm.s32 $_size_execute0_lowered;
	s5 =	sadd.s32 s5, s7;
	[dreg:$0x0] =	wrdreg $0x0  }
0xb8: {  	s7 =	sshll.u32 s28, $0x1;
	[dreg:$0x2] =	wrdreg s5  }
0xb9: {  	[dreg:$0x3] =	wrdreg s7  }
0xba: {  	[dreg:$0x4] =	wrdreg $0xC0  }
0xbb: {  	_ =	task [dreg:s22], $0x5FFFF  }
0xbc: {  	[dreg:$0x1] =	wrdreg $0xFFFFFFFF  }
0xbd: {  	[dreg:$0x0] =	wrdreg $0x60  }
0xbe: {  	[dreg:$0x2] =	wrdreg s4  }
0xbf: {  	[dreg:$0x3] =	wrdreg s24  }
0xc0: {  	[dreg:$0x4] =	wrdreg s18  }
0xc1: {  	[dreg:$0x5] =	wrdreg $0x90000  }
0xc2: {  	[dreg:$0x6] =	wrdreg $0x9  }
0xc3: {  	_ =	task.clear_ibuf [dreg:s22], $0x7FFFF;
	_ =	strace $0x90000049  }
0xc4: {  	s29 =	simm.s32 $0x9;
	_ =	strace $0x8000004B  }
0xc5: {  	_ =	swait.ge [sflag:s29], $0x1  }
0xc6: {  	[sflag:s29] =	ssyncadd.s32 $0xFFFFFFFF  }
0xc7: {  	_ =	strace $0x9000004B  }
0xc8: {  	_ =	sfence  }
0xc9: {  	s30 =	sld [smem:$0x0];
	_ =	sdelay $0x2  }
0xca: {  	s31 =	sshll.u32 s1, $0xD;
	s1 =	sshrl.u32 s1, $0x2  }
0xcb: {  	s4 =	sand.u32 $0x4000, s31;
	s1 =	sadd.s32 s1, s30  }
0xcc: {  	s0 =	sor.u32 s4, s0;
	s1 =	sshll.u32 s1, $0x11  }
0xcd: {  	s0 =	sor.u32 s1, s0  }
0xce: {  	s0 =	sadd.s32 $0x8F2B, s0  }
0xcf: {  	[sflag:s0] =	ssyncadd.remote.s32 $0x1  }
0xd0: {  	_ =	sfence.sel $0xFFFF  }
0xd1: {  	[dreg:$0x0] =	wrdreg $0xFFFFFFFF;
	(pc) =	sbr.abs _section_cstart, $3  }
0xd2: {  	[dreg:$0x1] =	wrdreg $0xFFFFFFFF  }
0xd3: {  	_ =	task.clear_ibuf [dreg:s22], $0x2FFFF;
	_ =	strace $0x9FFFFFFF  }
0xd4: {  	(tm) =	ssettm $0x7FFFFFFF  }
0xd5: {  	_ =	shalt  }
tec
execute0_lowered:
.L_overlay_start_1:
0x0: {  	(tag) =	ssettag $0x1  }
0x1: {  	s0 =	rddreg [dreg:$0x0]  }
0x2: {  	s5 =	rddreg [dreg:$0x1]  }
0x3: {  	s1 =	rddreg [dreg:$0x2]  }
0x4: {  	s2 =	srdreg.scid;
	s3 =	rddreg [dreg:$0x3];
	s4 =	simm.s32 $0x0  }
0x5: {  	s22 =	stileid.u32;
	s15 =	simm.s32 $0x80;
	[smem:$0x7FF] =	sst s4  }
0x6: {  	s16 =	simm.s32 $0x100;
	_ =	strace $0x8000004A;
	[dreg:$0x7] =	wrdreg s15  }
0x7: {  	s17 =	simm.s32 $0x880;
	s18 =	simm.s32 $0x180;
	[dreg:$0x8] =	wrdreg s16  }
0x8: {  	s19 =	simm.s32 $0x900;
	s20 =	simm.s32 $0x200;
	[dreg:$0x9] =	wrdreg s17  }
0x9: {  	s21 =	simm.s32 $0x980;
	s23 =	simm.s32 $0x280;
	[dreg:$0xa] =	wrdreg s18  }
0xa: {  	s24 =	simm.s32 $0xA00;
	s25 =	simm.s32 $0x300;
	[dreg:$0xb] =	wrdreg s19  }
0xb: {  	s26 =	simm.s32 $0xA80;
	s29 =	simm.s32 $0x380;
	[dreg:$0xc] =	wrdreg s20  }
0xc: {  	s28 =	simm.s32 $0xF80;
	s7 =	smul.u32 $0x2800, s22;
	[dreg:$0xd] =	wrdreg s21  }
0xd: {  	s2 =	sand.u32 $0x1, s2;
	s10 =	smul.u32 $0x500, s22;
	[dreg:$0xe] =	wrdreg s23  }
0xe: {  	s31 =	simm.s32 $0x0;
	s6 =	smul.u32 $0x28000, s2;
	[dreg:$0xf] =	wrdreg s24  }
0xf: {  	s12 =	sor.u32 $0x30, s22;
	s13 =	smul.u32 $0x27100, s2;
	[dreg:$0x10] =	wrdreg s25  }
0x10: {  	s2 =	ssub.s32 $0x2, s2;
	s16 =	sor.u32 $0x50, s22;
	[dreg:$0x11] =	wrdreg s26  }
0x11: {  	s18 =	sor.u32 $0x60, s22;
	s20 =	sor.u32 $0x70, s22;
	[dreg:$0x12] =	wrdreg s29  }
0x12: {  	s9 =	sshrl.u32 s2, $0x1;
	s14 =	sadd.s32 s1, s10;
	s17 =	smul.u32 $0x500, s16  }
0x13: {  	s19 =	smul.u32 $0x500, s18;
	p0 =	sgt.u32 s20, $0x7C;
	s6 =	sadd.s32 s7, s6  }
0x14: {  	s7 =	sadd.s32 s13, s5;
	s2 =	ssub.s32 s2, s9;
	[dreg:$0x14] =	wrdreg s14  }
0x15: {  	s9 =	sor.u32 $0x10, s22;
	s13 =	smul.u32 $0x500, s12;
	s14 =	sor.u32 $0x40, s22  }
0x16: {  	s6 =	sshrl.u32 s6, $0x3;
	s7 =	sadd.s32 $0x66000, s7;
	s26 =	sadd.s32 s1, s17  }
0x17: {  	s15 =	smul.u32 $0x500, s14;
	s29 =	sadd.s32 s1, s19;
	[dreg:$0x19] =	wrdreg s26  }
0x18: {  	s2 =	smax.u32 s2, $0x1;
	s8 =	sadd.s32 s6, s5;
	[dreg:$0x1a] =	wrdreg s29  }
0x19: {  	s5 =	sadd.s32 $0xD600, s5;
	s24 =	sadd.s32 s1, s13;
	[smem:$0x7F4] =	sst s2  }
0x1a: {  	s13 =	sadd.s32 s7, s13;
	s26 =	smul.u32 $0xA000, s22;
	[dreg:$0x17] =	wrdreg s24  }
0x1b: {  	s29 =	simm.s32 $0xB00;
	s8 =	sadd.s32 $0x3600, s8;
	[dreg:$0x1f] =	wrdreg s13  }
0x1c: {  	s5 =	sadd.s32 s5, s6;
	s6 =	smul.u32 $0x500, s9;
	[dreg:$0x13] =	wrdreg s29  }
0x1d: {  	s25 =	sadd.s32 s1, s15;
	s13 =	smul.u32 $0xA000, s12;
	[dreg:$0x5] =	wrdreg s8  }
0x1e: {  	s24 =	sadd.s32 s7, s17;
	s17 =	smul.u32 $0xA000, s14;
	[dreg:$0x6] =	wrdreg s5  }
0x1f: {  	s12 =	simm.s32 $0x480;
	s14 =	simm.s32 $0x500;
	[dreg:$0x18] =	wrdreg s25  }
0x20: {  	s8 =	sor.u32 $0x20, s22;
	s5 =	sadd.s32 s7, s10;
	[smem:$0x7F1] =	sst s24  }
0x21: {  	s25 =	sadd.s32 s7, s19;
	s19 =	smul.u32 $0xA000, s16;
	s16 =	simm.s32 $0x580  }
0x22: {  	s11 =	smul.u32 $0x500, s8;
	s21 =	sadd.s32 s1, s6;
	[dreg:$0x1c] =	wrdreg s5  }
0x23: {  	s10 =	sadd.s32 s7, s6;
	[smem:$0x7F2] =	sst s25;
	s6 =	sshrl.u32 s17, $0x2  }
0x24: {  	s17 =	simm.s32 $0xD00;
	[dreg:$0x15] =	wrdreg s21;
	s21 =	smul.u32 $0x500, s20  }
0x25: {  	[dreg:$0x1d] =	wrdreg s10;
	s10 =	smul.u32 $0xA000, s9;
	s24 =	sshrl.u32 s19, $0x2  }
0x26: {  	s9 =	simm.s32 $0x2;
	s19 =	simm.s32 $0xD80;
	s23 =	sadd.s32 s1, s11  }
0x27: {  	s11 =	sadd.s32 s7, s11;
	[dreg:$0x16] =	wrdreg s23;
	s1 =	sadd.s32 s1, s21  }
0x28: {  	[dreg:$0x1e] =	wrdreg s11;
	s23 =	sadd.s32 s7, s15;
	s11 =	smul.u32 $0xA000, s8  }
0x29: {  	s7 =	sadd.s32 s7, s21;
	s15 =	sshll.u32 s22, $0x6;
	s21 =	smul.u32 $0xA000, s18  }
0x2a: {  	s5 =	sshrl.u32 s10, $0x2;
	s22 =	smul.u32 $0xA000, s20;
	[dreg:$0x1b] =	wrdreg s1  }
0x2b: {  	s8 =	simm.s32 $0x5000;
	s10 =	simm.s32 $0x400;
	[smem:$0x7F0] =	sst s23  }
0x2c: {  	s18 =	simm.s32 $0x600;
	s20 =	simm.s32 $0x680;
	[smem:$0x7F3] =	sst s7  }
0x2d: {  	s1 =	sshrl.u32 s26, $0x2;
	s30 =	sor.u32 $0x1C03, s15;
	s5 =	sadd.s32 s5, s3  }
0x2e: {  	s23 =	sadd.s32 s6, s3;
	s6 =	simm.s32 $0x1000;
	s7 =	simm.s32 $0x1  }
0x2f: {  	s15 =	simm.s32 $0xC80;
	s1 =	sadd.s32 s1, s3;
	[smem:$0x7F6] =	sst s5  }
0x30: {  	s2 =	sshrl.u32 s11, $0x2;
	[smem:$0x7F9] =	sst s23;
	s25 =	sshrl.u32 s21, $0x2  }
0x31: {  	s26 =	sshrl.u32 s22, $0x2;
	s5 =	simm.s32 $0x7D;
	s11 =	simm.s32 $0xB80  }
0x32: {  	s21 =	simm.s32 $0xE00;
	s22 =	simm.s32 $0x700;
	[smem:$0x7FD] =	sst s30  }
0x33: {  	[smem:$0x7F5] =	sst s1;
	s2 =	sadd.s32 s2, s3;
	s1 =	sshrl.u32 s13, $0x2  }
0x34: {  	s29 =	sadd.s32 s26, s3;
	s13 =	simm.s32 $0xC00;
	[smem:$0x7F7] =	sst s2  }
0x35: {  	s26 =	simm.s32 $0xF00;
	s1 =	sadd.s32 s1, s3;
	[smem:$0x7FC] =	sst s29  }
0x36: {  	s2 =	simm.s32 $0x800;
	[smem:$0x7F8] =	sst s1;
	s1 =	sadd.s32 s24, s3  }
0x37: {  	s24 =	simm.s32 $0xE80;
	[smem:$0x7FA] =	sst s1;
	s1 =	sadd.s32 s25, s3  }
0x38: {  	s25 =	simm.s32 $0x780;
	[smem:$0x7FB] =	sst s1;
	s1 =	simm.s32 $0x3  }
.LBB2_1:
0x39: {  	s23 =	sld [smem:$0x7F5];
	_ =	sdelay $0x1  }
0x3a: {  	[smem:$0x7E7] =	sst s31  }
0x3b: {  	s29 =	sshrl.u32 s23, $0x3;
	s23 =	rddreg [dreg:$0x14]  }
0x3c: {  	[smem:$0x7E8] =	sst s29  }
0x3d: {  	[spmem:s29], [sflag:s30] =	dma.local [hbm:s23], $0x500  }
0x3e: {  	_ =	swait.ge [sflag:s1], $0x500  }
0x3f: {  	s23 =	sld [smem:$0x7F6];
	_ =	sdelay $0x2  }
0x40: {  	[sflag:s1] =	ssyncset.done $0x0;
	s29 =	sshrl.u32 s23, $0x3;
	s23 =	rddreg [dreg:$0x15]  }
0x41: {  	[sflag:s1] =	ssyncadd.s32 $0xFFFFFB00;
	[smem:$0x7E9] =	sst s29  }
0x42: {  	[spmem:s29], [sflag:s30] =	dma.local [hbm:s23], $0x500  }
0x43: {  	_ =	swait.ge [sflag:s1], $0x500  }
0x44: {  	s23 =	sld [smem:$0x7F7];
	_ =	sdelay $0x2  }
0x45: {  	[sflag:s1] =	ssyncset.done $0x0;
	s29 =	sshrl.u32 s23, $0x3;
	s23 =	rddreg [dreg:$0x16]  }
0x46: {  	[sflag:s1] =	ssyncadd.s32 $0xFFFFFB00;
	[smem:$0x7EA] =	sst s29  }
0x47: {  	[spmem:s29], [sflag:s30] =	dma.local [hbm:s23], $0x500  }
0x48: {  	_ =	swait.ge [sflag:s1], $0x500  }
0x49: {  	s23 =	sld [smem:$0x7F8];
	_ =	sdelay $0x2  }
0x4a: {  	[sflag:s1] =	ssyncset.done $0x0;
	s29 =	sshrl.u32 s23, $0x3;
	s23 =	rddreg [dreg:$0x17]  }
0x4b: {  	[sflag:s1] =	ssyncadd.s32 $0xFFFFFB00;
	[smem:$0x7EB] =	sst s29  }
0x4c: {  	[spmem:s29], [sflag:s30] =	dma.local [hbm:s23], $0x500  }
0x4d: {  	_ =	swait.ge [sflag:s1], $0x500  }
0x4e: {  	s23 =	sld [smem:$0x7F9];
	_ =	sdelay $0x2  }
0x4f: {  	[sflag:s1] =	ssyncset.done $0x0;
	s29 =	sshrl.u32 s23, $0x3;
	s23 =	rddreg [dreg:$0x18]  }
0x50: {  	[sflag:s1] =	ssyncadd.s32 $0xFFFFFB00;
	[smem:$0x7EC] =	sst s29  }
0x51: {  	[spmem:s29], [sflag:s30] =	dma.local [hbm:s23], $0x500  }
0x52: {  	_ =	swait.ge [sflag:s1], $0x500  }
0x53: {  	s23 =	sld [smem:$0x7FA];
	_ =	sdelay $0x2  }
0x54: {  	[sflag:s1] =	ssyncset.done $0x0;
	s29 =	sshrl.u32 s23, $0x3;
	s23 =	rddreg [dreg:$0x19]  }
0x55: {  	[sflag:s1] =	ssyncadd.s32 $0xFFFFFB00;
	[smem:$0x7ED] =	sst s29  }
0x56: {  	[spmem:s29], [sflag:s30] =	dma.local [hbm:s23], $0x500  }
0x57: {  	_ =	swait.ge [sflag:s1], $0x500  }
0x58: {  	s23 =	sld [smem:$0x7FB];
	_ =	sdelay $0x2  }
0x59: {  	[sflag:s1] =	ssyncset.done $0x0;
	s29 =	sshrl.u32 s23, $0x3;
	s23 =	rddreg [dreg:$0x1a]  }
0x5a: {  	[sflag:s1] =	ssyncadd.s32 $0xFFFFFB00;
	[smem:$0x7EE] =	sst s29  }
0x5b: {  	[spmem:s29], [sflag:s30] =	dma.local [hbm:s23], $0x500  }
0x5c: {  	_ =	swait.ge [sflag:s1], $0x500  }
0x5d: {  	s23 =	sld [smem:$0x7FC];
	_ =	sdelay $0x2  }
0x5e: {  	[sflag:s1] =	ssyncset.done $0x0;
	s29 =	sshrl.u32 @!p0 s23, $0x3;
	s23 =	rddreg [dreg:$0x1b]  }
0x5f: {  	[sflag:s1] =	ssyncadd.s32 $0xFFFFFB00;
	[smem:$0x7EF] =	sst s29  }
0x60: {  	[spmem:s29], [sflag:s30] =	dma.local @!p0 [hbm:s23], $0x500  }
0x61: {  	s29 =	simm.s32 @!p0 $0x3  }
0x62: {  	_ =	swait.ge @!p0 [sflag:s29], $0x500  }
0x63: {  	[sflag:s29] =	ssyncset.done @!p0 $0x0  }
0x64: {  	[sflag:s29] =	ssyncadd.s32 @!p0 $0xFFFFFB00  }
0x65: {  	[bflag:$0x0] =	sbarrier.arrive $0xFFFF  }
0x66: {  	s29 =	rddreg [dreg:$0x5]  }
0x67: {  	s29 =	sadd.s32 $0x0, s29  }
0x68: {  	[tilespmem:s4], [sflag:$0x3] =	stream.linear.gather [hbm4b:s29+s4], $0x800, $0x38;
	[tilespmem:$0x1C880] =	vst v63  }
0x69: {  	_ =	swait.ge [sflag:s1], $0x800  }
0x6a: {  	s29 =	rddreg [dreg:$0x6];
	[sflag:s1] =	ssyncset.done $0x0  }
0x6b: {  	[sflag:s1] =	ssyncadd.s32 $0xFFFFF800;
	s29 =	sadd.s32 $0x0, s29  }
0x6c: {  	[tilespmem:s2], [sflag:$0x3] =	stream.linear.gather [hbm4b:s29+s4], $0x800, $0x38;
	[tilespmem:$0x1C880] =	vst v63  }
0x6d: {  	_ =	swait.ge [sflag:s1], $0x800  }
0x6e: {  	[sflag:s1] =	ssyncset.done $0x0  }
0x6f: {  	[sflag:s1] =	ssyncadd.s32 $0xFFFFF800  }
0x70: {  	[tilespmem:s6], [sflag:$0x1] =	stream.indirect.gather [hbm4b:s0+s5], $0x80, s4, s5, $0xb8;
	[tilespmem:$0x1C880] =	vst v63  }
0x71: {  	_ =	swait.ge [sflag:s7], $0x3E80  }
0x72: {  	[sflag:s7] =	ssyncset.done $0x0  }
0x73: {  	s29 =	rddreg [dreg:$0x7];
	[sflag:s7] =	ssyncadd.s32 $0xFFFFC180  }
0x74: {  	[tilespmem:s8], [sflag:$0x2] =	stream.indirect.gather [hbm4b:s0+s5], $0x80, s29, s5, $0xb8;
	[tilespmem:$0x1C880] =	vst v63  }
0x75: {  	_ = 	snop  }
0x76: {  	[spmem:s3] =	stream.indirect.scatter.add.f32 [tilespmem:s6], [sflag:$0x3], $0x80, s2, s5, $0xb8;
	[tilespmem:$0x1C880] =	vst v63  }
0x77: {  	_ =	swait.ge [sflag:s1], $0x3E80  }
0x78: {  	[sflag:s1] =	ssyncset.done $0x0  }
0x79: {  	[sflag:s1] =	ssyncadd.s32 $0xFFFFC180  }
0x7a: {  	_ =	swait.ge [sflag:s9], $0x3E80  }
0x7b: {  	[sflag:s9] =	ssyncset.done $0x0  }
0x7c: {  	s29 =	rddreg [dreg:$0x8];
	[sflag:s9] =	ssyncadd.s32 $0xFFFFC180  }
0x7d: {  	[tilespmem:s6], [sflag:$0x1] =	stream.indirect.gather [hbm4b:s0+s5], $0x80, s29, s5, $0xb8;
	[tilespmem:$0x1C880] =	vst v63  }
0x7e: {  	s30 =	rddreg [dreg:$0x9]  }
0x7f: {  	[spmem:s3] =	stream.indirect.scatter.add.f32 [tilespmem:s8], [sflag:$0x3], $0x80, s30, s5, $0xb8;
	[tilespmem:$0x1C880] =	vst v63  }
0x80: {  	_ =	swait.ge [sflag:s1], $0x3E80  }
0x81: {  	[sflag:s1] =	ssyncset.done $0x0  }
0x82: {  	[sflag:s1] =	ssyncadd.s32 $0xFFFFC180  }
0x83: {  	_ =	swait.ge [sflag:s7], $0x3E80  }
0x84: {  	[sflag:s7] =	ssyncset.done $0x0  }
0x85: {  	s29 =	rddreg [dreg:$0xa];
	[sflag:s7] =	ssyncadd.s32 $0xFFFFC180  }
0x86: {  	[tilespmem:s8], [sflag:$0x2] =	stream.indirect.gather [hbm4b:s0+s5], $0x80, s29, s5, $0xb8;
	[tilespmem:$0x1C880] =	vst v63  }
0x87: {  	s30 =	rddreg [dreg:$0xb]  }
0x88: {  	[spmem:s3] =	stream.indirect.scatter.add.f32 [tilespmem:s6], [sflag:$0x3], $0x80, s30, s5, $0xb8;
	[tilespmem:$0x1C880] =	vst v63  }
0x89: {  	_ =	swait.ge [sflag:s1], $0x3E80  }
0x8a: {  	[sflag:s1] =	ssyncset.done $0x0  }
0x8b: {  	[sflag:s1] =	ssyncadd.s32 $0xFFFFC180  }
0x8c: {  	_ =	swait.ge [sflag:s9], $0x3E80  }
0x8d: {  	[sflag:s9] =	ssyncset.done $0x0  }
0x8e: {  	s29 =	rddreg [dreg:$0xc];
	[sflag:s9] =	ssyncadd.s32 $0xFFFFC180  }
0x8f: {  	[tilespmem:s6], [sflag:$0x1] =	stream.indirect.gather [hbm4b:s0+s5], $0x80, s29, s5, $0xb8;
	[tilespmem:$0x1C880] =	vst v63  }
0x90: {  	s30 =	rddreg [dreg:$0xd]  }
0x91: {  	[spmem:s3] =	stream.indirect.scatter.add.f32 [tilespmem:s8], [sflag:$0x3], $0x80, s30, s5, $0xb8;
	[tilespmem:$0x1C880] =	vst v63  }
0x92: {  	_ =	swait.ge [sflag:s1], $0x3E80  }
0x93: {  	[sflag:s1] =	ssyncset.done $0x0  }
0x94: {  	[sflag:s1] =	ssyncadd.s32 $0xFFFFC180  }
0x95: {  	_ =	swait.ge [sflag:s7], $0x3E80  }
0x96: {  	[sflag:s7] =	ssyncset.done $0x0  }
0x97: {  	s29 =	rddreg [dreg:$0xe];
	[sflag:s7] =	ssyncadd.s32 $0xFFFFC180  }
0x98: {  	[tilespmem:s8], [sflag:$0x2] =	stream.indirect.gather [hbm4b:s0+s5], $0x80, s29, s5, $0xb8;
	[tilespmem:$0x1C880] =	vst v63  }
0x99: {  	s30 =	rddreg [dreg:$0xf]  }
0x9a: {  	[spmem:s3] =	stream.indirect.scatter.add.f32 [tilespmem:s6], [sflag:$0x3], $0x80, s30, s5, $0xb8;
	[tilespmem:$0x1C880] =	vst v63  }
0x9b: {  	_ =	swait.ge [sflag:s1], $0x3E80  }
0x9c: {  	[sflag:s1] =	ssyncset.done $0x0  }
0x9d: {  	[sflag:s1] =	ssyncadd.s32 $0xFFFFC180  }
0x9e: {  	_ =	swait.ge [sflag:s9], $0x3E80  }
0x9f: {  	[sflag:s9] =	ssyncset.done $0x0  }
0xa0: {  	s29 =	rddreg [dreg:$0x10];
	[sflag:s9] =	ssyncadd.s32 $0xFFFFC180  }
0xa1: {  	[tilespmem:s6], [sflag:$0x1] =	stream.indirect.gather [hbm4b:s0+s5], $0x80, s29, s5, $0xb8;
	[tilespmem:$0x1C880] =	vst v63  }
0xa2: {  	s30 =	rddreg [dreg:$0x11]  }
0xa3: {  	[spmem:s3] =	stream.indirect.scatter.add.f32 [tilespmem:s8], [sflag:$0x3], $0x80, s30, s5, $0xb8;
	[tilespmem:$0x1C880] =	vst v63  }
0xa4: {  	_ =	swait.ge [sflag:s1], $0x3E80  }
0xa5: {  	[sflag:s1] =	ssyncset.done $0x0  }
0xa6: {  	[sflag:s1] =	ssyncadd.s32 $0xFFFFC180  }
0xa7: {  	_ =	swait.ge [sflag:s7], $0x3E80  }
0xa8: {  	[sflag:s7] =	ssyncset.done $0x0  }
0xa9: {  	s29 =	rddreg [dreg:$0x12];
	[sflag:s7] =	ssyncadd.s32 $0xFFFFC180  }
0xaa: {  	[tilespmem:s8], [sflag:$0x2] =	stream.indirect.gather [hbm4b:s0+s5], $0x80, s29, s5, $0xb8;
	[tilespmem:$0x1C880] =	vst v63  }
0xab: {  	s30 =	rddreg [dreg:$0x13]  }
0xac: {  	[spmem:s3] =	stream.indirect.scatter.add.f32 [tilespmem:s6], [sflag:$0x3], $0x80, s30, s5, $0xb8;
	[tilespmem:$0x1C880] =	vst v63  }
0xad: {  	_ =	swait.ge [sflag:s1], $0x3E80  }
0xae: {  	[sflag:s1] =	ssyncset.done $0x0  }
0xaf: {  	[sflag:s1] =	ssyncadd.s32 $0xFFFFC180  }
0xb0: {  	_ =	swait.ge [sflag:s9], $0x3E80  }
0xb1: {  	[sflag:s9] =	ssyncset.done $0x0  }
0xb2: {  	[sflag:s9] =	ssyncadd.s32 $0xFFFFC180  }
0xb3: {  	[tilespmem:s6], [sflag:$0x1] =	stream.indirect.gather [hbm4b:s0+s5], $0x80, s10, s5, $0xb8;
	[tilespmem:$0x1C880] =	vst v63  }
0xb4: {  	_ = 	snop  }
0xb5: {  	[spmem:s3] =	stream.indirect.scatter.add.f32 [tilespmem:s8], [sflag:$0x3], $0x80, s11, s5, $0xb8;
	[tilespmem:$0x1C880] =	vst v63  }
0xb6: {  	_ =	swait.ge [sflag:s1], $0x3E80  }
0xb7: {  	[sflag:s1] =	ssyncset.done $0x0  }
0xb8: {  	[sflag:s1] =	ssyncadd.s32 $0xFFFFC180  }
0xb9: {  	_ =	swait.ge [sflag:s7], $0x3E80  }
0xba: {  	[sflag:s7] =	ssyncset.done $0x0  }
0xbb: {  	[sflag:s7] =	ssyncadd.s32 $0xFFFFC180  }
0xbc: {  	[tilespmem:s8], [sflag:$0x2] =	stream.indirect.gather [hbm4b:s0+s5], $0x80, s12, s5, $0xb8;
	[tilespmem:$0x1C880] =	vst v63  }
0xbd: {  	_ = 	snop  }
0xbe: {  	[spmem:s3] =	stream.indirect.scatter.add.f32 [tilespmem:s6], [sflag:$0x3], $0x80, s13, s5, $0xb8;
	[tilespmem:$0x1C880] =	vst v63  }
0xbf: {  	_ =	swait.ge [sflag:s1], $0x3E80  }
0xc0: {  	[sflag:s1] =	ssyncset.done $0x0  }
0xc1: {  	[sflag:s1] =	ssyncadd.s32 $0xFFFFC180  }
0xc2: {  	_ =	swait.ge [sflag:s9], $0x3E80  }
0xc3: {  	[sflag:s9] =	ssyncset.done $0x0  }
0xc4: {  	[sflag:s9] =	ssyncadd.s32 $0xFFFFC180  }
0xc5: {  	[tilespmem:s6], [sflag:$0x1] =	stream.indirect.gather [hbm4b:s0+s5], $0x80, s14, s5, $0xb8;
	[tilespmem:$0x1C880] =	vst v63  }
0xc6: {  	_ = 	snop  }
0xc7: {  	[spmem:s3] =	stream.indirect.scatter.add.f32 [tilespmem:s8], [sflag:$0x3], $0x80, s15, s5, $0xb8;
	[tilespmem:$0x1C880] =	vst v63  }
0xc8: {  	_ =	swait.ge [sflag:s1], $0x3E80  }
0xc9: {  	[sflag:s1] =	ssyncset.done $0x0  }
0xca: {  	[sflag:s1] =	ssyncadd.s32 $0xFFFFC180  }
0xcb: {  	_ =	swait.ge [sflag:s7], $0x3E80  }
0xcc: {  	[sflag:s7] =	ssyncset.done $0x0  }
0xcd: {  	[sflag:s7] =	ssyncadd.s32 $0xFFFFC180  }
0xce: {  	[tilespmem:s8], [sflag:$0x2] =	stream.indirect.gather [hbm4b:s0+s5], $0x80, s16, s5, $0xb8;
	[tilespmem:$0x1C880] =	vst v63  }
0xcf: {  	_ = 	snop  }
0xd0: {  	[spmem:s3] =	stream.indirect.scatter.add.f32 [tilespmem:s6], [sflag:$0x3], $0x80, s17, s5, $0xb8;
	[tilespmem:$0x1C880] =	vst v63  }
0xd1: {  	_ =	swait.ge [sflag:s1], $0x3E80  }
0xd2: {  	[sflag:s1] =	ssyncset.done $0x0  }
0xd3: {  	[sflag:s1] =	ssyncadd.s32 $0xFFFFC180  }
0xd4: {  	_ =	swait.ge [sflag:s9], $0x3E80  }
0xd5: {  	[sflag:s9] =	ssyncset.done $0x0  }
0xd6: {  	[sflag:s9] =	ssyncadd.s32 $0xFFFFC180  }
0xd7: {  	[tilespmem:s6], [sflag:$0x1] =	stream.indirect.gather [hbm4b:s0+s5], $0x80, s18, s5, $0xb8;
	[tilespmem:$0x1C880] =	vst v63  }
0xd8: {  	_ = 	snop  }
0xd9: {  	[spmem:s3] =	stream.indirect.scatter.add.f32 [tilespmem:s8], [sflag:$0x3], $0x80, s19, s5, $0xb8;
	[tilespmem:$0x1C880] =	vst v63  }
0xda: {  	_ =	swait.ge [sflag:s1], $0x3E80  }
0xdb: {  	[sflag:s1] =	ssyncset.done $0x0  }
0xdc: {  	[sflag:s1] =	ssyncadd.s32 $0xFFFFC180  }
0xdd: {  	_ =	swait.ge [sflag:s7], $0x3E80  }
0xde: {  	[sflag:s7] =	ssyncset.done $0x0  }
0xdf: {  	[sflag:s7] =	ssyncadd.s32 $0xFFFFC180  }
0xe0: {  	[tilespmem:s8], [sflag:$0x2] =	stream.indirect.gather [hbm4b:s0+s5], $0x80, s20, s5, $0xb8;
	[tilespmem:$0x1C880] =	vst v63  }
0xe1: {  	_ = 	snop  }
0xe2: {  	[spmem:s3] =	stream.indirect.scatter.add.f32 [tilespmem:s6], [sflag:$0x3], $0x80, s21, s5, $0xb8;
	[tilespmem:$0x1C880] =	vst v63  }
0xe3: {  	_ =	swait.ge [sflag:s1], $0x3E80  }
0xe4: {  	[sflag:s1] =	ssyncset.done $0x0  }
0xe5: {  	[sflag:s1] =	ssyncadd.s32 $0xFFFFC180  }
0xe6: {  	_ =	swait.ge [sflag:s9], $0x3E80  }
0xe7: {  	[sflag:s9] =	ssyncset.done $0x0  }
0xe8: {  	[sflag:s9] =	ssyncadd.s32 $0xFFFFC180  }
0xe9: {  	[tilespmem:s6], [sflag:$0x1] =	stream.indirect.gather [hbm4b:s0+s5], $0x80, s22, s5, $0xb8;
	[tilespmem:$0x1C880] =	vst v63  }
0xea: {  	_ = 	snop  }
0xeb: {  	[spmem:s3] =	stream.indirect.scatter.add.f32 [tilespmem:s8], [sflag:$0x3], $0x80, s24, s5, $0xb8;
	[tilespmem:$0x1C880] =	vst v63  }
0xec: {  	_ =	swait.ge [sflag:s1], $0x3E80  }
0xed: {  	[sflag:s1] =	ssyncset.done $0x0  }
0xee: {  	[sflag:s1] =	ssyncadd.s32 $0xFFFFC180  }
0xef: {  	_ =	swait.ge [sflag:s7], $0x3E80  }
0xf0: {  	[sflag:s7] =	ssyncset.done $0x0  }
0xf1: {  	[sflag:s7] =	ssyncadd.s32 $0xFFFFC180  }
0xf2: {  	[tilespmem:s8], [sflag:$0x2] =	stream.indirect.gather [hbm4b:s0+s5], $0x80, s25, s5, $0xb8;
	[tilespmem:$0x1C880] =	vst v63  }
0xf3: {  	_ = 	snop  }
0xf4: {  	[spmem:s3] =	stream.indirect.scatter.add.f32 [tilespmem:s6], [sflag:$0x3], $0x80, s26, s5, $0xb8;
	[tilespmem:$0x1C880] =	vst v63  }
0xf5: {  	_ =	swait.ge [sflag:s1], $0x3E80  }
0xf6: {  	[sflag:s1] =	ssyncset.done $0x0  }
0xf7: {  	[sflag:s1] =	ssyncadd.s32 $0xFFFFC180  }
0xf8: {  	_ =	swait.ge [sflag:s9], $0x3E80  }
0xf9: {  	[sflag:s9] =	ssyncset.done $0x0  }
0xfa: {  	[sflag:s9] =	ssyncadd.s32 $0xFFFFC180  }
0xfb: {  	[spmem:s3] =	stream.indirect.scatter.add.f32 [tilespmem:s8], [sflag:$0x3], $0x80, s28, s5, $0xb8;
	[tilespmem:$0x1C880] =	vst v63  }
0xfc: {  	s31 =	simm.s32 $0x200;
	_ =	swait.ge [sflag:s1], $0x3E80  }
0xfd: {  	s30 =	simm.s32 $0x100;
	s29 =	rddreg [dreg:$0x5];
	[sflag:s1] =	ssyncset.done $0x0  }
.LBB2_2:
0xfe: {  	[sflag:s1] =	ssyncadd.s32 $0xFFFFC180;
	s29 =	sadd.s32 s30, s29  }
0xff: {  	[tilespmem:s4], [sflag:$0x3] =	stream.linear.gather [hbm4b:s29+s4], $0x800, $0x38;
	[tilespmem:$0x1C880] =	vst v63  }
0x100: {  	_ =	swait.ge [sflag:s1], $0x800  }
0x101: {  	s29 =	rddreg [dreg:$0x6];
	[sflag:s1] =	ssyncset.done $0x0  }
0x102: {  	[sflag:s1] =	ssyncadd.s32 $0xFFFFF800;
	s29 =	sadd.s32 s30, s29  }
0x103: {  	[tilespmem:s2], [sflag:$0x3] =	stream.linear.gather [hbm4b:s29+s4], $0x800, $0x38;
	[tilespmem:$0x1C880] =	vst v63  }
0x104: {  	_ =	swait.ge [sflag:s1], $0x800  }
0x105: {  	[sflag:s1] =	ssyncset.done $0x0  }
0x106: {  	[sflag:s1] =	ssyncadd.s32 $0xFFFFF800  }
0x107: {  	[tilespmem:s6], [sflag:$0x1] =	stream.indirect.gather [hbm4b:s0+s5], $0x80, s4, s5, $0xb8;
	[tilespmem:$0x1C880] =	vst v63  }
0x108: {  	_ =	swait.ge [sflag:s7], $0x3E80  }
0x109: {  	s23 =	smov.u32 s31;
	[sflag:s7] =	ssyncset.done $0x0  }
0x10a: {  	s30 =	smov.u32 s23;
	s23 =	rddreg [dreg:$0x7];
	[sflag:s7] =	ssyncadd.s32 $0xFFFFC180  }
0x10b: {  	[tilespmem:s8], [sflag:$0x2] =	stream.indirect.gather [hbm4b:s0+s5], $0x80, s23, s5, $0xb8;
	[tilespmem:$0x1C880] =	vst v63  }
0x10c: {  	_ = 	snop  }
0x10d: {  	[spmem:s3] =	stream.indirect.scatter.add.f32 [tilespmem:s6], [sflag:$0x3], $0x80, s2, s5, $0xb8;
	[tilespmem:$0x1C880] =	vst v63  }
0x10e: {  	_ =	swait.ge [sflag:s1], $0x3E80  }
0x10f: {  	[sflag:s1] =	ssyncset.done $0x0  }
0x110: {  	[sflag:s1] =	ssyncadd.s32 $0xFFFFC180  }
0x111: {  	_ =	swait.ge [sflag:s9], $0x3E80  }
0x112: {  	[sflag:s9] =	ssyncset.done $0x0  }
0x113: {  	s23 =	rddreg [dreg:$0x8];
	[sflag:s9] =	ssyncadd.s32 $0xFFFFC180  }
0x114: {  	[tilespmem:s6], [sflag:$0x1] =	stream.indirect.gather [hbm4b:s0+s5], $0x80, s23, s5, $0xb8;
	[tilespmem:$0x1C880] =	vst v63  }
0x115: {  	s29 =	rddreg [dreg:$0x9]  }
0x116: {  	[spmem:s3] =	stream.indirect.scatter.add.f32 [tilespmem:s8], [sflag:$0x3], $0x80, s29, s5, $0xb8;
	[tilespmem:$0x1C880] =	vst v63  }
0x117: {  	_ =	swait.ge [sflag:s1], $0x3E80  }
0x118: {  	[sflag:s1] =	ssyncset.done $0x0  }
0x119: {  	[sflag:s1] =	ssyncadd.s32 $0xFFFFC180  }
0x11a: {  	_ =	swait.ge [sflag:s7], $0x3E80  }
0x11b: {  	[sflag:s7] =	ssyncset.done $0x0  }
0x11c: {  	s23 =	rddreg [dreg:$0xa];
	[sflag:s7] =	ssyncadd.s32 $0xFFFFC180  }
0x11d: {  	[tilespmem:s8], [sflag:$0x2] =	stream.indirect.gather [hbm4b:s0+s5], $0x80, s23, s5, $0xb8;
	[tilespmem:$0x1C880] =	vst v63  }
0x11e: {  	s29 =	rddreg [dreg:$0xb]  }
0x11f: {  	[spmem:s3] =	stream.indirect.scatter.add.f32 [tilespmem:s6], [sflag:$0x3], $0x80, s29, s5, $0xb8;
	[tilespmem:$0x1C880] =	vst v63  }
0x120: {  	_ =	swait.ge [sflag:s1], $0x3E80  }
0x121: {  	[sflag:s1] =	ssyncset.done $0x0  }
0x122: {  	[sflag:s1] =	ssyncadd.s32 $0xFFFFC180  }
0x123: {  	_ =	swait.ge [sflag:s9], $0x3E80  }
0x124: {  	[sflag:s9] =	ssyncset.done $0x0  }
0x125: {  	s23 =	rddreg [dreg:$0xc];
	[sflag:s9] =	ssyncadd.s32 $0xFFFFC180  }
0x126: {  	[tilespmem:s6], [sflag:$0x1] =	stream.indirect.gather [hbm4b:s0+s5], $0x80, s23, s5, $0xb8;
	[tilespmem:$0x1C880] =	vst v63  }
0x127: {  	s29 =	rddreg [dreg:$0xd]  }
0x128: {  	[spmem:s3] =	stream.indirect.scatter.add.f32 [tilespmem:s8], [sflag:$0x3], $0x80, s29, s5, $0xb8;
	[tilespmem:$0x1C880] =	vst v63  }
0x129: {  	_ =	swait.ge [sflag:s1], $0x3E80  }
0x12a: {  	[sflag:s1] =	ssyncset.done $0x0  }
0x12b: {  	[sflag:s1] =	ssyncadd.s32 $0xFFFFC180  }
0x12c: {  	_ =	swait.ge [sflag:s7], $0x3E80  }
0x12d: {  	[sflag:s7] =	ssyncset.done $0x0  }
0x12e: {  	s23 =	rddreg [dreg:$0xe];
	[sflag:s7] =	ssyncadd.s32 $0xFFFFC180  }
0x12f: {  	[tilespmem:s8], [sflag:$0x2] =	stream.indirect.gather [hbm4b:s0+s5], $0x80, s23, s5, $0xb8;
	[tilespmem:$0x1C880] =	vst v63  }
0x130: {  	s29 =	rddreg [dreg:$0xf]  }
0x131: {  	[spmem:s3] =	stream.indirect.scatter.add.f32 [tilespmem:s6], [sflag:$0x3], $0x80, s29, s5, $0xb8;
	[tilespmem:$0x1C880] =	vst v63  }
0x132: {  	_ =	swait.ge [sflag:s1], $0x3E80  }
0x133: {  	[sflag:s1] =	ssyncset.done $0x0  }
0x134: {  	[sflag:s1] =	ssyncadd.s32 $0xFFFFC180  }
0x135: {  	_ =	swait.ge [sflag:s9], $0x3E80  }
0x136: {  	[sflag:s9] =	ssyncset.done $0x0  }
0x137: {  	s23 =	rddreg [dreg:$0x10];
	[sflag:s9] =	ssyncadd.s32 $0xFFFFC180  }
0x138: {  	[tilespmem:s6], [sflag:$0x1] =	stream.indirect.gather [hbm4b:s0+s5], $0x80, s23, s5, $0xb8;
	[tilespmem:$0x1C880] =	vst v63  }
0x139: {  	s29 =	rddreg [dreg:$0x11]  }
0x13a: {  	[spmem:s3] =	stream.indirect.scatter.add.f32 [tilespmem:s8], [sflag:$0x3], $0x80, s29, s5, $0xb8;
	[tilespmem:$0x1C880] =	vst v63  }
0x13b: {  	_ =	swait.ge [sflag:s1], $0x3E80  }
0x13c: {  	[sflag:s1] =	ssyncset.done $0x0  }
0x13d: {  	[sflag:s1] =	ssyncadd.s32 $0xFFFFC180  }
0x13e: {  	_ =	swait.ge [sflag:s7], $0x3E80  }
0x13f: {  	[sflag:s7] =	ssyncset.done $0x0  }
0x140: {  	s23 =	rddreg [dreg:$0x12];
	[sflag:s7] =	ssyncadd.s32 $0xFFFFC180  }
0x141: {  	[tilespmem:s8], [sflag:$0x2] =	stream.indirect.gather [hbm4b:s0+s5], $0x80, s23, s5, $0xb8;
	[tilespmem:$0x1C880] =	vst v63  }
0x142: {  	s29 =	rddreg [dreg:$0x13]  }
0x143: {  	[spmem:s3] =	stream.indirect.scatter.add.f32 [tilespmem:s6], [sflag:$0x3], $0x80, s29, s5, $0xb8;
	[tilespmem:$0x1C880] =	vst v63  }
0x144: {  	_ =	swait.ge [sflag:s1], $0x3E80  }
0x145: {  	[sflag:s1] =	ssyncset.done $0x0  }
0x146: {  	[sflag:s1] =	ssyncadd.s32 $0xFFFFC180  }
0x147: {  	_ =	swait.ge [sflag:s9], $0x3E80  }
0x148: {  	[sflag:s9] =	ssyncset.done $0x0  }
0x149: {  	[sflag:s9] =	ssyncadd.s32 $0xFFFFC180  }
0x14a: {  	[tilespmem:s6], [sflag:$0x1] =	stream.indirect.gather [hbm4b:s0+s5], $0x80, s10, s5, $0xb8;
	[tilespmem:$0x1C880] =	vst v63  }
0x14b: {  	_ = 	snop  }
0x14c: {  	[spmem:s3] =	stream.indirect.scatter.add.f32 [tilespmem:s8], [sflag:$0x3], $0x80, s11, s5, $0xb8;
	[tilespmem:$0x1C880] =	vst v63  }
0x14d: {  	_ =	swait.ge [sflag:s1], $0x3E80  }
0x14e: {  	[sflag:s1] =	ssyncset.done $0x0  }
0x14f: {  	[sflag:s1] =	ssyncadd.s32 $0xFFFFC180  }
0x150: {  	_ =	swait.ge [sflag:s7], $0x3E80  }
0x151: {  	[sflag:s7] =	ssyncset.done $0x0  }
0x152: {  	[sflag:s7] =	ssyncadd.s32 $0xFFFFC180  }
0x153: {  	[tilespmem:s8], [sflag:$0x2] =	stream.indirect.gather [hbm4b:s0+s5], $0x80, s12, s5, $0xb8;
	[tilespmem:$0x1C880] =	vst v63  }
0x154: {  	_ = 	snop  }
0x155: {  	[spmem:s3] =	stream.indirect.scatter.add.f32 [tilespmem:s6], [sflag:$0x3], $0x80, s13, s5, $0xb8;
	[tilespmem:$0x1C880] =	vst v63  }
0x156: {  	_ =	swait.ge [sflag:s1], $0x3E80  }
0x157: {  	[sflag:s1] =	ssyncset.done $0x0  }
0x158: {  	[sflag:s1] =	ssyncadd.s32 $0xFFFFC180  }
0x159: {  	_ =	swait.ge [sflag:s9], $0x3E80  }
0x15a: {  	[sflag:s9] =	ssyncset.done $0x0  }
0x15b: {  	[sflag:s9] =	ssyncadd.s32 $0xFFFFC180  }
0x15c: {  	[tilespmem:s6], [sflag:$0x1] =	stream.indirect.gather [hbm4b:s0+s5], $0x80, s14, s5, $0xb8;
	[tilespmem:$0x1C880] =	vst v63  }
0x15d: {  	_ = 	snop  }
0x15e: {  	[spmem:s3] =	stream.indirect.scatter.add.f32 [tilespmem:s8], [sflag:$0x3], $0x80, s15, s5, $0xb8;
	[tilespmem:$0x1C880] =	vst v63  }
0x15f: {  	_ =	swait.ge [sflag:s1], $0x3E80  }
0x160: {  	[sflag:s1] =	ssyncset.done $0x0  }
0x161: {  	[sflag:s1] =	ssyncadd.s32 $0xFFFFC180  }
0x162: {  	_ =	swait.ge [sflag:s7], $0x3E80  }
0x163: {  	[sflag:s7] =	ssyncset.done $0x0  }
0x164: {  	[sflag:s7] =	ssyncadd.s32 $0xFFFFC180  }
0x165: {  	[tilespmem:s8], [sflag:$0x2] =	stream.indirect.gather [hbm4b:s0+s5], $0x80, s16, s5, $0xb8;
	[tilespmem:$0x1C880] =	vst v63  }
0x166: {  	_ = 	snop  }
0x167: {  	[spmem:s3] =	stream.indirect.scatter.add.f32 [tilespmem:s6], [sflag:$0x3], $0x80, s17, s5, $0xb8;
	[tilespmem:$0x1C880] =	vst v63  }
0x168: {  	_ =	swait.ge [sflag:s1], $0x3E80  }
0x169: {  	[sflag:s1] =	ssyncset.done $0x0  }
0x16a: {  	[sflag:s1] =	ssyncadd.s32 $0xFFFFC180  }
0x16b: {  	_ =	swait.ge [sflag:s9], $0x3E80  }
0x16c: {  	[sflag:s9] =	ssyncset.done $0x0  }
0x16d: {  	[sflag:s9] =	ssyncadd.s32 $0xFFFFC180  }
0x16e: {  	[tilespmem:s6], [sflag:$0x1] =	stream.indirect.gather [hbm4b:s0+s5], $0x80, s18, s5, $0xb8;
	[tilespmem:$0x1C880] =	vst v63  }
0x16f: {  	_ = 	snop  }
0x170: {  	[spmem:s3] =	stream.indirect.scatter.add.f32 [tilespmem:s8], [sflag:$0x3], $0x80, s19, s5, $0xb8;
	[tilespmem:$0x1C880] =	vst v63  }
0x171: {  	_ =	swait.ge [sflag:s1], $0x3E80  }
0x172: {  	[sflag:s1] =	ssyncset.done $0x0  }
0x173: {  	[sflag:s1] =	ssyncadd.s32 $0xFFFFC180  }
0x174: {  	_ =	swait.ge [sflag:s7], $0x3E80  }
0x175: {  	[sflag:s7] =	ssyncset.done $0x0  }
0x176: {  	[sflag:s7] =	ssyncadd.s32 $0xFFFFC180  }
0x177: {  	[tilespmem:s8], [sflag:$0x2] =	stream.indirect.gather [hbm4b:s0+s5], $0x80, s20, s5, $0xb8;
	[tilespmem:$0x1C880] =	vst v63  }
0x178: {  	_ = 	snop  }
0x179: {  	[spmem:s3] =	stream.indirect.scatter.add.f32 [tilespmem:s6], [sflag:$0x3], $0x80, s21, s5, $0xb8;
	[tilespmem:$0x1C880] =	vst v63  }
0x17a: {  	_ =	swait.ge [sflag:s1], $0x3E80  }
0x17b: {  	[sflag:s1] =	ssyncset.done $0x0  }
0x17c: {  	[sflag:s1] =	ssyncadd.s32 $0xFFFFC180  }
0x17d: {  	_ =	swait.ge [sflag:s9], $0x3E80  }
0x17e: {  	[sflag:s9] =	ssyncset.done $0x0  }
0x17f: {  	[sflag:s9] =	ssyncadd.s32 $0xFFFFC180  }
0x180: {  	[tilespmem:s6], [sflag:$0x1] =	stream.indirect.gather [hbm4b:s0+s5], $0x80, s22, s5, $0xb8;
	[tilespmem:$0x1C880] =	vst v63  }
0x181: {  	_ = 	snop  }
0x182: {  	[spmem:s3] =	stream.indirect.scatter.add.f32 [tilespmem:s8], [sflag:$0x3], $0x80, s24, s5, $0xb8;
	[tilespmem:$0x1C880] =	vst v63  }
0x183: {  	_ =	swait.ge [sflag:s1], $0x3E80  }
0x184: {  	[sflag:s1] =	ssyncset.done $0x0  }
0x185: {  	[sflag:s1] =	ssyncadd.s32 $0xFFFFC180  }
0x186: {  	_ =	swait.ge [sflag:s7], $0x3E80  }
0x187: {  	[sflag:s7] =	ssyncset.done $0x0  }
0x188: {  	[sflag:s7] =	ssyncadd.s32 $0xFFFFC180  }
0x189: {  	[tilespmem:s8], [sflag:$0x2] =	stream.indirect.gather [hbm4b:s0+s5], $0x80, s25, s5, $0xb8;
	[tilespmem:$0x1C880] =	vst v63  }
0x18a: {  	_ = 	snop  }
0x18b: {  	[spmem:s3] =	stream.indirect.scatter.add.f32 [tilespmem:s6], [sflag:$0x3], $0x80, s26, s5, $0xb8;
	[tilespmem:$0x1C880] =	vst v63  }
0x18c: {  	_ =	swait.ge [sflag:s1], $0x3E80  }
0x18d: {  	[sflag:s1] =	ssyncset.done $0x0  }
0x18e: {  	[sflag:s1] =	ssyncadd.s32 $0xFFFFC180  }
0x18f: {  	p1 =	sne.s32 s31, $0x400;
	_ =	swait.ge [sflag:s9], $0x3E80  }
.Ltmp0:
0x190: {  	[sflag:s9] =	ssyncset.done $0x0;
	(pc) =	sbr.rel @p1 .LBB2_2-.Ltmp0, $4  }
0x191: {  	[sflag:s9] =	ssyncadd.s32 $0xFFFFC180  }
0x192: {  	[spmem:s3] =	stream.indirect.scatter.add.f32 [tilespmem:s8], [sflag:$0x3], $0x80, s28, s5, $0xb8;
	[tilespmem:$0x1C880] =	vst v63  }
0x193: {  	_ =	swait.ge [sflag:s1], $0x3E80  }
0x194: {  	s31 =	sadd.s32 $0x100, s31;
	s29 =	rddreg [dreg:$0x5];
	[sflag:s1] =	ssyncset.done $0x0  }
0x195: {  	[sflag:s1] =	ssyncadd.s32 $0xFFFFC180;
	s23 =	sadd.s32 s30, s29  }
0x196: {  	[tilespmem:s4], [sflag:$0x3] =	stream.linear.gather [hbm4b:s23+s4], $0x800, $0x38;
	[tilespmem:$0x1C880] =	vst v63  }
0x197: {  	_ =	swait.ge [sflag:s1], $0x800  }
0x198: {  	s29 =	rddreg [dreg:$0x6];
	[sflag:s1] =	ssyncset.done $0x0  }
0x199: {  	[sflag:s1] =	ssyncadd.s32 $0xFFFFF800;
	s23 =	sadd.s32 s30, s29  }
0x19a: {  	[tilespmem:s2], [sflag:$0x3] =	stream.linear.gather [hbm4b:s23+s4], $0x800, $0x38;
	[tilespmem:$0x1C880] =	vst v63  }
0x19b: {  	_ =	swait.ge [sflag:s1], $0x800  }
0x19c: {  	[sflag:s1] =	ssyncset.done $0x0  }
0x19d: {  	[sflag:s1] =	ssyncadd.s32 $0xFFFFF800  }
0x19e: {  	[tilespmem:s6], [sflag:$0x1] =	stream.indirect.gather [hbm4b:s0+s5], $0x80, s4, s5, $0xb8;
	[tilespmem:$0x1C880] =	vst v63  }
0x19f: {  	_ =	swait.ge [sflag:s7], $0x3E80  }
0x1a0: {  	[sflag:s7] =	ssyncset.done $0x0  }
0x1a1: {  	s29 =	rddreg [dreg:$0x7];
	[sflag:s7] =	ssyncadd.s32 $0xFFFFC180  }
0x1a2: {  	[tilespmem:s8], [sflag:$0x2] =	stream.indirect.gather [hbm4b:s0+s5], $0x80, s29, s5, $0xb8;
	[tilespmem:$0x1C880] =	vst v63  }
0x1a3: {  	_ = 	snop  }
0x1a4: {  	[spmem:s3] =	stream.indirect.scatter.add.f32 [tilespmem:s6], [sflag:$0x3], $0x80, s2, s5, $0xb8;
	[tilespmem:$0x1C880] =	vst v63  }
0x1a5: {  	_ =	swait.ge [sflag:s1], $0x3E80  }
0x1a6: {  	[sflag:s1] =	ssyncset.done $0x0  }
0x1a7: {  	[sflag:s1] =	ssyncadd.s32 $0xFFFFC180  }
0x1a8: {  	_ =	swait.ge [sflag:s9], $0x3E80  }
0x1a9: {  	[sflag:s9] =	ssyncset.done $0x0  }
0x1aa: {  	s23 =	rddreg [dreg:$0x8];
	[sflag:s9] =	ssyncadd.s32 $0xFFFFC180  }
0x1ab: {  	[tilespmem:s6], [sflag:$0x1] =	stream.indirect.gather [hbm4b:s0+s5], $0x80, s23, s5, $0xb8;
	[tilespmem:$0x1C880] =	vst v63  }
0x1ac: {  	s29 =	rddreg [dreg:$0x9]  }
0x1ad: {  	[spmem:s3] =	stream.indirect.scatter.add.f32 [tilespmem:s8], [sflag:$0x3], $0x80, s29, s5, $0xb8;
	[tilespmem:$0x1C880] =	vst v63  }
0x1ae: {  	_ =	swait.ge [sflag:s1], $0x3E80  }
0x1af: {  	[sflag:s1] =	ssyncset.done $0x0  }
0x1b0: {  	[sflag:s1] =	ssyncadd.s32 $0xFFFFC180  }
0x1b1: {  	_ =	swait.ge [sflag:s7], $0x3E80  }
0x1b2: {  	[sflag:s7] =	ssyncset.done $0x0  }
0x1b3: {  	s23 =	rddreg [dreg:$0xa];
	[sflag:s7] =	ssyncadd.s32 $0xFFFFC180  }
0x1b4: {  	[tilespmem:s8], [sflag:$0x2] =	stream.indirect.gather [hbm4b:s0+s5], $0x80, s23, s5, $0xb8;
	[tilespmem:$0x1C880] =	vst v63  }
0x1b5: {  	s29 =	rddreg [dreg:$0xb]  }
0x1b6: {  	[spmem:s3] =	stream.indirect.scatter.add.f32 [tilespmem:s6], [sflag:$0x3], $0x80, s29, s5, $0xb8;
	[tilespmem:$0x1C880] =	vst v63  }
0x1b7: {  	_ =	swait.ge [sflag:s1], $0x3E80  }
0x1b8: {  	[sflag:s1] =	ssyncset.done $0x0  }
0x1b9: {  	[sflag:s1] =	ssyncadd.s32 $0xFFFFC180  }
0x1ba: {  	_ =	swait.ge [sflag:s9], $0x3E80  }
0x1bb: {  	[sflag:s9] =	ssyncset.done $0x0  }
0x1bc: {  	s23 =	rddreg [dreg:$0xc];
	[sflag:s9] =	ssyncadd.s32 $0xFFFFC180  }
0x1bd: {  	[tilespmem:s6], [sflag:$0x1] =	stream.indirect.gather [hbm4b:s0+s5], $0x80, s23, s5, $0xb8;
	[tilespmem:$0x1C880] =	vst v63  }
0x1be: {  	s29 =	rddreg [dreg:$0xd]  }
0x1bf: {  	[spmem:s3] =	stream.indirect.scatter.add.f32 [tilespmem:s8], [sflag:$0x3], $0x80, s29, s5, $0xb8;
	[tilespmem:$0x1C880] =	vst v63  }
0x1c0: {  	_ =	swait.ge [sflag:s1], $0x3E80  }
0x1c1: {  	[sflag:s1] =	ssyncset.done $0x0  }
0x1c2: {  	[sflag:s1] =	ssyncadd.s32 $0xFFFFC180  }
0x1c3: {  	_ =	swait.ge [sflag:s7], $0x3E80  }
0x1c4: {  	[sflag:s7] =	ssyncset.done $0x0  }
0x1c5: {  	s23 =	rddreg [dreg:$0xe];
	[sflag:s7] =	ssyncadd.s32 $0xFFFFC180  }
0x1c6: {  	[tilespmem:s8], [sflag:$0x2] =	stream.indirect.gather [hbm4b:s0+s5], $0x80, s23, s5, $0xb8;
	[tilespmem:$0x1C880] =	vst v63  }
0x1c7: {  	s29 =	rddreg [dreg:$0xf]  }
0x1c8: {  	[spmem:s3] =	stream.indirect.scatter.add.f32 [tilespmem:s6], [sflag:$0x3], $0x80, s29, s5, $0xb8;
	[tilespmem:$0x1C880] =	vst v63  }
0x1c9: {  	_ =	swait.ge [sflag:s1], $0x3E80  }
0x1ca: {  	[sflag:s1] =	ssyncset.done $0x0  }
0x1cb: {  	[sflag:s1] =	ssyncadd.s32 $0xFFFFC180  }
0x1cc: {  	_ =	swait.ge [sflag:s9], $0x3E80  }
0x1cd: {  	[sflag:s9] =	ssyncset.done $0x0  }
0x1ce: {  	s23 =	rddreg [dreg:$0x10];
	[sflag:s9] =	ssyncadd.s32 $0xFFFFC180  }
0x1cf: {  	[tilespmem:s6], [sflag:$0x1] =	stream.indirect.gather [hbm4b:s0+s5], $0x80, s23, s5, $0xb8;
	[tilespmem:$0x1C880] =	vst v63  }
0x1d0: {  	s29 =	rddreg [dreg:$0x11]  }
0x1d1: {  	[spmem:s3] =	stream.indirect.scatter.add.f32 [tilespmem:s8], [sflag:$0x3], $0x80, s29, s5, $0xb8;
	[tilespmem:$0x1C880] =	vst v63  }
0x1d2: {  	_ =	swait.ge [sflag:s1], $0x3E80  }
0x1d3: {  	[sflag:s1] =	ssyncset.done $0x0  }
0x1d4: {  	[sflag:s1] =	ssyncadd.s32 $0xFFFFC180  }
0x1d5: {  	_ =	swait.ge [sflag:s7], $0x3E80  }
0x1d6: {  	[sflag:s7] =	ssyncset.done $0x0  }
0x1d7: {  	s23 =	rddreg [dreg:$0x12];
	[sflag:s7] =	ssyncadd.s32 $0xFFFFC180  }
0x1d8: {  	[tilespmem:s8], [sflag:$0x2] =	stream.indirect.gather [hbm4b:s0+s5], $0x80, s23, s5, $0xb8;
	[tilespmem:$0x1C880] =	vst v63  }
0x1d9: {  	s29 =	rddreg [dreg:$0x13]  }
0x1da: {  	[spmem:s3] =	stream.indirect.scatter.add.f32 [tilespmem:s6], [sflag:$0x3], $0x80, s29, s5, $0xb8;
	[tilespmem:$0x1C880] =	vst v63  }
0x1db: {  	_ =	swait.ge [sflag:s1], $0x3E80  }
0x1dc: {  	[sflag:s1] =	ssyncset.done $0x0  }
0x1dd: {  	[sflag:s1] =	ssyncadd.s32 $0xFFFFC180  }
0x1de: {  	_ =	swait.ge [sflag:s9], $0x3E80  }
0x1df: {  	[sflag:s9] =	ssyncset.done $0x0  }
0x1e0: {  	[sflag:s9] =	ssyncadd.s32 $0xFFFFC180  }
0x1e1: {  	[tilespmem:s6], [sflag:$0x1] =	stream.indirect.gather [hbm4b:s0+s5], $0x80, s10, s5, $0xb8;
	[tilespmem:$0x1C880] =	vst v63  }
0x1e2: {  	_ = 	snop  }
0x1e3: {  	[spmem:s3] =	stream.indirect.scatter.add.f32 [tilespmem:s8], [sflag:$0x3], $0x80, s11, s5, $0xb8;
	[tilespmem:$0x1C880] =	vst v63  }
0x1e4: {  	_ =	swait.ge [sflag:s1], $0x3E80  }
0x1e5: {  	[sflag:s1] =	ssyncset.done $0x0  }
0x1e6: {  	[sflag:s1] =	ssyncadd.s32 $0xFFFFC180  }
0x1e7: {  	_ =	swait.ge [sflag:s7], $0x3E80  }
0x1e8: {  	[sflag:s7] =	ssyncset.done $0x0  }
0x1e9: {  	[sflag:s7] =	ssyncadd.s32 $0xFFFFC180  }
0x1ea: {  	[tilespmem:s8], [sflag:$0x2] =	stream.indirect.gather [hbm4b:s0+s5], $0x80, s12, s5, $0xb8;
	[tilespmem:$0x1C880] =	vst v63  }
0x1eb: {  	_ = 	snop  }
0x1ec: {  	[spmem:s3] =	stream.indirect.scatter.add.f32 [tilespmem:s6], [sflag:$0x3], $0x80, s13, s5, $0xb8;
	[tilespmem:$0x1C880] =	vst v63  }
0x1ed: {  	_ =	swait.ge [sflag:s1], $0x3E80  }
0x1ee: {  	[sflag:s1] =	ssyncset.done $0x0  }
0x1ef: {  	[sflag:s1] =	ssyncadd.s32 $0xFFFFC180  }
0x1f0: {  	_ =	swait.ge [sflag:s9], $0x3E80  }
0x1f1: {  	[sflag:s9] =	ssyncset.done $0x0  }
0x1f2: {  	[sflag:s9] =	ssyncadd.s32 $0xFFFFC180  }
0x1f3: {  	[tilespmem:s6], [sflag:$0x1] =	stream.indirect.gather [hbm4b:s0+s5], $0x80, s14, s5, $0xb8;
	[tilespmem:$0x1C880] =	vst v63  }
0x1f4: {  	_ = 	snop  }
0x1f5: {  	[spmem:s3] =	stream.indirect.scatter.add.f32 [tilespmem:s8], [sflag:$0x3], $0x80, s15, s5, $0xb8;
	[tilespmem:$0x1C880] =	vst v63  }
0x1f6: {  	_ =	swait.ge [sflag:s1], $0x3E80  }
0x1f7: {  	[sflag:s1] =	ssyncset.done $0x0  }
0x1f8: {  	[sflag:s1] =	ssyncadd.s32 $0xFFFFC180  }
0x1f9: {  	_ =	swait.ge [sflag:s7], $0x3E80  }
0x1fa: {  	[sflag:s7] =	ssyncset.done $0x0  }
0x1fb: {  	[sflag:s7] =	ssyncadd.s32 $0xFFFFC180  }
0x1fc: {  	[tilespmem:s8], [sflag:$0x2] =	stream.indirect.gather [hbm4b:s0+s5], $0x80, s16, s5, $0xb8;
	[tilespmem:$0x1C880] =	vst v63  }
0x1fd: {  	_ = 	snop  }
0x1fe: {  	[spmem:s3] =	stream.indirect.scatter.add.f32 [tilespmem:s6], [sflag:$0x3], $0x80, s17, s5, $0xb8;
	[tilespmem:$0x1C880] =	vst v63  }
0x1ff: {  	_ =	swait.ge [sflag:s1], $0x3E80  }
0x200: {  	[sflag:s1] =	ssyncset.done $0x0  }
0x201: {  	[sflag:s1] =	ssyncadd.s32 $0xFFFFC180  }
0x202: {  	_ =	swait.ge [sflag:s9], $0x3E80  }
0x203: {  	[sflag:s9] =	ssyncset.done $0x0  }
0x204: {  	[sflag:s9] =	ssyncadd.s32 $0xFFFFC180  }
0x205: {  	[tilespmem:s6], [sflag:$0x1] =	stream.indirect.gather [hbm4b:s0+s5], $0x80, s18, s5, $0xb8;
	[tilespmem:$0x1C880] =	vst v63  }
0x206: {  	_ = 	snop  }
0x207: {  	[spmem:s3] =	stream.indirect.scatter.add.f32 [tilespmem:s8], [sflag:$0x3], $0x80, s19, s5, $0xb8;
	[tilespmem:$0x1C880] =	vst v63  }
0x208: {  	_ =	swait.ge [sflag:s1], $0x3E80  }
0x209: {  	[sflag:s1] =	ssyncset.done $0x0  }
0x20a: {  	[sflag:s1] =	ssyncadd.s32 $0xFFFFC180  }
0x20b: {  	_ =	swait.ge [sflag:s7], $0x3E80  }
0x20c: {  	[sflag:s7] =	ssyncset.done $0x0  }
0x20d: {  	[sflag:s7] =	ssyncadd.s32 $0xFFFFC180  }
0x20e: {  	[tilespmem:s8], [sflag:$0x2] =	stream.indirect.gather [hbm4b:s0+s5], $0x80, s20, s5, $0xb8;
	[tilespmem:$0x1C880] =	vst v63  }
0x20f: {  	_ = 	snop  }
0x210: {  	[spmem:s3] =	stream.indirect.scatter.add.f32 [tilespmem:s6], [sflag:$0x3], $0x80, s21, s5, $0xb8;
	[tilespmem:$0x1C880] =	vst v63  }
0x211: {  	_ =	swait.ge [sflag:s1], $0x3E80  }
0x212: {  	[sflag:s1] =	ssyncset.done $0x0  }
0x213: {  	[sflag:s1] =	ssyncadd.s32 $0xFFFFC180  }
0x214: {  	_ =	swait.ge [sflag:s9], $0x3E80  }
0x215: {  	[sflag:s9] =	ssyncset.done $0x0  }
0x216: {  	[sflag:s9] =	ssyncadd.s32 $0xFFFFC180  }
0x217: {  	[tilespmem:s6], [sflag:$0x1] =	stream.indirect.gather [hbm4b:s0+s5], $0x80, s22, s5, $0xb8;
	[tilespmem:$0x1C880] =	vst v63  }
0x218: {  	_ = 	snop  }
0x219: {  	[spmem:s3] =	stream.indirect.scatter.add.f32 [tilespmem:s8], [sflag:$0x3], $0x80, s24, s5, $0xb8;
	[tilespmem:$0x1C880] =	vst v63  }
0x21a: {  	_ =	swait.ge [sflag:s1], $0x3E80  }
0x21b: {  	[sflag:s1] =	ssyncset.done $0x0  }
0x21c: {  	[sflag:s1] =	ssyncadd.s32 $0xFFFFC180  }
0x21d: {  	_ =	swait.ge [sflag:s7], $0x3E80  }
0x21e: {  	[sflag:s7] =	ssyncset.done $0x0  }
0x21f: {  	[sflag:s7] =	ssyncadd.s32 $0xFFFFC180  }
0x220: {  	[tilespmem:s8], [sflag:$0x2] =	stream.indirect.gather [hbm4b:s0+s5], $0x80, s25, s5, $0xb8;
	[tilespmem:$0x1C880] =	vst v63  }
0x221: {  	_ = 	snop  }
0x222: {  	[spmem:s3] =	stream.indirect.scatter.add.f32 [tilespmem:s6], [sflag:$0x3], $0x80, s26, s5, $0xb8;
	[tilespmem:$0x1C880] =	vst v63  }
0x223: {  	_ =	swait.ge [sflag:s1], $0x3E80  }
0x224: {  	[sflag:s1] =	ssyncset.done $0x0  }
0x225: {  	[sflag:s1] =	ssyncadd.s32 $0xFFFFC180  }
0x226: {  	_ =	swait.ge [sflag:s9], $0x3E80  }
0x227: {  	[sflag:s9] =	ssyncset.done $0x0  }
0x228: {  	[sflag:s9] =	ssyncadd.s32 $0xFFFFC180  }
0x229: {  	[spmem:s3] =	stream.indirect.scatter.add.f32 [tilespmem:s8], [sflag:$0x3], $0x80, s28, s5, $0xb8;
	[tilespmem:$0x1C880] =	vst v63  }
0x22a: {  	_ =	swait.ge [sflag:s1], $0x3E80  }
0x22b: {  	[sflag:s1] =	ssyncset.done $0x0  }
0x22c: {  	[sflag:s1] =	ssyncadd.s32 $0xFFFFC180  }
0x22d: {  	[bflag:$0x0] =	sbarrier.arrive $0xFFFF  }
0x22e: {  	s30 =	sld [smem:$0x7FD]  }
0x22f: {  	s29 =	sld [smem:$0x7E8];
	_ =	sdelay $0x1  }
0x230: {  	s23 =	rddreg [dreg:$0x1c]  }
0x231: {  	[hbm:s23], [sflag:s30] =	dma.local [spmem:s29], $0x500  }
0x232: {  	_ =	swait.ge [sflag:s1], $0x500  }
0x233: {  	s29 =	sld [smem:$0x7E9]  }
0x234: {  	[sflag:s1] =	ssyncset.done $0x0  }
0x235: {  	s23 =	rddreg [dreg:$0x1d];
	[sflag:s1] =	ssyncadd.s32 $0xFFFFFB00  }
0x236: {  	[hbm:s23], [sflag:s30] =	dma.local [spmem:s29], $0x500  }
0x237: {  	_ =	swait.ge [sflag:s1], $0x500  }
0x238: {  	s29 =	sld [smem:$0x7EA]  }
0x239: {  	[sflag:s1] =	ssyncset.done $0x0  }
0x23a: {  	s23 =	rddreg [dreg:$0x1e];
	[sflag:s1] =	ssyncadd.s32 $0xFFFFFB00  }
0x23b: {  	[hbm:s23], [sflag:s30] =	dma.local [spmem:s29], $0x500  }
0x23c: {  	_ =	swait.ge [sflag:s1], $0x500  }
0x23d: {  	s29 =	sld [smem:$0x7EB]  }
0x23e: {  	[sflag:s1] =	ssyncset.done $0x0  }
0x23f: {  	s23 =	rddreg [dreg:$0x1f];
	[sflag:s1] =	ssyncadd.s32 $0xFFFFFB00  }
0x240: {  	[hbm:s23], [sflag:s30] =	dma.local [spmem:s29], $0x500  }
0x241: {  	_ =	swait.ge [sflag:s1], $0x500  }
0x242: {  	s23 =	sld [smem:$0x7F0]  }
0x243: {  	s29 =	sld [smem:$0x7EC]  }
0x244: {  	[sflag:s1] =	ssyncset.done $0x0  }
0x245: {  	[sflag:s1] =	ssyncadd.s32 $0xFFFFFB00  }
0x246: {  	[hbm:s23], [sflag:s30] =	dma.local [spmem:s29], $0x500  }
0x247: {  	_ =	swait.ge [sflag:s1], $0x500  }
0x248: {  	s23 =	sld [smem:$0x7F1]  }
0x249: {  	s29 =	sld [smem:$0x7ED]  }
0x24a: {  	[sflag:s1] =	ssyncset.done $0x0  }
0x24b: {  	[sflag:s1] =	ssyncadd.s32 $0xFFFFFB00  }
0x24c: {  	[hbm:s23], [sflag:s30] =	dma.local [spmem:s29], $0x500  }
0x24d: {  	_ =	swait.ge [sflag:s1], $0x500  }
0x24e: {  	s23 =	sld [smem:$0x7F2]  }
0x24f: {  	s29 =	sld [smem:$0x7EE]  }
0x250: {  	[sflag:s1] =	ssyncset.done $0x0  }
0x251: {  	[sflag:s1] =	ssyncadd.s32 $0xFFFFFB00  }
0x252: {  	[hbm:s23], [sflag:s30] =	dma.local [spmem:s29], $0x500  }
0x253: {  	_ =	swait.ge [sflag:s1], $0x500  }
0x254: {  	s23 =	sld [smem:$0x7F3]  }
0x255: {  	s29 =	sld [smem:$0x7EF]  }
0x256: {  	[sflag:s1] =	ssyncset.done $0x0  }
0x257: {  	[sflag:s1] =	ssyncadd.s32 $0xFFFFFB00  }
0x258: {  	[hbm:s23], [sflag:s30] =	dma.local @!p0 [spmem:s29], $0x500  }
0x259: {  	s23 =	simm.s32 @!p0 $0x3  }
0x25a: {  	_ =	swait.ge @!p0 [sflag:s23], $0x500  }
0x25b: {  	s31 =	sld [smem:$0x7E7]  }
0x25c: {  	s29 =	sld [smem:$0x7F4];
	_ =	sdelay $0x1  }
0x25d: {  	s31 =	sadd.s32 $0x1, s31  }
0x25e: {  	p1 =	sne.s32 s31, s29  }
.Ltmp1:
0x25f: {  	_ = 	snop;
	(pc) =	sbr.rel @p1 .LBB2_1-.Ltmp1, $3  }
0x260: {  	_ =	sdelay $0x1  }
0x261: {  	[sflag:s23] =	ssyncset.done @!p0 $0x0  }
0x262: {  	[sflag:s23] =	ssyncadd.s32 @!p0 $0xFFFFFB00  }
0x263: {  	_ =	sfence.sel $0x180000  }
0x264: {  	[bflag:$0x0] =	sbarrier.arrive $0xFFFF  }
0x265: {  	_ =	strace $0x9000004A  }
0x266: {  	s0 =	stileid.u32;
	[bflag:$0x2] =	sbarrier.arrive $0xFFFF  }
0x267: {  	p0 =	sne.s32 s0, $0x0;
	s0 =	rddreg [dreg:$0x4]  }
0x268: {  	s0 =	sadd.s32 @!p0 $0x100000, s0  }
0x269: {  	[sflag:s0] =	ssyncadd.tile.s32 @!p0 $0x1;
	_ =	shalt  }
.Lfunc_end2:
_tile_overlayer_lowered:
.L_overlay_start_2:
0x26a: {  	(tag) =	ssettag $0x2  }
0x26b: {  	s0 =	rddreg [dreg:$0x0];
	s2 =	stileid.u32  }
0x26c: {  	s1 =	rddreg [dreg:$0x1];
	p0 =	sne.s32 s2, $0x0  }
0x26d: {  	s3 =	rddreg [dreg:$0x2];
	[bflag:$0x3] =	sbarrier.arrive $0xFFFF;
	s2 =	simm.s32 @!p0 $0x1C03  }
0x26e: {  	[timem:s3], [sflag:s2] =	dma.local @!p0 [hbm:s0], s1  }
0x26f: {  	s0 =	simm.s32 @!p0 $0x3  }
0x270: {  	_ =	swait.ge @!p0 [sflag:s0], s1  }
0x271: {  	s1 =	ssub.s32 @!p0 $0x0, s1;
	[sflag:s0] =	ssyncset.done @!p0 $0x0  }
0x272: {  	[sflag:s0] =	ssyncadd.s32 @!p0 s1  }
0x273: {  	[bflag:$0x3] =	sbarrier.arrive $0xFFFF  }
0x274: {  	_ =	shalt  }

</sc_bundles>
